<compile_context>
chip_gen: v7x
topology: tpu7x:2x2x1
jax: 0.10.2.dev20260603
libtpu: 0.0.44.dev20260713+nightly
codegen_flags: <defaults>
</compile_context>

<pallas_src>
import functools

import jax
import jax.numpy as jnp
from jax import lax
from jax.experimental import pallas as pl
from jax.experimental.pallas import tpu as pltpu
from jax.experimental.pallas import tpu_sc as plsc

_B = 100000
_D = 128
_E = 94
_L = 16
_NW = 32
_CHUNK = 128
_NCHUNK = 25
_BPW = _CHUNK * _NCHUNK
_NB = 3

_mesh = plsc.VectorSubcoreMesh(core_axis_name="c", subcore_axis_name="s")


@functools.partial(
    pl.kernel,
    out_type=jax.ShapeDtypeStruct((_B, _D), jnp.float32),
    mesh=_mesh,
    scratch_types=[
        pltpu.VMEM((_BPW,), jnp.int32),
        pltpu.VMEM_SHARED((_E, _D), jnp.float32),
        pltpu.VMEM((_NB, _CHUNK, _D), jnp.float32),
        pltpu.SemaphoreType.DMA,
        pltpu.SemaphoreType.DMA,
        pltpu.SemaphoreType.DMA,
        pltpu.SemaphoreType.DMA,
        pltpu.SemaphoreType.DMA,
        pltpu.SemaphoreType.DMA,
    ],
)
def _sc_gather(z_hbm, table_hbm, out_hbm, idx_v, table_v, rows_v,
               gsem0, gsem1, gsem2, ssem0, ssem1, ssem2):
    wid = lax.axis_index("s") * 2 + lax.axis_index("c")
    base = jnp.minimum(wid * _BPW, _B - _BPW)

    @pl.when(lax.axis_index("s") == 0)
    def _stage_table():
        pltpu.sync_copy(table_hbm, table_v)

    pltpu.sync_copy(z_hbm.at[pl.ds(base, _BPW)], idx_v)
    plsc.subcore_barrier()

    def sub_chunk(ci):
        def sub1(j, c):
            s = ci * _CHUNK + j * _L
            idx_v[pl.ds(s, _L)] = idx_v[pl.ds(s, _L)] - 1
            return c

        lax.fori_loop(0, _CHUNK // _L, sub1, 0)

    gsems = (gsem0, gsem1, gsem2)
    ssems = (ssem0, ssem1, ssem2)

    def issue_gather(ci):
        return pltpu.async_copy(
            table_v.at[idx_v.at[pl.ds(ci * _CHUNK, _CHUNK)]],
            rows_v.at[ci % _NB],
            gsems[ci % _NB],
        )

    def issue_store(ci):
        return pltpu.async_copy(
            rows_v.at[ci % _NB],
            out_hbm.at[pl.ds(base + ci * _CHUNK, _CHUNK)],
            ssems[ci % _NB],
        )

    gathers = {}
    stores = [None] * _NB
    for ci in range(min(_NB - 1, _NCHUNK)):
        sub_chunk(ci)
        gathers[ci] = issue_gather(ci)
    for ci in range(_NCHUNK):
        nxt = ci + _NB - 1
        if nxt < _NCHUNK:
            if stores[nxt % _NB] is not None:
                stores[nxt % _NB].wait()
            sub_chunk(nxt)
            gathers[nxt] = issue_gather(nxt)
        gathers[ci].wait()
        stores[ci % _NB] = issue_store(ci)
    for b in range(_NB):
        if stores[b] is not None:
            stores[b].wait()


def kernel(z, embeddings):
    return _sc_gather(z, embeddings)

# --- scband reference (transcript-rebuilt; emitter-appended) ---
"""Pipeline reference for scband-atom-embedding-34797825032830 (READ-ONLY COPY).

The authoritative reference and input builder live on the scoring server;
editing this copy changes nothing except your own understanding.
"""

import jax, jax.numpy as jnp
import numpy as np

NUM_ATOMS = 100000
EMB_SIZE = 128
NUM_ELEMENTS = 94


def setup_inputs(seed: int = 0) -> dict:
    key = jax.random.key(seed)
    k1, k2 = jax.random.split(key)
    # Atomic numbers are 1-indexed (1..num_elements); module internally uses z - 1.
    z = jax.random.randint(k1, (NUM_ATOMS,), 1, NUM_ELEMENTS + 1, dtype=jnp.int32)
    # Embedding table initialized uniform in [-sqrt(3), sqrt(3)] as in reset_parameters().
    embeddings = jax.random.uniform(
        k2, (NUM_ELEMENTS, EMB_SIZE), minval=-np.sqrt(3.0), maxval=np.sqrt(3.0), dtype=jnp.float32
    )
    return {"z": z, "embeddings": embeddings}


def reference(z, embeddings):
    # h = self.embeddings(z - 1)
    h = jnp.take(embeddings, z - 1, axis=0)
    return h

if __name__ == "__main__":
    import jax
    _d = setup_inputs()
    print(jax.jit(kernel)(*tuple(_d.values())))

</pallas_src>

<mosaic_0001>
#map = affine_map<(d0, d1) -> (0)>
#map1 = affine_map<(d0, d1) -> (0, 0)>
module attributes {stable_mosaic.version = 14 : i64} {
  func.func @_sc_gather(%arg0: i32, %arg1: i32, %arg2: memref<100000xi32, #tpu.memory_space<hbm>>, %arg3: memref<94x128xf32, #tpu.memory_space<hbm>>, %arg4: memref<100000x128xf32, #tpu.memory_space<hbm>>, %arg5: memref<3200xi32, #tpu.memory_space<vmem>>, %arg6: memref<94x128xf32, #tpu.memory_space<vmem_shared>>, %arg7: memref<3x128x128xf32, #tpu.memory_space<vmem>>, %arg8: memref<!tpu.dma_semaphore, #tpu.memory_space<semaphore_mem>>, %arg9: memref<!tpu.dma_semaphore, #tpu.memory_space<semaphore_mem>>, %arg10: memref<!tpu.dma_semaphore, #tpu.memory_space<semaphore_mem>>, %arg11: memref<!tpu.dma_semaphore, #tpu.memory_space<semaphore_mem>>, %arg12: memref<!tpu.dma_semaphore, #tpu.memory_space<semaphore_mem>>, %arg13: memref<!tpu.dma_semaphore, #tpu.memory_space<semaphore_mem>>) attributes {dimension_semantics = [#tpu.dimension_semantics<core_parallel>, #tpu.dimension_semantics<subcore_parallel>], iteration_bounds = array<i64: 2, 16>, scalar_prefetch = 0 : i64, scratch_operands = 9 : i64, tpu.core_type = #tpu.core_type<sc_vector_subcore>, window_params = [{transform_indices = #map}, {transform_indices = #map1}, {transform_indices = #map1}]} {
    %mul3A = arith.constant 2 : i32
    %mul3A_0 = arith.muli %arg1, %mul3A : i32
    %add3A = arith.addi %mul3A_0, %arg0 : i32
    %mul3A_1 = arith.constant 3200 : i32
    %mul3A_2 = arith.muli %add3A, %mul3A_1 : i32
    %min3A = arith.constant 96800 : i32
    %min3A_3 = arith.minsi %mul3A_2, %min3A : i32
    %eq3A = arith.constant 0 : i32
    %eq3A_4 = arith.cmpi eq, %arg1, %eq3A : i32
    %convert_element_type3A = arith.extui %eq3A_4 : i1 to i32
    %cond3A = arith.constant 0 : i32
    %cond3A_5 = arith.cmpi ne, %convert_element_type3A, %cond3A : i32
    scf.if %cond3A_5 {
      "tpu.region"() ({
        %run_scoped3A = tpu.sem_alloc : memref<!tpu.dma_semaphore, #tpu.memory_space<semaphore_mem>>
        tpu.enqueue_dma source(%arg3 : memref<94x128xf32, #tpu.memory_space<hbm>>) target(%arg6 : memref<94x128xf32, #tpu.memory_space<vmem_shared>>) target_semaphore(%run_scoped3A : memref<!tpu.dma_semaphore, #tpu.memory_space<semaphore_mem>>)
        tpu.wait_dma2 semaphore(%run_scoped3A : memref<!tpu.dma_semaphore, #tpu.memory_space<semaphore_mem>>) src(%arg3 : memref<94x128xf32, #tpu.memory_space<hbm>>) dst(%arg6 : memref<94x128xf32, #tpu.memory_space<vmem_shared>>)
        tpu.yield
      }) : () -> ()
    } else {
    }
    "tpu.region"() ({
      %run_scoped3A = tpu.sem_alloc : memref<!tpu.dma_semaphore, #tpu.memory_space<semaphore_mem>>
      %dma_start3A_1353 = tpu.memref_slice %arg2[%min3A_3] : memref<100000xi32, #tpu.memory_space<hbm>> -> memref<3200xi32, #tpu.memory_space<hbm>>
      %dma_start3A_1354 = tpu.memref_slice %arg2[%min3A_3] : memref<100000xi32, #tpu.memory_space<hbm>> -> memref<3200xi32, #tpu.memory_space<hbm>>
      tpu.enqueue_dma source(%dma_start3A_1354 : memref<3200xi32, #tpu.memory_space<hbm>>) target(%arg5 : memref<3200xi32, #tpu.memory_space<vmem>>) target_semaphore(%run_scoped3A : memref<!tpu.dma_semaphore, #tpu.memory_space<semaphore_mem>>)
      %dma_wait3A_1355 = tpu.memref_slice %arg2[%min3A_3] : memref<100000xi32, #tpu.memory_space<hbm>> -> memref<3200xi32, #tpu.memory_space<hbm>>
      %dma_wait3A_1356 = tpu.memref_slice %arg2[%min3A_3] : memref<100000xi32, #tpu.memory_space<hbm>> -> memref<3200xi32, #tpu.memory_space<hbm>>
      tpu.wait_dma2 semaphore(%run_scoped3A : memref<!tpu.dma_semaphore, #tpu.memory_space<semaphore_mem>>) src(%dma_wait3A_1356 : memref<3200xi32, #tpu.memory_space<hbm>>) dst(%arg5 : memref<3200xi32, #tpu.memory_space<vmem>>)
      tpu.yield
    }) : () -> ()
    %barrier3A = arith.constant 0 : index
    tpu.barrier barrier_id(%barrier3A)
    %scan3A = arith.constant 0 : i32
    %scan3A_6 = arith.constant 0 : i32
    %scan3A_7 = arith.constant 8 : i32
    %scan3A_8 = arith.addi %scan3A_6, %scan3A_7 : i32
    %scan3A_9 = arith.constant 1 : i32
    scf.for %scan3A_1353 = %scan3A_6 to %scan3A_8 step %scan3A_9  : i32 {
      %mul3A_1354 = arith.constant 16 : i32
      %mul3A_1355 = arith.muli %scan3A_1353, %mul3A_1354 : i32
      %add3A_1356 = arith.constant 0 : i32
      %add3A_1357 = arith.addi %add3A_1356, %mul3A_1355 : i32
      %get3A = arith.index_cast %add3A_1357 : i32 to index
      %get3A_1358 = tpu.vector_load %arg5[%get3A] {strides = array<i32>} : memref<3200xi32, #tpu.memory_space<vmem>>, vector<16xi32>,
      %get3A_1359 = vector.shape_cast %get3A_1358 : vector<16xi32> to vector<16xi32>
      %sub3A = arith.constant 1 : i32
      %sub3A_1360 = vector.broadcast %sub3A : i32 to vector<16xi32>
      %sub3A_1361 = arith.subi %get3A_1359, %sub3A_1360 : vector<16xi32>
      %swap3A = arith.index_cast %add3A_1357 : i32 to index
      %swap3A_1362 = tpu.vector_load %arg5[%swap3A] {strides = array<i32>} : memref<3200xi32, #tpu.memory_space<vmem>>, vector<16xi32>,
      %swap3A_1363 = vector.shape_cast %swap3A_1362 : vector<16xi32> to vector<16xi32>
      %swap3A_1364 = vector.shape_cast %sub3A_1361 : vector<16xi32> to vector<16xi32>
      tpu.vector_store %arg5[%swap3A], %swap3A_1364 {strides = array<i32>} : memref<3200xi32, #tpu.memory_space<vmem>>, vector<16xi32>,
    }
    %scan3A_10 = arith.constant 8 : i32
    %dma_start3A = arith.constant 0 : i32
    %dma_start3A_11 = arith.constant 0 : i32
    %dma_start3A_12 = arith.constant 0 : i32
    %dma_start3A_13 = tpu.memref_slice %arg7[%dma_start3A, %dma_start3A_11, %dma_start3A_12] : memref<3x128x128xf32, #tpu.memory_space<vmem>> -> memref<1x128x128xf32, #tpu.memory_space<vmem>>
    %dma_start3A_14 = tpu.memref_squeeze %dma_start3A_13 : memref<1x128x128xf32, #tpu.memory_space<vmem>> -> memref<128x128xf32, #tpu.memory_space<vmem>>
    %dma_start3A_15 = arith.constant 0 : i32
    %dma_start3A_16 = tpu.memref_slice %arg5[%dma_start3A_15] : memref<3200xi32, #tpu.memory_space<vmem>> -> memref<128xi32, #tpu.memory_space<vmem>>
    %dma_start3A_17 = arith.constant 0 : i32
    %dma_start3A_18 = arith.constant 0 : i32
    %dma_start3A_19 = tpu.memref_slice %arg6[%dma_start3A_17, %dma_start3A_18] : memref<94x128xf32, #tpu.memory_space<vmem_shared>> -> memref<94x128xf32, #tpu.memory_space<vmem_shared>>
    tpu.enqueue_indirect_dma source(%dma_start3A_19 : memref<94x128xf32, #tpu.memory_space<vmem_shared>>) target(%dma_start3A_14 : memref<128x128xf32, #tpu.memory_space<vmem>>) offsets(%dma_start3A_16 : memref<128xi32, #tpu.memory_space<vmem>>) semaphore(%arg8 : memref<!tpu.dma_semaphore, #tpu.memory_space<semaphore_mem>>)
    %scan3A_20 = arith.constant 0 : i32
    %scan3A_21 = arith.constant 0 : i32
    %scan3A_22 = arith.constant 8 : i32
    %scan3A_23 = arith.addi %scan3A_21, %scan3A_22 : i32
    %scan3A_24 = arith.constant 1 : i32
    scf.for %scan3A_1353 = %scan3A_21 to %scan3A_23 step %scan3A_24  : i32 {
      %mul3A_1354 = arith.constant 16 : i32
      %mul3A_1355 = arith.muli %scan3A_1353, %mul3A_1354 : i32
      %add3A_1356 = arith.constant 128 : i32
      %add3A_1357 = arith.addi %add3A_1356, %mul3A_1355 : i32
      %get3A = arith.index_cast %add3A_1357 : i32 to index
      %get3A_1358 = tpu.vector_load %arg5[%get3A] {strides = array<i32>} : memref<3200xi32, #tpu.memory_space<vmem>>, vector<16xi32>,
      %get3A_1359 = vector.shape_cast %get3A_1358 : vector<16xi32> to vector<16xi32>
      %sub3A = arith.constant 1 : i32
      %sub3A_1360 = vector.broadcast %sub3A : i32 to vector<16xi32>
      %sub3A_1361 = arith.subi %get3A_1359, %sub3A_1360 : vector<16xi32>
      %swap3A = arith.index_cast %add3A_1357 : i32 to index
      %swap3A_1362 = tpu.vector_load %arg5[%swap3A] {strides = array<i32>} : memref<3200xi32, #tpu.memory_space<vmem>>, vector<16xi32>,
      %swap3A_1363 = vector.shape_cast %swap3A_1362 : vector<16xi32> to vector<16xi32>
      %swap3A_1364 = vector.shape_cast %sub3A_1361 : vector<16xi32> to vector<16xi32>
      tpu.vector_store %arg5[%swap3A], %swap3A_1364 {strides = array<i32>} : memref<3200xi32, #tpu.memory_space<vmem>>, vector<16xi32>,
    }
    %scan3A_25 = arith.constant 8 : i32
    %dma_start3A_26 = arith.constant 1 : i32
    %dma_start3A_27 = arith.constant 0 : i32
    %dma_start3A_28 = arith.constant 0 : i32
    %dma_start3A_29 = tpu.memref_slice %arg7[%dma_start3A_26, %dma_start3A_27, %dma_start3A_28] : memref<3x128x128xf32, #tpu.memory_space<vmem>> -> memref<1x128x128xf32, #tpu.memory_space<vmem>>
    %dma_start3A_30 = tpu.memref_squeeze %dma_start3A_29 : memref<1x128x128xf32, #tpu.memory_space<vmem>> -> memref<128x128xf32, #tpu.memory_space<vmem>>
    %dma_start3A_31 = arith.constant 128 : i32
    %dma_start3A_32 = tpu.memref_slice %arg5[%dma_start3A_31] : memref<3200xi32, #tpu.memory_space<vmem>> -> memref<128xi32, #tpu.memory_space<vmem>>
    %dma_start3A_33 = arith.constant 0 : i32
    %dma_start3A_34 = arith.constant 0 : i32
    %dma_start3A_35 = tpu.memref_slice %arg6[%dma_start3A_33, %dma_start3A_34] : memref<94x128xf32, #tpu.memory_space<vmem_shared>> -> memref<94x128xf32, #tpu.memory_space<vmem_shared>>
    tpu.enqueue_indirect_dma source(%dma_start3A_35 : memref<94x128xf32, #tpu.memory_space<vmem_shared>>) target(%dma_start3A_30 : memref<128x128xf32, #tpu.memory_space<vmem>>) offsets(%dma_start3A_32 : memref<128xi32, #tpu.memory_space<vmem>>) semaphore(%arg9 : memref<!tpu.dma_semaphore, #tpu.memory_space<semaphore_mem>>)
    %scan3A_36 = arith.constant 0 : i32
    %scan3A_37 = arith.constant 0 : i32
    %scan3A_38 = arith.constant 8 : i32
    %scan3A_39 = arith.addi %scan3A_37, %scan3A_38 : i32
    %scan3A_40 = arith.constant 1 : i32
    scf.for %scan3A_1353 = %scan3A_37 to %scan3A_39 step %scan3A_40  : i32 {
      %mul3A_1354 = arith.constant 16 : i32
      %mul3A_1355 = arith.muli %scan3A_1353, %mul3A_1354 : i32
      %add3A_1356 = arith.constant 256 : i32
      %add3A_1357 = arith.addi %add3A_1356, %mul3A_1355 : i32
      %get3A = arith.index_cast %add3A_1357 : i32 to index
      %get3A_1358 = tpu.vector_load %arg5[%get3A] {strides = array<i32>} : memref<3200xi32, #tpu.memory_space<vmem>>, vector<16xi32>,
      %get3A_1359 = vector.shape_cast %get3A_1358 : vector<16xi32> to vector<16xi32>
      %sub3A = arith.constant 1 : i32
      %sub3A_1360 = vector.broadcast %sub3A : i32 to vector<16xi32>
      %sub3A_1361 = arith.subi %get3A_1359, %sub3A_1360 : vector<16xi32>
      %swap3A = arith.index_cast %add3A_1357 : i32 to index
      %swap3A_1362 = tpu.vector_load %arg5[%swap3A] {strides = array<i32>} : memref<3200xi32, #tpu.memory_space<vmem>>, vector<16xi32>,
      %swap3A_1363 = vector.shape_cast %swap3A_1362 : vector<16xi32> to vector<16xi32>
      %swap3A_1364 = vector.shape_cast %sub3A_1361 : vector<16xi32> to vector<16xi32>
      tpu.vector_store %arg5[%swap3A], %swap3A_1364 {strides = array<i32>} : memref<3200xi32, #tpu.memory_space<vmem>>, vector<16xi32>,
    }
    %scan3A_41 = arith.constant 8 : i32
    %dma_start3A_42 = arith.constant 2 : i32
    %dma_start3A_43 = arith.constant 0 : i32
    %dma_start3A_44 = arith.constant 0 : i32
    %dma_start3A_45 = tpu.memref_slice %arg7[%dma_start3A_42, %dma_start3A_43, %dma_start3A_44] : memref<3x128x128xf32, #tpu.memory_space<vmem>> -> memref<1x128x128xf32, #tpu.memory_space<vmem>>
    %dma_start3A_46 = tpu.memref_squeeze %dma_start3A_45 : memref<1x128x128xf32, #tpu.memory_space<vmem>> -> memref<128x128xf32, #tpu.memory_space<vmem>>
    %dma_start3A_47 = arith.constant 256 : i32
    %dma_start3A_48 = tpu.memref_slice %arg5[%dma_start3A_47] : memref<3200xi32, #tpu.memory_space<vmem>> -> memref<128xi32, #tpu.memory_space<vmem>>
    %dma_start3A_49 = arith.constant 0 : i32
    %dma_start3A_50 = arith.constant 0 : i32
    %dma_start3A_51 = tpu.memref_slice %arg6[%dma_start3A_49, %dma_start3A_50] : memref<94x128xf32, #tpu.memory_space<vmem_shared>> -> memref<94x128xf32, #tpu.memory_space<vmem_shared>>
    tpu.enqueue_indirect_dma source(%dma_start3A_51 : memref<94x128xf32, #tpu.memory_space<vmem_shared>>) target(%dma_start3A_46 : memref<128x128xf32, #tpu.memory_space<vmem>>) offsets(%dma_start3A_48 : memref<128xi32, #tpu.memory_space<vmem>>) semaphore(%arg10 : memref<!tpu.dma_semaphore, #tpu.memory_space<semaphore_mem>>)
    %dma_wait3A = arith.constant 0 : i32
    %dma_wait3A_52 = arith.constant 0 : i32
    %dma_wait3A_53 = arith.constant 0 : i32
    %dma_wait3A_54 = tpu.memref_slice %arg7[%dma_wait3A, %dma_wait3A_52, %dma_wait3A_53] : memref<3x128x128xf32, #tpu.memory_space<vmem>> -> memref<1x128x128xf32, #tpu.memory_space<vmem>>
    %dma_wait3A_55 = tpu.memref_squeeze %dma_wait3A_54 : memref<1x128x128xf32, #tpu.memory_space<vmem>> -> memref<128x128xf32, #tpu.memory_space<vmem>>
    %dma_wait3A_56 = arith.constant 0 : i32
    %dma_wait3A_57 = tpu.memref_slice %arg5[%dma_wait3A_56] : memref<3200xi32, #tpu.memory_space<vmem>> -> memref<128xi32, #tpu.memory_space<vmem>>
    %dma_wait3A_58 = arith.constant 0 : i32
    %dma_wait3A_59 = arith.constant 0 : i32
    %dma_wait3A_60 = tpu.memref_slice %arg6[%dma_wait3A_58, %dma_wait3A_59] : memref<94x128xf32, #tpu.memory_space<vmem_shared>> -> memref<94x128xf32, #tpu.memory_space<vmem_shared>>
    tpu.wait_indirect_dma semaphore(%arg8 : memref<!tpu.dma_semaphore, #tpu.memory_space<semaphore_mem>>) src(%dma_wait3A_60 : memref<94x128xf32, #tpu.memory_space<vmem_shared>>) dst(%dma_wait3A_55 : memref<128x128xf32, #tpu.memory_space<vmem>>)
    %add3A_61 = arith.constant 0 : i32
    %add3A_62 = arith.addi %min3A_3, %add3A_61 : i32
    %dma_start3A_63 = arith.constant 0 : i32
    %dma_start3A_64 = arith.constant 0 : i32
    %dma_start3A_65 = arith.constant 0 : i32
    %dma_start3A_66 = tpu.memref_slice %arg7[%dma_start3A_63, %dma_start3A_64, %dma_start3A_65] : memref<3x128x128xf32, #tpu.memory_space<vmem>> -> memref<1x128x128xf32, #tpu.memory_space<vmem>>
    %dma_start3A_67 = tpu.memref_squeeze %dma_start3A_66 : memref<1x128x128xf32, #tpu.memory_space<vmem>> -> memref<128x128xf32, #tpu.memory_space<vmem>>
    %dma_start3A_68 = arith.constant 0 : i32
    %dma_start3A_69 = tpu.memref_slice %arg4[%add3A_62, %dma_start3A_68] : memref<100000x128xf32, #tpu.memory_space<hbm>> -> memref<128x128xf32, #tpu.memory_space<hbm>>
    %dma_start3A_70 = arith.constant 0 : i32
    %dma_start3A_71 = tpu.memref_slice %arg4[%add3A_62, %dma_start3A_70] : memref<100000x128xf32, #tpu.memory_space<hbm>> -> memref<128x128xf32, #tpu.memory_space<hbm>>
    %dma_start3A_72 = arith.constant 0 : i32
    %dma_start3A_73 = arith.constant 0 : i32
    %dma_start3A_74 = tpu.memref_slice %arg7[%dma_start3A_63, %dma_start3A_72, %dma_start3A_73] : memref<3x128x128xf32, #tpu.memory_space<vmem>> -> memref<1x128x128xf32, #tpu.memory_space<vmem>>
    %dma_start3A_75 = tpu.memref_squeeze %dma_start3A_74 : memref<1x128x128xf32, #tpu.memory_space<vmem>> -> memref<128x128xf32, #tpu.memory_space<vmem>>
    tpu.enqueue_dma source(%dma_start3A_75 : memref<128x128xf32, #tpu.memory_space<vmem>>) target(%dma_start3A_71 : memref<128x128xf32, #tpu.memory_space<hbm>>) target_semaphore(%arg11 : memref<!tpu.dma_semaphore, #tpu.memory_space<semaphore_mem>>)
    %dma_wait3A_76 = arith.constant 0 : i32
    %dma_wait3A_77 = arith.constant 0 : i32
    %dma_wait3A_78 = arith.constant 0 : i32
    %dma_wait3A_79 = tpu.memref_slice %arg7[%dma_wait3A_76, %dma_wait3A_77, %dma_wait3A_78] : memref<3x128x128xf32, #tpu.memory_space<vmem>> -> memref<1x128x128xf32, #tpu.memory_space<vmem>>
    %dma_wait3A_80 = tpu.memref_squeeze %dma_wait3A_79 : memref<1x128x128xf32, #tpu.memory_space<vmem>> -> memref<128x128xf32, #tpu.memory_space<vmem>>
    %dma_wait3A_81 = arith.constant 0 : i32
    %dma_wait3A_82 = tpu.memref_slice %arg4[%add3A_62, %dma_wait3A_81] : memref<100000x128xf32, #tpu.memory_space<hbm>> -> memref<128x128xf32, #tpu.memory_space<hbm>>
    %dma_wait3A_83 = arith.constant 0 : i32
    %dma_wait3A_84 = tpu.memref_slice %arg4[%add3A_62, %dma_wait3A_83] : memref<100000x128xf32, #tpu.memory_space<hbm>> -> memref<128x128xf32, #tpu.memory_space<hbm>>
    %dma_wait3A_85 = arith.constant 0 : i32
    %dma_wait3A_86 = arith.constant 0 : i32
    %dma_wait3A_87 = tpu.memref_slice %arg7[%dma_wait3A_76, %dma_wait3A_85, %dma_wait3A_86] : memref<3x128x128xf32, #tpu.memory_space<vmem>> -> memref<1x128x128xf32, #tpu.memory_space<vmem>>
    %dma_wait3A_88 = tpu.memref_squeeze %dma_wait3A_87 : memref<1x128x128xf32, #tpu.memory_space<vmem>> -> memref<128x128xf32, #tpu.memory_space<vmem>>
    tpu.wait_dma2 semaphore(%arg11 : memref<!tpu.dma_semaphore, #tpu.memory_space<semaphore_mem>>) src(%dma_wait3A_88 : memref<128x128xf32, #tpu.memory_space<vmem>>) dst(%dma_wait3A_84 : memref<128x128xf32, #tpu.memory_space<hbm>>)
    %scan3A_89 = arith.constant 0 : i32
    %scan3A_90 = arith.constant 0 : i32
    %scan3A_91 = arith.constant 8 : i32
    %scan3A_92 = arith.addi %scan3A_90, %scan3A_91 : i32
    %scan3A_93 = arith.constant 1 : i32
    scf.for %scan3A_1353 = %scan3A_90 to %scan3A_92 step %scan3A_93  : i32 {
      %mul3A_1354 = arith.constant 16 : i32
      %mul3A_1355 = arith.muli %scan3A_1353, %mul3A_1354 : i32
      %add3A_1356 = arith.constant 384 : i32
      %add3A_1357 = arith.addi %add3A_1356, %mul3A_1355 : i32
      %get3A = arith.index_cast %add3A_1357 : i32 to index
      %get3A_1358 = tpu.vector_load %arg5[%get3A] {strides = array<i32>} : memref<3200xi32, #tpu.memory_space<vmem>>, vector<16xi32>,
      %get3A_1359 = vector.shape_cast %get3A_1358 : vector<16xi32> to vector<16xi32>
      %sub3A = arith.constant 1 : i32
      %sub3A_1360 = vector.broadcast %sub3A : i32 to vector<16xi32>
      %sub3A_1361 = arith.subi %get3A_1359, %sub3A_1360 : vector<16xi32>
      %swap3A = arith.index_cast %add3A_1357 : i32 to index
      %swap3A_1362 = tpu.vector_load %arg5[%swap3A] {strides = array<i32>} : memref<3200xi32, #tpu.memory_space<vmem>>, vector<16xi32>,
      %swap3A_1363 = vector.shape_cast %swap3A_1362 : vector<16xi32> to vector<16xi32>
      %swap3A_1364 = vector.shape_cast %sub3A_1361 : vector<16xi32> to vector<16xi32>
      tpu.vector_store %arg5[%swap3A], %swap3A_1364 {strides = array<i32>} : memref<3200xi32, #tpu.memory_space<vmem>>, vector<16xi32>,
    }
    %scan3A_94 = arith.constant 8 : i32
    %dma_start3A_95 = arith.constant 0 : i32
    %dma_start3A_96 = arith.constant 0 : i32
    %dma_start3A_97 = arith.constant 0 : i32
    %dma_start3A_98 = tpu.memref_slice %arg7[%dma_start3A_95, %dma_start3A_96, %dma_start3A_97] : memref<3x128x128xf32, #tpu.memory_space<vmem>> -> memref<1x128x128xf32, #tpu.memory_space<vmem>>
    %dma_start3A_99 = tpu.memref_squeeze %dma_start3A_98 : memref<1x128x128xf32, #tpu.memory_space<vmem>> -> memref<128x128xf32, #tpu.memory_space<vmem>>
    %dma_start3A_100 = arith.constant 384 : i32
    %dma_start3A_101 = tpu.memref_slice %arg5[%dma_start3A_100] : memref<3200xi32, #tpu.memory_space<vmem>> -> memref<128xi32, #tpu.memory_space<vmem>>
    %dma_start3A_102 = arith.constant 0 : i32
    %dma_start3A_103 = arith.constant 0 : i32
    %dma_start3A_104 = tpu.memref_slice %arg6[%dma_start3A_102, %dma_start3A_103] : memref<94x128xf32, #tpu.memory_space<vmem_shared>> -> memref<94x128xf32, #tpu.memory_space<vmem_shared>>
    tpu.enqueue_indirect_dma source(%dma_start3A_104 : memref<94x128xf32, #tpu.memory_space<vmem_shared>>) target(%dma_start3A_99 : memref<128x128xf32, #tpu.memory_space<vmem>>) offsets(%dma_start3A_101 : memref<128xi32, #tpu.memory_space<vmem>>) semaphore(%arg8 : memref<!tpu.dma_semaphore, #tpu.memory_space<semaphore_mem>>)
    %dma_wait3A_105 = arith.constant 1 : i32
    %dma_wait3A_106 = arith.constant 0 : i32
    %dma_wait3A_107 = arith.constant 0 : i32
    %dma_wait3A_108 = tpu.memref_slice %arg7[%dma_wait3A_105, %dma_wait3A_106, %dma_wait3A_107] : memref<3x128x128xf32, #tpu.memory_space<vmem>> -> memref<1x128x128xf32, #tpu.memory_space<vmem>>
    %dma_wait3A_109 = tpu.memref_squeeze %dma_wait3A_108 : memref<1x128x128xf32, #tpu.memory_space<vmem>> -> memref<128x128xf32, #tpu.memory_space<vmem>>
    %dma_wait3A_110 = arith.constant 128 : i32
    %dma_wait3A_111 = tpu.memref_slice %arg5[%dma_wait3A_110] : memref<3200xi32, #tpu.memory_space<vmem>> -> memref<128xi32, #tpu.memory_space<vmem>>
    %dma_wait3A_112 = arith.constant 0 : i32
    %dma_wait3A_113 = arith.constant 0 : i32
    %dma_wait3A_114 = tpu.memref_slice %arg6[%dma_wait3A_112, %dma_wait3A_113] : memref<94x128xf32, #tpu.memory_space<vmem_shared>> -> memref<94x128xf32, #tpu.memory_space<vmem_shared>>
    tpu.wait_indirect_dma semaphore(%arg9 : memref<!tpu.dma_semaphore, #tpu.memory_space<semaphore_mem>>) src(%dma_wait3A_114 : memref<94x128xf32, #tpu.memory_space<vmem_shared>>) dst(%dma_wait3A_109 : memref<128x128xf32, #tpu.memory_space<vmem>>)
    %add3A_115 = arith.constant 128 : i32
    %add3A_116 = arith.addi %min3A_3, %add3A_115 : i32
    %dma_start3A_117 = arith.constant 1 : i32
    %dma_start3A_118 = arith.constant 0 : i32
    %dma_start3A_119 = arith.constant 0 : i32
    %dma_start3A_120 = tpu.memref_slice %arg7[%dma_start3A_117, %dma_start3A_118, %dma_start3A_119] : memref<3x128x128xf32, #tpu.memory_space<vmem>> -> memref<1x128x128xf32, #tpu.memory_space<vmem>>
    %dma_start3A_121 = tpu.memref_squeeze %dma_start3A_120 : memref<1x128x128xf32, #tpu.memory_space<vmem>> -> memref<128x128xf32, #tpu.memory_space<vmem>>
    %dma_start3A_122 = arith.constant 0 : i32
    %dma_start3A_123 = tpu.memref_slice %arg4[%add3A_116, %dma_start3A_122] : memref<100000x128xf32, #tpu.memory_space<hbm>> -> memref<128x128xf32, #tpu.memory_space<hbm>>
    %dma_start3A_124 = arith.constant 0 : i32
    %dma_start3A_125 = tpu.memref_slice %arg4[%add3A_116, %dma_start3A_124] : memref<100000x128xf32, #tpu.memory_space<hbm>> -> memref<128x128xf32, #tpu.memory_space<hbm>>
    %dma_start3A_126 = arith.constant 0 : i32
    %dma_start3A_127 = arith.constant 0 : i32
    %dma_start3A_128 = tpu.memref_slice %arg7[%dma_start3A_117, %dma_start3A_126, %dma_start3A_127] : memref<3x128x128xf32, #tpu.memory_space<vmem>> -> memref<1x128x128xf32, #tpu.memory_space<vmem>>
    %dma_start3A_129 = tpu.memref_squeeze %dma_start3A_128 : memref<1x128x128xf32, #tpu.memory_space<vmem>> -> memref<128x128xf32, #tpu.memory_space<vmem>>
    tpu.enqueue_dma source(%dma_start3A_129 : memref<128x128xf32, #tpu.memory_space<vmem>>) target(%dma_start3A_125 : memref<128x128xf32, #tpu.memory_space<hbm>>) target_semaphore(%arg12 : memref<!tpu.dma_semaphore, #tpu.memory_space<semaphore_mem>>)
    %dma_wait3A_130 = arith.constant 1 : i32
    %dma_wait3A_131 = arith.constant 0 : i32
    %dma_wait3A_132 = arith.constant 0 : i32
    %dma_wait3A_133 = tpu.memref_slice %arg7[%dma_wait3A_130, %dma_wait3A_131, %dma_wait3A_132] : memref<3x128x128xf32, #tpu.memory_space<vmem>> -> memref<1x128x128xf32, #tpu.memory_space<vmem>>
    %dma_wait3A_134 = tpu.memref_squeeze %dma_wait3A_133 : memref<1x128x128xf32, #tpu.memory_space<vmem>> -> memref<128x128xf32, #tpu.memory_space<vmem>>
    %dma_wait3A_135 = arith.constant 0 : i32
    %dma_wait3A_136 = tpu.memref_slice %arg4[%add3A_116, %dma_wait3A_135] : memref<100000x128xf32, #tpu.memory_space<hbm>> -> memref<128x128xf32, #tpu.memory_space<hbm>>
    %dma_wait3A_137 = arith.constant 0 : i32
    %dma_wait3A_138 = tpu.memref_slice %arg4[%add3A_116, %dma_wait3A_137] : memref<100000x128xf32, #tpu.memory_space<hbm>> -> memref<128x128xf32, #tpu.memory_space<hbm>>
    %dma_wait3A_139 = arith.constant 0 : i32
    %dma_wait3A_140 = arith.constant 0 : i32
    %dma_wait3A_141 = tpu.memref_slice %arg7[%dma_wait3A_130, %dma_wait3A_139, %dma_wait3A_140] : memref<3x128x128xf32, #tpu.memory_space<vmem>> -> memref<1x128x128xf32, #tpu.memory_space<vmem>>
    %dma_wait3A_142 = tpu.memref_squeeze %dma_wait3A_141 : memref<1x128x128xf32, #tpu.memory_space<vmem>> -> memref<128x128xf32, #tpu.memory_space<vmem>>
    tpu.wait_dma2 semaphore(%arg12 : memref<!tpu.dma_semaphore, #tpu.memory_space<semaphore_mem>>) src(%dma_wait3A_142 : memref<128x128xf32, #tpu.memory_space<vmem>>) dst(%dma_wait3A_138 : memref<128x128xf32, #tpu.memory_space<hbm>>)
    %scan3A_143 = arith.constant 0 : i32
    %scan3A_144 = arith.constant 0 : i32
    %scan3A_145 = arith.constant 8 : i32
    %scan3A_146 = arith.addi %scan3A_144, %scan3A_145 : i32
    %scan3A_147 = arith.constant 1 : i32
    scf.for %scan3A_1353 = %scan3A_144 to %scan3A_146 step %scan3A_147  : i32 {
      %mul3A_1354 = arith.constant 16 : i32
      %mul3A_1355 = arith.muli %scan3A_1353, %mul3A_1354 : i32
      %add3A_1356 = arith.constant 512 : i32
      %add3A_1357 = arith.addi %add3A_1356, %mul3A_1355 : i32
      %get3A = arith.index_cast %add3A_1357 : i32 to index
      %get3A_1358 = tpu.vector_load %arg5[%get3A] {strides = array<i32>} : memref<3200xi32, #tpu.memory_space<vmem>>, vector<16xi32>,
      %get3A_1359 = vector.shape_cast %get3A_1358 : vector<16xi32> to vector<16xi32>
      %sub3A = arith.constant 1 : i32
      %sub3A_1360 = vector.broadcast %sub3A : i32 to vector<16xi32>
      %sub3A_1361 = arith.subi %get3A_1359, %sub3A_1360 : vector<16xi32>
      %swap3A = arith.index_cast %add3A_1357 : i32 to index
      %swap3A_1362 = tpu.vector_load %arg5[%swap3A] {strides = array<i32>} : memref<3200xi32, #tpu.memory_space<vmem>>, vector<16xi32>,
      %swap3A_1363 = vector.shape_cast %swap3A_1362 : vector<16xi32> to vector<16xi32>
      %swap3A_1364 = vector.shape_cast %sub3A_1361 : vector<16xi32> to vector<16xi32>
      tpu.vector_store %arg5[%swap3A], %swap3A_1364 {strides = array<i32>} : memref<3200xi32, #tpu.memory_space<vmem>>, vector<16xi32>,
    }
    %scan3A_148 = arith.constant 8 : i32
    %dma_start3A_149 = arith.constant 1 : i32
    %dma_start3A_150 = arith.constant 0 : i32
    %dma_start3A_151 = arith.constant 0 : i32
    %dma_start3A_152 = tpu.memref_slice %arg7[%dma_start3A_149, %dma_start3A_150, %dma_start3A_151] : memref<3x128x128xf32, #tpu.memory_space<vmem>> -> memref<1x128x128xf32, #tpu.memory_space<vmem>>
    %dma_start3A_153 = tpu.memref_squeeze %dma_start3A_152 : memref<1x128x128xf32, #tpu.memory_space<vmem>> -> memref<128x128xf32, #tpu.memory_space<vmem>>
    %dma_start3A_154 = arith.constant 512 : i32
    %dma_start3A_155 = tpu.memref_slice %arg5[%dma_start3A_154] : memref<3200xi32, #tpu.memory_space<vmem>> -> memref<128xi32, #tpu.memory_space<vmem>>
    %dma_start3A_156 = arith.constant 0 : i32
    %dma_start3A_157 = arith.constant 0 : i32
    %dma_start3A_158 = tpu.memref_slice %arg6[%dma_start3A_156, %dma_start3A_157] : memref<94x128xf32, #tpu.memory_space<vmem_shared>> -> memref<94x128xf32, #tpu.memory_space<vmem_shared>>
    tpu.enqueue_indirect_dma source(%dma_start3A_158 : memref<94x128xf32, #tpu.memory_space<vmem_shared>>) target(%dma_start3A_153 : memref<128x128xf32, #tpu.memory_space<vmem>>) offsets(%dma_start3A_155 : memref<128xi32, #tpu.memory_space<vmem>>) semaphore(%arg9 : memref<!tpu.dma_semaphore, #tpu.memory_space<semaphore_mem>>)
    %dma_wait3A_159 = arith.constant 2 : i32
    %dma_wait3A_160 = arith.constant 0 : i32
    %dma_wait3A_161 = arith.constant 0 : i32
    %dma_wait3A_162 = tpu.memref_slice %arg7[%dma_wait3A_159, %dma_wait3A_160, %dma_wait3A_161] : memref<3x128x128xf32, #tpu.memory_space<vmem>> -> memref<1x128x128xf32, #tpu.memory_space<vmem>>
    %dma_wait3A_163 = tpu.memref_squeeze %dma_wait3A_162 : memref<1x128x128xf32, #tpu.memory_space<vmem>> -> memref<128x128xf32, #tpu.memory_space<vmem>>
    %dma_wait3A_164 = arith.constant 256 : i32
    %dma_wait3A_165 = tpu.memref_slice %arg5[%dma_wait3A_164] : memref<3200xi32, #tpu.memory_space<vmem>> -> memref<128xi32, #tpu.memory_space<vmem>>
    %dma_wait3A_166 = arith.constant 0 : i32
    %dma_wait3A_167 = arith.constant 0 : i32
    %dma_wait3A_168 = tpu.memref_slice %arg6[%dma_wait3A_166, %dma_wait3A_167] : memref<94x128xf32, #tpu.memory_space<vmem_shared>> -> memref<94x128xf32, #tpu.memory_space<vmem_shared>>
    tpu.wait_indirect_dma semaphore(%arg10 : memref<!tpu.dma_semaphore, #tpu.memory_space<semaphore_mem>>) src(%dma_wait3A_168 : memref<94x128xf32, #tpu.memory_space<vmem_shared>>) dst(%dma_wait3A_163 : memref<128x128xf32, #tpu.memory_space<vmem>>)
    %add3A_169 = arith.constant 256 : i32
    %add3A_170 = arith.addi %min3A_3, %add3A_169 : i32
    %dma_start3A_171 = arith.constant 2 : i32
    %dma_start3A_172 = arith.constant 0 : i32
    %dma_start3A_173 = arith.constant 0 : i32
    %dma_start3A_174 = tpu.memref_slice %arg7[%dma_start3A_171, %dma_start3A_172, %dma_start3A_173] : memref<3x128x128xf32, #tpu.memory_space<vmem>> -> memref<1x128x128xf32, #tpu.memory_space<vmem>>
    %dma_start3A_175 = tpu.memref_squeeze %dma_start3A_174 : memref<1x128x128xf32, #tpu.memory_space<vmem>> -> memref<128x128xf32, #tpu.memory_space<vmem>>
    %dma_start3A_176 = arith.constant 0 : i32
    %dma_start3A_177 = tpu.memref_slice %arg4[%add3A_170, %dma_start3A_176] : memref<100000x128xf32, #tpu.memory_space<hbm>> -> memref<128x128xf32, #tpu.memory_space<hbm>>
    %dma_start3A_178 = arith.constant 0 : i32
    %dma_start3A_179 = tpu.memref_slice %arg4[%add3A_170, %dma_start3A_178] : memref<100000x128xf32, #tpu.memory_space<hbm>> -> memref<128x128xf32, #tpu.memory_space<hbm>>
    %dma_start3A_180 = arith.constant 0 : i32
    %dma_start3A_181 = arith.constant 0 : i32
    %dma_start3A_182 = tpu.memref_slice %arg7[%dma_start3A_171, %dma_start3A_180, %dma_start3A_181] : memref<3x128x128xf32, #tpu.memory_space<vmem>> -> memref<1x128x128xf32, #tpu.memory_space<vmem>>
    %dma_start3A_183 = tpu.memref_squeeze %dma_start3A_182 : memref<1x128x128xf32, #tpu.memory_space<vmem>> -> memref<128x128xf32, #tpu.memory_space<vmem>>
    tpu.enqueue_dma source(%dma_start3A_183 : memref<128x128xf32, #tpu.memory_space<vmem>>) target(%dma_start3A_179 : memref<128x128xf32, #tpu.memory_space<hbm>>) target_semaphore(%arg13 : memref<!tpu.dma_semaphore, #tpu.memory_space<semaphore_mem>>)
    %dma_wait3A_184 = arith.constant 2 : i32
    %dma_wait3A_185 = arith.constant 0 : i32
    %dma_wait3A_186 = arith.constant 0 : i32
    %dma_wait3A_187 = tpu.memref_slice %arg7[%dma_wait3A_184, %dma_wait3A_185, %dma_wait3A_186] : memref<3x128x128xf32, #tpu.memory_space<vmem>> -> memref<1x128x128xf32, #tpu.memory_space<vmem>>
    %dma_wait3A_188 = tpu.memref_squeeze %dma_wait3A_187 : memref<1x128x128xf32, #tpu.memory_space<vmem>> -> memref<128x128xf32, #tpu.memory_space<vmem>>
    %dma_wait3A_189 = arith.constant 0 : i32
    %dma_wait3A_190 = tpu.memref_slice %arg4[%add3A_170, %dma_wait3A_189] : memref<100000x128xf32, #tpu.memory_space<hbm>> -> memref<128x128xf32, #tpu.memory_space<hbm>>
    %dma_wait3A_191 = arith.constant 0 : i32
    %dma_wait3A_192 = tpu.memref_slice %arg4[%add3A_170, %dma_wait3A_191] : memref<100000x128xf32, #tpu.memory_space<hbm>> -> memref<128x128xf32, #tpu.memory_space<hbm>>
    %dma_wait3A_193 = arith.constant 0 : i32
    %dma_wait3A_194 = arith.constant 0 : i32
    %dma_wait3A_195 = tpu.memref_slice %arg7[%dma_wait3A_184, %dma_wait3A_193, %dma_wait3A_194] : memref<3x128x128xf32, #tpu.memory_space<vmem>> -> memref<1x128x128xf32, #tpu.memory_space<vmem>>
    %dma_wait3A_196 = tpu.memref_squeeze %dma_wait3A_195 : memref<1x128x128xf32, #tpu.memory_space<vmem>> -> memref<128x128xf32, #tpu.memory_space<vmem>>
    tpu.wait_dma2 semaphore(%arg13 : memref<!tpu.dma_semaphore, #tpu.memory_space<semaphore_mem>>) src(%dma_wait3A_196 : memref<128x128xf32, #tpu.memory_space<vmem>>) dst(%dma_wait3A_192 : memref<128x128xf32, #tpu.memory_space<hbm>>)
    %scan3A_197 = arith.constant 0 : i32
    %scan3A_198 = arith.constant 0 : i32
    %scan3A_199 = arith.constant 8 : i32
    %scan3A_200 = arith.addi %scan3A_198, %scan3A_199 : i32
    %scan3A_201 = arith.constant 1 : i32
    scf.for %scan3A_1353 = %scan3A_198 to %scan3A_200 step %scan3A_201  : i32 {
      %mul3A_1354 = arith.constant 16 : i32
      %mul3A_1355 = arith.muli %scan3A_1353, %mul3A_1354 : i32
      %add3A_1356 = arith.constant 640 : i32
      %add3A_1357 = arith.addi %add3A_1356, %mul3A_1355 : i32
      %get3A = arith.index_cast %add3A_1357 : i32 to index
      %get3A_1358 = tpu.vector_load %arg5[%get3A] {strides = array<i32>} : memref<3200xi32, #tpu.memory_space<vmem>>, vector<16xi32>,
      %get3A_1359 = vector.shape_cast %get3A_1358 : vector<16xi32> to vector<16xi32>
      %sub3A = arith.constant 1 : i32
      %sub3A_1360 = vector.broadcast %sub3A : i32 to vector<16xi32>
      %sub3A_1361 = arith.subi %get3A_1359, %sub3A_1360 : vector<16xi32>
      %swap3A = arith.index_cast %add3A_1357 : i32 to index
      %swap3A_1362 = tpu.vector_load %arg5[%swap3A] {strides = array<i32>} : memref<3200xi32, #tpu.memory_space<vmem>>, vector<16xi32>,
      %swap3A_1363 = vector.shape_cast %swap3A_1362 : vector<16xi32> to vector<16xi32>
      %swap3A_1364 = vector.shape_cast %sub3A_1361 : vector<16xi32> to vector<16xi32>
      tpu.vector_store %arg5[%swap3A], %swap3A_1364 {strides = array<i32>} : memref<3200xi32, #tpu.memory_space<vmem>>, vector<16xi32>,
    }
    %scan3A_202 = arith.constant 8 : i32
    %dma_start3A_203 = arith.constant 2 : i32
    %dma_start3A_204 = arith.constant 0 : i32
    %dma_start3A_205 = arith.constant 0 : i32
    %dma_start3A_206 = tpu.memref_slice %arg7[%dma_start3A_203, %dma_start3A_204, %dma_start3A_205] : memref<3x128x128xf32, #tpu.memory_space<vmem>> -> memref<1x128x128xf32, #tpu.memory_space<vmem>>
    %dma_start3A_207 = tpu.memref_squeeze %dma_start3A_206 : memref<1x128x128xf32, #tpu.memory_space<vmem>> -> memref<128x128xf32, #tpu.memory_space<vmem>>
    %dma_start3A_208 = arith.constant 640 : i32
    %dma_start3A_209 = tpu.memref_slice %arg5[%dma_start3A_208] : memref<3200xi32, #tpu.memory_space<vmem>> -> memref<128xi32, #tpu.memory_space<vmem>>
    %dma_start3A_210 = arith.constant 0 : i32
    %dma_start3A_211 = arith.constant 0 : i32
    %dma_start3A_212 = tpu.memref_slice %arg6[%dma_start3A_210, %dma_start3A_211] : memref<94x128xf32, #tpu.memory_space<vmem_shared>> -> memref<94x128xf32, #tpu.memory_space<vmem_shared>>
    tpu.enqueue_indirect_dma source(%dma_start3A_212 : memref<94x128xf32, #tpu.memory_space<vmem_shared>>) target(%dma_start3A_207 : memref<128x128xf32, #tpu.memory_space<vmem>>) offsets(%dma_start3A_209 : memref<128xi32, #tpu.memory_space<vmem>>) semaphore(%arg10 : memref<!tpu.dma_semaphore, #tpu.memory_space<semaphore_mem>>)
    %dma_wait3A_213 = arith.constant 0 : i32
    %dma_wait3A_214 = arith.constant 0 : i32
    %dma_wait3A_215 = arith.constant 0 : i32
    %dma_wait3A_216 = tpu.memref_slice %arg7[%dma_wait3A_213, %dma_wait3A_214, %dma_wait3A_215] : memref<3x128x128xf32, #tpu.memory_space<vmem>> -> memref<1x128x128xf32, #tpu.memory_space<vmem>>
    %dma_wait3A_217 = tpu.memref_squeeze %dma_wait3A_216 : memref<1x128x128xf32, #tpu.memory_space<vmem>> -> memref<128x128xf32, #tpu.memory_space<vmem>>
    %dma_wait3A_218 = arith.constant 384 : i32
    %dma_wait3A_219 = tpu.memref_slice %arg5[%dma_wait3A_218] : memref<3200xi32, #tpu.memory_space<vmem>> -> memref<128xi32, #tpu.memory_space<vmem>>
    %dma_wait3A_220 = arith.constant 0 : i32
    %dma_wait3A_221 = arith.constant 0 : i32
    %dma_wait3A_222 = tpu.memref_slice %arg6[%dma_wait3A_220, %dma_wait3A_221] : memref<94x128xf32, #tpu.memory_space<vmem_shared>> -> memref<94x128xf32, #tpu.memory_space<vmem_shared>>
    tpu.wait_indirect_dma semaphore(%arg8 : memref<!tpu.dma_semaphore, #tpu.memory_space<semaphore_mem>>) src(%dma_wait3A_222 : memref<94x128xf32, #tpu.memory_space<vmem_shared>>) dst(%dma_wait3A_217 : memref<128x128xf32, #tpu.memory_space<vmem>>)
    %add3A_223 = arith.constant 384 : i32
    %add3A_224 = arith.addi %min3A_3, %add3A_223 : i32
    %dma_start3A_225 = arith.constant 0 : i32
    %dma_start3A_226 = arith.constant 0 : i32
    %dma_start3A_227 = arith.constant 0 : i32
    %dma_start3A_228 = tpu.memref_slice %arg7[%dma_start3A_225, %dma_start3A_226, %dma_start3A_227] : memref<3x128x128xf32, #tpu.memory_space<vmem>> -> memref<1x128x128xf32, #tpu.memory_space<vmem>>
    %dma_start3A_229 = tpu.memref_squeeze %dma_start3A_228 : memref<1x128x128xf32, #tpu.memory_space<vmem>> -> memref<128x128xf32, #tpu.memory_space<vmem>>
    %dma_start3A_230 = arith.constant 0 : i32
    %dma_start3A_231 = tpu.memref_slice %arg4[%add3A_224, %dma_start3A_230] : memref<100000x128xf32, #tpu.memory_space<hbm>> -> memref<128x128xf32, #tpu.memory_space<hbm>>
    %dma_start3A_232 = arith.constant 0 : i32
    %dma_start3A_233 = tpu.memref_slice %arg4[%add3A_224, %dma_start3A_232] : memref<100000x128xf32, #tpu.memory_space<hbm>> -> memref<128x128xf32, #tpu.memory_space<hbm>>
    %dma_start3A_234 = arith.constant 0 : i32
    %dma_start3A_235 = arith.constant 0 : i32
    %dma_start3A_236 = tpu.memref_slice %arg7[%dma_start3A_225, %dma_start3A_234, %dma_start3A_235] : memref<3x128x128xf32, #tpu.memory_space<vmem>> -> memref<1x128x128xf32, #tpu.memory_space<vmem>>
    %dma_start3A_237 = tpu.memref_squeeze %dma_start3A_236 : memref<1x128x128xf32, #tpu.memory_space<vmem>> -> memref<128x128xf32, #tpu.memory_space<vmem>>
    tpu.enqueue_dma source(%dma_start3A_237 : memref<128x128xf32, #tpu.memory_space<vmem>>) target(%dma_start3A_233 : memref<128x128xf32, #tpu.memory_space<hbm>>) target_semaphore(%arg11 : memref<!tpu.dma_semaphore, #tpu.memory_space<semaphore_mem>>)
    %dma_wait3A_238 = arith.constant 0 : i32
    %dma_wait3A_239 = arith.constant 0 : i32
    %dma_wait3A_240 = arith.constant 0 : i32
    %dma_wait3A_241 = tpu.memref_slice %arg7[%dma_wait3A_238, %dma_wait3A_239, %dma_wait3A_240] : memref<3x128x128xf32, #tpu.memory_space<vmem>> -> memref<1x128x128xf32, #tpu.memory_space<vmem>>
    %dma_wait3A_242 = tpu.memref_squeeze %dma_wait3A_241 : memref<1x128x128xf32, #tpu.memory_space<vmem>> -> memref<128x128xf32, #tpu.memory_space<vmem>>
    %dma_wait3A_243 = arith.constant 0 : i32
    %dma_wait3A_244 = tpu.memref_slice %arg4[%add3A_224, %dma_wait3A_243] : memref<100000x128xf32, #tpu.memory_space<hbm>> -> memref<128x128xf32, #tpu.memory_space<hbm>>
    %dma_wait3A_245 = arith.constant 0 : i32
    %dma_wait3A_246 = tpu.memref_slice %arg4[%add3A_224, %dma_wait3A_245] : memref<100000x128xf32, #tpu.memory_space<hbm>> -> memref<128x128xf32, #tpu.memory_space<hbm>>
    %dma_wait3A_247 = arith.constant 0 : i32
    %dma_wait3A_248 = arith.constant 0 : i32
    %dma_wait3A_249 = tpu.memref_slice %arg7[%dma_wait3A_238, %dma_wait3A_247, %dma_wait3A_248] : memref<3x128x128xf32, #tpu.memory_space<vmem>> -> memref<1x128x128xf32, #tpu.memory_space<vmem>>
    %dma_wait3A_250 = tpu.memref_squeeze %dma_wait3A_249 : memref<1x128x128xf32, #tpu.memory_space<vmem>> -> memref<128x128xf32, #tpu.memory_space<vmem>>
    tpu.wait_dma2 semaphore(%arg11 : memref<!tpu.dma_semaphore, #tpu.memory_space<semaphore_mem>>) src(%dma_wait3A_250 : memref<128x128xf32, #tpu.memory_space<vmem>>) dst(%dma_wait3A_246 : memref<128x128xf32, #tpu.memory_space<hbm>>)
    %scan3A_251 = arith.constant 0 : i32
    %scan3A_252 = arith.constant 0 : i32
    %scan3A_253 = arith.constant 8 : i32
    %scan3A_254 = arith.addi %scan3A_252, %scan3A_253 : i32
    %scan3A_255 = arith.constant 1 : i32
    scf.for %scan3A_1353 = %scan3A_252 to %scan3A_254 step %scan3A_255  : i32 {
      %mul3A_1354 = arith.constant 16 : i32
      %mul3A_1355 = arith.muli %scan3A_1353, %mul3A_1354 : i32
      %add3A_1356 = arith.constant 768 : i32
      %add3A_1357 = arith.addi %add3A_1356, %mul3A_1355 : i32
      %get3A = arith.index_cast %add3A_1357 : i32 to index
      %get3A_1358 = tpu.vector_load %arg5[%get3A] {strides = array<i32>} : memref<3200xi32, #tpu.memory_space<vmem>>, vector<16xi32>,
      %get3A_1359 = vector.shape_cast %get3A_1358 : vector<16xi32> to vector<16xi32>
      %sub3A = arith.constant 1 : i32
      %sub3A_1360 = vector.broadcast %sub3A : i32 to vector<16xi32>
      %sub3A_1361 = arith.subi %get3A_1359, %sub3A_1360 : vector<16xi32>
      %swap3A = arith.index_cast %add3A_1357 : i32 to index
      %swap3A_1362 = tpu.vector_load %arg5[%swap3A] {strides = array<i32>} : memref<3200xi32, #tpu.memory_space<vmem>>, vector<16xi32>,
      %swap3A_1363 = vector.shape_cast %swap3A_1362 : vector<16xi32> to vector<16xi32>
      %swap3A_1364 = vector.shape_cast %sub3A_1361 : vector<16xi32> to vector<16xi32>
      tpu.vector_store %arg5[%swap3A], %swap3A_1364 {strides = array<i32>} : memref<3200xi32, #tpu.memory_space<vmem>>, vector<16xi32>,
    }
    %scan3A_256 = arith.constant 8 : i32
    %dma_start3A_257 = arith.constant 0 : i32
    %dma_start3A_258 = arith.constant 0 : i32
    %dma_start3A_259 = arith.constant 0 : i32
    %dma_start3A_260 = tpu.memref_slice %arg7[%dma_start3A_257, %dma_start3A_258, %dma_start3A_259] : memref<3x128x128xf32, #tpu.memory_space<vmem>> -> memref<1x128x128xf32, #tpu.memory_space<vmem>>
    %dma_start3A_261 = tpu.memref_squeeze %dma_start3A_260 : memref<1x128x128xf32, #tpu.memory_space<vmem>> -> memref<128x128xf32, #tpu.memory_space<vmem>>
    %dma_start3A_262 = arith.constant 768 : i32
    %dma_start3A_263 = tpu.memref_slice %arg5[%dma_start3A_262] : memref<3200xi32, #tpu.memory_space<vmem>> -> memref<128xi32, #tpu.memory_space<vmem>>
    %dma_start3A_264 = arith.constant 0 : i32
    %dma_start3A_265 = arith.constant 0 : i32
    %dma_start3A_266 = tpu.memref_slice %arg6[%dma_start3A_264, %dma_start3A_265] : memref<94x128xf32, #tpu.memory_space<vmem_shared>> -> memref<94x128xf32, #tpu.memory_space<vmem_shared>>
    tpu.enqueue_indirect_dma source(%dma_start3A_266 : memref<94x128xf32, #tpu.memory_space<vmem_shared>>) target(%dma_start3A_261 : memref<128x128xf32, #tpu.memory_space<vmem>>) offsets(%dma_start3A_263 : memref<128xi32, #tpu.memory_space<vmem>>) semaphore(%arg8 : memref<!tpu.dma_semaphore, #tpu.memory_space<semaphore_mem>>)
    %dma_wait3A_267 = arith.constant 1 : i32
    %dma_wait3A_268 = arith.constant 0 : i32
    %dma_wait3A_269 = arith.constant 0 : i32
    %dma_wait3A_270 = tpu.memref_slice %arg7[%dma_wait3A_267, %dma_wait3A_268, %dma_wait3A_269] : memref<3x128x128xf32, #tpu.memory_space<vmem>> -> memref<1x128x128xf32, #tpu.memory_space<vmem>>
    %dma_wait3A_271 = tpu.memref_squeeze %dma_wait3A_270 : memref<1x128x128xf32, #tpu.memory_space<vmem>> -> memref<128x128xf32, #tpu.memory_space<vmem>>
    %dma_wait3A_272 = arith.constant 512 : i32
    %dma_wait3A_273 = tpu.memref_slice %arg5[%dma_wait3A_272] : memref<3200xi32, #tpu.memory_space<vmem>> -> memref<128xi32, #tpu.memory_space<vmem>>
    %dma_wait3A_274 = arith.constant 0 : i32
    %dma_wait3A_275 = arith.constant 0 : i32
    %dma_wait3A_276 = tpu.memref_slice %arg6[%dma_wait3A_274, %dma_wait3A_275] : memref<94x128xf32, #tpu.memory_space<vmem_shared>> -> memref<94x128xf32, #tpu.memory_space<vmem_shared>>
    tpu.wait_indirect_dma semaphore(%arg9 : memref<!tpu.dma_semaphore, #tpu.memory_space<semaphore_mem>>) src(%dma_wait3A_276 : memref<94x128xf32, #tpu.memory_space<vmem_shared>>) dst(%dma_wait3A_271 : memref<128x128xf32, #tpu.memory_space<vmem>>)
    %add3A_277 = arith.constant 512 : i32
    %add3A_278 = arith.addi %min3A_3, %add3A_277 : i32
    %dma_start3A_279 = arith.constant 1 : i32
    %dma_start3A_280 = arith.constant 0 : i32
    %dma_start3A_281 = arith.constant 0 : i32
    %dma_start3A_282 = tpu.memref_slice %arg7[%dma_start3A_279, %dma_start3A_280, %dma_start3A_281] : memref<3x128x128xf32, #tpu.memory_space<vmem>> -> memref<1x128x128xf32, #tpu.memory_space<vmem>>
    %dma_start3A_283 = tpu.memref_squeeze %dma_start3A_282 : memref<1x128x128xf32, #tpu.memory_space<vmem>> -> memref<128x128xf32, #tpu.memory_space<vmem>>
    %dma_start3A_284 = arith.constant 0 : i32
    %dma_start3A_285 = tpu.memref_slice %arg4[%add3A_278, %dma_start3A_284] : memref<100000x128xf32, #tpu.memory_space<hbm>> -> memref<128x128xf32, #tpu.memory_space<hbm>>
    %dma_start3A_286 = arith.constant 0 : i32
    %dma_start3A_287 = tpu.memref_slice %arg4[%add3A_278, %dma_start3A_286] : memref<100000x128xf32, #tpu.memory_space<hbm>> -> memref<128x128xf32, #tpu.memory_space<hbm>>
    %dma_start3A_288 = arith.constant 0 : i32
    %dma_start3A_289 = arith.constant 0 : i32
    %dma_start3A_290 = tpu.memref_slice %arg7[%dma_start3A_279, %dma_start3A_288, %dma_start3A_289] : memref<3x128x128xf32, #tpu.memory_space<vmem>> -> memref<1x128x128xf32, #tpu.memory_space<vmem>>
    %dma_start3A_291 = tpu.memref_squeeze %dma_start3A_290 : memref<1x128x128xf32, #tpu.memory_space<vmem>> -> memref<128x128xf32, #tpu.memory_space<vmem>>
    tpu.enqueue_dma source(%dma_start3A_291 : memref<128x128xf32, #tpu.memory_space<vmem>>) target(%dma_start3A_287 : memref<128x128xf32, #tpu.memory_space<hbm>>) target_semaphore(%arg12 : memref<!tpu.dma_semaphore, #tpu.memory_space<semaphore_mem>>)
    %dma_wait3A_292 = arith.constant 1 : i32
    %dma_wait3A_293 = arith.constant 0 : i32
    %dma_wait3A_294 = arith.constant 0 : i32
    %dma_wait3A_295 = tpu.memref_slice %arg7[%dma_wait3A_292, %dma_wait3A_293, %dma_wait3A_294] : memref<3x128x128xf32, #tpu.memory_space<vmem>> -> memref<1x128x128xf32, #tpu.memory_space<vmem>>
    %dma_wait3A_296 = tpu.memref_squeeze %dma_wait3A_295 : memref<1x128x128xf32, #tpu.memory_space<vmem>> -> memref<128x128xf32, #tpu.memory_space<vmem>>
    %dma_wait3A_297 = arith.constant 0 : i32
    %dma_wait3A_298 = tpu.memref_slice %arg4[%add3A_278, %dma_wait3A_297] : memref<100000x128xf32, #tpu.memory_space<hbm>> -> memref<128x128xf32, #tpu.memory_space<hbm>>
    %dma_wait3A_299 = arith.constant 0 : i32
    %dma_wait3A_300 = tpu.memref_slice %arg4[%add3A_278, %dma_wait3A_299] : memref<100000x128xf32, #tpu.memory_space<hbm>> -> memref<128x128xf32, #tpu.memory_space<hbm>>
    %dma_wait3A_301 = arith.constant 0 : i32
    %dma_wait3A_302 = arith.constant 0 : i32
    %dma_wait3A_303 = tpu.memref_slice %arg7[%dma_wait3A_292, %dma_wait3A_301, %dma_wait3A_302] : memref<3x128x128xf32, #tpu.memory_space<vmem>> -> memref<1x128x128xf32, #tpu.memory_space<vmem>>
    %dma_wait3A_304 = tpu.memref_squeeze %dma_wait3A_303 : memref<1x128x128xf32, #tpu.memory_space<vmem>> -> memref<128x128xf32, #tpu.memory_space<vmem>>
    tpu.wait_dma2 semaphore(%arg12 : memref<!tpu.dma_semaphore, #tpu.memory_space<semaphore_mem>>) src(%dma_wait3A_304 : memref<128x128xf32, #tpu.memory_space<vmem>>) dst(%dma_wait3A_300 : memref<128x128xf32, #tpu.memory_space<hbm>>)
    %scan3A_305 = arith.constant 0 : i32
    %scan3A_306 = arith.constant 0 : i32
    %scan3A_307 = arith.constant 8 : i32
    %scan3A_308 = arith.addi %scan3A_306, %scan3A_307 : i32
    %scan3A_309 = arith.constant 1 : i32
    scf.for %scan3A_1353 = %scan3A_306 to %scan3A_308 step %scan3A_309  : i32 {
      %mul3A_1354 = arith.constant 16 : i32
      %mul3A_1355 = arith.muli %scan3A_1353, %mul3A_1354 : i32
      %add3A_1356 = arith.constant 896 : i32
      %add3A_1357 = arith.addi %add3A_1356, %mul3A_1355 : i32
      %get3A = arith.index_cast %add3A_1357 : i32 to index
      %get3A_1358 = tpu.vector_load %arg5[%get3A] {strides = array<i32>} : memref<3200xi32, #tpu.memory_space<vmem>>, vector<16xi32>,
      %get3A_1359 = vector.shape_cast %get3A_1358 : vector<16xi32> to vector<16xi32>
      %sub3A = arith.constant 1 : i32
      %sub3A_1360 = vector.broadcast %sub3A : i32 to vector<16xi32>
      %sub3A_1361 = arith.subi %get3A_1359, %sub3A_1360 : vector<16xi32>
      %swap3A = arith.index_cast %add3A_1357 : i32 to index
      %swap3A_1362 = tpu.vector_load %arg5[%swap3A] {strides = array<i32>} : memref<3200xi32, #tpu.memory_space<vmem>>, vector<16xi32>,
      %swap3A_1363 = vector.shape_cast %swap3A_1362 : vector<16xi32> to vector<16xi32>
      %swap3A_1364 = vector.shape_cast %sub3A_1361 : vector<16xi32> to vector<16xi32>
      tpu.vector_store %arg5[%swap3A], %swap3A_1364 {strides = array<i32>} : memref<3200xi32, #tpu.memory_space<vmem>>, vector<16xi32>,
    }
    %scan3A_310 = arith.constant 8 : i32
    %dma_start3A_311 = arith.constant 1 : i32
    %dma_start3A_312 = arith.constant 0 : i32
    %dma_start3A_313 = arith.constant 0 : i32
    %dma_start3A_314 = tpu.memref_slice %arg7[%dma_start3A_311, %dma_start3A_312, %dma_start3A_313] : memref<3x128x128xf32, #tpu.memory_space<vmem>> -> memref<1x128x128xf32, #tpu.memory_space<vmem>>
    %dma_start3A_315 = tpu.memref_squeeze %dma_start3A_314 : memref<1x128x128xf32, #tpu.memory_space<vmem>> -> memref<128x128xf32, #tpu.memory_space<vmem>>
    %dma_start3A_316 = arith.constant 896 : i32
    %dma_start3A_317 = tpu.memref_slice %arg5[%dma_start3A_316] : memref<3200xi32, #tpu.memory_space<vmem>> -> memref<128xi32, #tpu.memory_space<vmem>>
    %dma_start3A_318 = arith.constant 0 : i32
    %dma_start3A_319 = arith.constant 0 : i32
    %dma_start3A_320 = tpu.memref_slice %arg6[%dma_start3A_318, %dma_start3A_319] : memref<94x128xf32, #tpu.memory_space<vmem_shared>> -> memref<94x128xf32, #tpu.memory_space<vmem_shared>>
    tpu.enqueue_indirect_dma source(%dma_start3A_320 : memref<94x128xf32, #tpu.memory_space<vmem_shared>>) target(%dma_start3A_315 : memref<128x128xf32, #tpu.memory_space<vmem>>) offsets(%dma_start3A_317 : memref<128xi32, #tpu.memory_space<vmem>>) semaphore(%arg9 : memref<!tpu.dma_semaphore, #tpu.memory_space<semaphore_mem>>)
    %dma_wait3A_321 = arith.constant 2 : i32
    %dma_wait3A_322 = arith.constant 0 : i32
    %dma_wait3A_323 = arith.constant 0 : i32
    %dma_wait3A_324 = tpu.memref_slice %arg7[%dma_wait3A_321, %dma_wait3A_322, %dma_wait3A_323] : memref<3x128x128xf32, #tpu.memory_space<vmem>> -> memref<1x128x128xf32, #tpu.memory_space<vmem>>
    %dma_wait3A_325 = tpu.memref_squeeze %dma_wait3A_324 : memref<1x128x128xf32, #tpu.memory_space<vmem>> -> memref<128x128xf32, #tpu.memory_space<vmem>>
    %dma_wait3A_326 = arith.constant 640 : i32
    %dma_wait3A_327 = tpu.memref_slice %arg5[%dma_wait3A_326] : memref<3200xi32, #tpu.memory_space<vmem>> -> memref<128xi32, #tpu.memory_space<vmem>>
    %dma_wait3A_328 = arith.constant 0 : i32
    %dma_wait3A_329 = arith.constant 0 : i32
    %dma_wait3A_330 = tpu.memref_slice %arg6[%dma_wait3A_328, %dma_wait3A_329] : memref<94x128xf32, #tpu.memory_space<vmem_shared>> -> memref<94x128xf32, #tpu.memory_space<vmem_shared>>
    tpu.wait_indirect_dma semaphore(%arg10 : memref<!tpu.dma_semaphore, #tpu.memory_space<semaphore_mem>>) src(%dma_wait3A_330 : memref<94x128xf32, #tpu.memory_space<vmem_shared>>) dst(%dma_wait3A_325 : memref<128x128xf32, #tpu.memory_space<vmem>>)
    %add3A_331 = arith.constant 640 : i32
    %add3A_332 = arith.addi %min3A_3, %add3A_331 : i32
    %dma_start3A_333 = arith.constant 2 : i32
    %dma_start3A_334 = arith.constant 0 : i32
    %dma_start3A_335 = arith.constant 0 : i32
    %dma_start3A_336 = tpu.memref_slice %arg7[%dma_start3A_333, %dma_start3A_334, %dma_start3A_335] : memref<3x128x128xf32, #tpu.memory_space<vmem>> -> memref<1x128x128xf32, #tpu.memory_space<vmem>>
    %dma_start3A_337 = tpu.memref_squeeze %dma_start3A_336 : memref<1x128x128xf32, #tpu.memory_space<vmem>> -> memref<128x128xf32, #tpu.memory_space<vmem>>
    %dma_start3A_338 = arith.constant 0 : i32
    %dma_start3A_339 = tpu.memref_slice %arg4[%add3A_332, %dma_start3A_338] : memref<100000x128xf32, #tpu.memory_space<hbm>> -> memref<128x128xf32, #tpu.memory_space<hbm>>
    %dma_start3A_340 = arith.constant 0 : i32
    %dma_start3A_341 = tpu.memref_slice %arg4[%add3A_332, %dma_start3A_340] : memref<100000x128xf32, #tpu.memory_space<hbm>> -> memref<128x128xf32, #tpu.memory_space<hbm>>
    %dma_start3A_342 = arith.constant 0 : i32
    %dma_start3A_343 = arith.constant 0 : i32
    %dma_start3A_344 = tpu.memref_slice %arg7[%dma_start3A_333, %dma_start3A_342, %dma_start3A_343] : memref<3x128x128xf32, #tpu.memory_space<vmem>> -> memref<1x128x128xf32, #tpu.memory_space<vmem>>
    %dma_start3A_345 = tpu.memref_squeeze %dma_start3A_344 : memref<1x128x128xf32, #tpu.memory_space<vmem>> -> memref<128x128xf32, #tpu.memory_space<vmem>>
    tpu.enqueue_dma source(%dma_start3A_345 : memref<128x128xf32, #tpu.memory_space<vmem>>) target(%dma_start3A_341 : memref<128x128xf32, #tpu.memory_space<hbm>>) target_semaphore(%arg13 : memref<!tpu.dma_semaphore, #tpu.memory_space<semaphore_mem>>)
    %dma_wait3A_346 = arith.constant 2 : i32
    %dma_wait3A_347 = arith.constant 0 : i32
    %dma_wait3A_348 = arith.constant 0 : i32
    %dma_wait3A_349 = tpu.memref_slice %arg7[%dma_wait3A_346, %dma_wait3A_347, %dma_wait3A_348] : memref<3x128x128xf32, #tpu.memory_space<vmem>> -> memref<1x128x128xf32, #tpu.memory_space<vmem>>
    %dma_wait3A_350 = tpu.memref_squeeze %dma_wait3A_349 : memref<1x128x128xf32, #tpu.memory_space<vmem>> -> memref<128x128xf32, #tpu.memory_space<vmem>>
    %dma_wait3A_351 = arith.constant 0 : i32
    %dma_wait3A_352 = tpu.memref_slice %arg4[%add3A_332, %dma_wait3A_351] : memref<100000x128xf32, #tpu.memory_space<hbm>> -> memref<128x128xf32, #tpu.memory_space<hbm>>
    %dma_wait3A_353 = arith.constant 0 : i32
    %dma_wait3A_354 = tpu.memref_slice %arg4[%add3A_332, %dma_wait3A_353] : memref<100000x128xf32, #tpu.memory_space<hbm>> -> memref<128x128xf32, #tpu.memory_space<hbm>>
    %dma_wait3A_355 = arith.constant 0 : i32
    %dma_wait3A_356 = arith.constant 0 : i32
    %dma_wait3A_357 = tpu.memref_slice %arg7[%dma_wait3A_346, %dma_wait3A_355, %dma_wait3A_356] : memref<3x128x128xf32, #tpu.memory_space<vmem>> -> memref<1x128x128xf32, #tpu.memory_space<vmem>>
    %dma_wait3A_358 = tpu.memref_squeeze %dma_wait3A_357 : memref<1x128x128xf32, #tpu.memory_space<vmem>> -> memref<128x128xf32, #tpu.memory_space<vmem>>
    tpu.wait_dma2 semaphore(%arg13 : memref<!tpu.dma_semaphore, #tpu.memory_space<semaphore_mem>>) src(%dma_wait3A_358 : memref<128x128xf32, #tpu.memory_space<vmem>>) dst(%dma_wait3A_354 : memref<128x128xf32, #tpu.memory_space<hbm>>)
    %scan3A_359 = arith.constant 0 : i32
    %scan3A_360 = arith.constant 0 : i32
    %scan3A_361 = arith.constant 8 : i32
    %scan3A_362 = arith.addi %scan3A_360, %scan3A_361 : i32
    %scan3A_363 = arith.constant 1 : i32
    scf.for %scan3A_1353 = %scan3A_360 to %scan3A_362 step %scan3A_363  : i32 {
      %mul3A_1354 = arith.constant 16 : i32
      %mul3A_1355 = arith.muli %scan3A_1353, %mul3A_1354 : i32
      %add3A_1356 = arith.constant 1024 : i32
      %add3A_1357 = arith.addi %add3A_1356, %mul3A_1355 : i32
      %get3A = arith.index_cast %add3A_1357 : i32 to index
      %get3A_1358 = tpu.vector_load %arg5[%get3A] {strides = array<i32>} : memref<3200xi32, #tpu.memory_space<vmem>>, vector<16xi32>,
      %get3A_1359 = vector.shape_cast %get3A_1358 : vector<16xi32> to vector<16xi32>
      %sub3A = arith.constant 1 : i32
      %sub3A_1360 = vector.broadcast %sub3A : i32 to vector<16xi32>
      %sub3A_1361 = arith.subi %get3A_1359, %sub3A_1360 : vector<16xi32>
      %swap3A = arith.index_cast %add3A_1357 : i32 to index
      %swap3A_1362 = tpu.vector_load %arg5[%swap3A] {strides = array<i32>} : memref<3200xi32, #tpu.memory_space<vmem>>, vector<16xi32>,
      %swap3A_1363 = vector.shape_cast %swap3A_1362 : vector<16xi32> to vector<16xi32>
      %swap3A_1364 = vector.shape_cast %sub3A_1361 : vector<16xi32> to vector<16xi32>
      tpu.vector_store %arg5[%swap3A], %swap3A_1364 {strides = array<i32>} : memref<3200xi32, #tpu.memory_space<vmem>>, vector<16xi32>,
    }
    %scan3A_364 = arith.constant 8 : i32
    %dma_start3A_365 = arith.constant 2 : i32
    %dma_start3A_366 = arith.constant 0 : i32
    %dma_start3A_367 = arith.constant 0 : i32
    %dma_start3A_368 = tpu.memref_slice %arg7[%dma_start3A_365, %dma_start3A_366, %dma_start3A_367] : memref<3x128x128xf32, #tpu.memory_space<vmem>> -> memref<1x128x128xf32, #tpu.memory_space<vmem>>
    %dma_start3A_369 = tpu.memref_squeeze %dma_start3A_368 : memref<1x128x128xf32, #tpu.memory_space<vmem>> -> memref<128x128xf32, #tpu.memory_space<vmem>>
    %dma_start3A_370 = arith.constant 1024 : i32
    %dma_start3A_371 = tpu.memref_slice %arg5[%dma_start3A_370] : memref<3200xi32, #tpu.memory_space<vmem>> -> memref<128xi32, #tpu.memory_space<vmem>>
    %dma_start3A_372 = arith.constant 0 : i32
    %dma_start3A_373 = arith.constant 0 : i32
    %dma_start3A_374 = tpu.memref_slice %arg6[%dma_start3A_372, %dma_start3A_373] : memref<94x128xf32, #tpu.memory_space<vmem_shared>> -> memref<94x128xf32, #tpu.memory_space<vmem_shared>>
    tpu.enqueue_indirect_dma source(%dma_start3A_374 : memref<94x128xf32, #tpu.memory_space<vmem_shared>>) target(%dma_start3A_369 : memref<128x128xf32, #tpu.memory_space<vmem>>) offsets(%dma_start3A_371 : memref<128xi32, #tpu.memory_space<vmem>>) semaphore(%arg10 : memref<!tpu.dma_semaphore, #tpu.memory_space<semaphore_mem>>)
    %dma_wait3A_375 = arith.constant 0 : i32
    %dma_wait3A_376 = arith.constant 0 : i32
    %dma_wait3A_377 = arith.constant 0 : i32
    %dma_wait3A_378 = tpu.memref_slice %arg7[%dma_wait3A_375, %dma_wait3A_376, %dma_wait3A_377] : memref<3x128x128xf32, #tpu.memory_space<vmem>> -> memref<1x128x128xf32, #tpu.memory_space<vmem>>
    %dma_wait3A_379 = tpu.memref_squeeze %dma_wait3A_378 : memref<1x128x128xf32, #tpu.memory_space<vmem>> -> memref<128x128xf32, #tpu.memory_space<vmem>>
    %dma_wait3A_380 = arith.constant 768 : i32
    %dma_wait3A_381 = tpu.memref_slice %arg5[%dma_wait3A_380] : memref<3200xi32, #tpu.memory_space<vmem>> -> memref<128xi32, #tpu.memory_space<vmem>>
    %dma_wait3A_382 = arith.constant 0 : i32
    %dma_wait3A_383 = arith.constant 0 : i32
    %dma_wait3A_384 = tpu.memref_slice %arg6[%dma_wait3A_382, %dma_wait3A_383] : memref<94x128xf32, #tpu.memory_space<vmem_shared>> -> memref<94x128xf32, #tpu.memory_space<vmem_shared>>
    tpu.wait_indirect_dma semaphore(%arg8 : memref<!tpu.dma_semaphore, #tpu.memory_space<semaphore_mem>>) src(%dma_wait3A_384 : memref<94x128xf32, #tpu.memory_space<vmem_shared>>) dst(%dma_wait3A_379 : memref<128x128xf32, #tpu.memory_space<vmem>>)
    %add3A_385 = arith.constant 768 : i32
    %add3A_386 = arith.addi %min3A_3, %add3A_385 : i32
    %dma_start3A_387 = arith.constant 0 : i32
    %dma_start3A_388 = arith.constant 0 : i32
    %dma_start3A_389 = arith.constant 0 : i32
    %dma_start3A_390 = tpu.memref_slice %arg7[%dma_start3A_387, %dma_start3A_388, %dma_start3A_389] : memref<3x128x128xf32, #tpu.memory_space<vmem>> -> memref<1x128x128xf32, #tpu.memory_space<vmem>>
    %dma_start3A_391 = tpu.memref_squeeze %dma_start3A_390 : memref<1x128x128xf32, #tpu.memory_space<vmem>> -> memref<128x128xf32, #tpu.memory_space<vmem>>
    %dma_start3A_392 = arith.constant 0 : i32
    %dma_start3A_393 = tpu.memref_slice %arg4[%add3A_386, %dma_start3A_392] : memref<100000x128xf32, #tpu.memory_space<hbm>> -> memref<128x128xf32, #tpu.memory_space<hbm>>
    %dma_start3A_394 = arith.constant 0 : i32
    %dma_start3A_395 = tpu.memref_slice %arg4[%add3A_386, %dma_start3A_394] : memref<100000x128xf32, #tpu.memory_space<hbm>> -> memref<128x128xf32, #tpu.memory_space<hbm>>
    %dma_start3A_396 = arith.constant 0 : i32
    %dma_start3A_397 = arith.constant 0 : i32
    %dma_start3A_398 = tpu.memref_slice %arg7[%dma_start3A_387, %dma_start3A_396, %dma_start3A_397] : memref<3x128x128xf32, #tpu.memory_space<vmem>> -> memref<1x128x128xf32, #tpu.memory_space<vmem>>
    %dma_start3A_399 = tpu.memref_squeeze %dma_start3A_398 : memref<1x128x128xf32, #tpu.memory_space<vmem>> -> memref<128x128xf32, #tpu.memory_space<vmem>>
    tpu.enqueue_dma source(%dma_start3A_399 : memref<128x128xf32, #tpu.memory_space<vmem>>) target(%dma_start3A_395 : memref<128x128xf32, #tpu.memory_space<hbm>>) target_semaphore(%arg11 : memref<!tpu.dma_semaphore, #tpu.memory_space<semaphore_mem>>)
    %dma_wait3A_400 = arith.constant 0 : i32
    %dma_wait3A_401 = arith.constant 0 : i32
    %dma_wait3A_402 = arith.constant 0 : i32
    %dma_wait3A_403 = tpu.memref_slice %arg7[%dma_wait3A_400, %dma_wait3A_401, %dma_wait3A_402] : memref<3x128x128xf32, #tpu.memory_space<vmem>> -> memref<1x128x128xf32, #tpu.memory_space<vmem>>
    %dma_wait3A_404 = tpu.memref_squeeze %dma_wait3A_403 : memref<1x128x128xf32, #tpu.memory_space<vmem>> -> memref<128x128xf32, #tpu.memory_space<vmem>>
    %dma_wait3A_405 = arith.constant 0 : i32
    %dma_wait3A_406 = tpu.memref_slice %arg4[%add3A_386, %dma_wait3A_405] : memref<100000x128xf32, #tpu.memory_space<hbm>> -> memref<128x128xf32, #tpu.memory_space<hbm>>
    %dma_wait3A_407 = arith.constant 0 : i32
    %dma_wait3A_408 = tpu.memref_slice %arg4[%add3A_386, %dma_wait3A_407] : memref<100000x128xf32, #tpu.memory_space<hbm>> -> memref<128x128xf32, #tpu.memory_space<hbm>>
    %dma_wait3A_409 = arith.constant 0 : i32
    %dma_wait3A_410 = arith.constant 0 : i32
    %dma_wait3A_411 = tpu.memref_slice %arg7[%dma_wait3A_400, %dma_wait3A_409, %dma_wait3A_410] : memref<3x128x128xf32, #tpu.memory_space<vmem>> -> memref<1x128x128xf32, #tpu.memory_space<vmem>>
    %dma_wait3A_412 = tpu.memref_squeeze %dma_wait3A_411 : memref<1x128x128xf32, #tpu.memory_space<vmem>> -> memref<128x128xf32, #tpu.memory_space<vmem>>
    tpu.wait_dma2 semaphore(%arg11 : memref<!tpu.dma_semaphore, #tpu.memory_space<semaphore_mem>>) src(%dma_wait3A_412 : memref<128x128xf32, #tpu.memory_space<vmem>>) dst(%dma_wait3A_408 : memref<128x128xf32, #tpu.memory_space<hbm>>)
    %scan3A_413 = arith.constant 0 : i32
    %scan3A_414 = arith.constant 0 : i32
    %scan3A_415 = arith.constant 8 : i32
    %scan3A_416 = arith.addi %scan3A_414, %scan3A_415 : i32
    %scan3A_417 = arith.constant 1 : i32
    scf.for %scan3A_1353 = %scan3A_414 to %scan3A_416 step %scan3A_417  : i32 {
      %mul3A_1354 = arith.constant 16 : i32
      %mul3A_1355 = arith.muli %scan3A_1353, %mul3A_1354 : i32
      %add3A_1356 = arith.constant 1152 : i32
      %add3A_1357 = arith.addi %add3A_1356, %mul3A_1355 : i32
      %get3A = arith.index_cast %add3A_1357 : i32 to index
      %get3A_1358 = tpu.vector_load %arg5[%get3A] {strides = array<i32>} : memref<3200xi32, #tpu.memory_space<vmem>>, vector<16xi32>,
      %get3A_1359 = vector.shape_cast %get3A_1358 : vector<16xi32> to vector<16xi32>
      %sub3A = arith.constant 1 : i32
      %sub3A_1360 = vector.broadcast %sub3A : i32 to vector<16xi32>
      %sub3A_1361 = arith.subi %get3A_1359, %sub3A_1360 : vector<16xi32>
      %swap3A = arith.index_cast %add3A_1357 : i32 to index
      %swap3A_1362 = tpu.vector_load %arg5[%swap3A] {strides = array<i32>} : memref<3200xi32, #tpu.memory_space<vmem>>, vector<16xi32>,
      %swap3A_1363 = vector.shape_cast %swap3A_1362 : vector<16xi32> to vector<16xi32>
      %swap3A_1364 = vector.shape_cast %sub3A_1361 : vector<16xi32> to vector<16xi32>
      tpu.vector_store %arg5[%swap3A], %swap3A_1364 {strides = array<i32>} : memref<3200xi32, #tpu.memory_space<vmem>>, vector<16xi32>,
    }
    %scan3A_418 = arith.constant 8 : i32
    %dma_start3A_419 = arith.constant 0 : i32
    %dma_start3A_420 = arith.constant 0 : i32
    %dma_start3A_421 = arith.constant 0 : i32
    %dma_start3A_422 = tpu.memref_slice %arg7[%dma_start3A_419, %dma_start3A_420, %dma_start3A_421] : memref<3x128x128xf32, #tpu.memory_space<vmem>> -> memref<1x128x128xf32, #tpu.memory_space<vmem>>
    %dma_start3A_423 = tpu.memref_squeeze %dma_start3A_422 : memref<1x128x128xf32, #tpu.memory_space<vmem>> -> memref<128x128xf32, #tpu.memory_space<vmem>>
    %dma_start3A_424 = arith.constant 1152 : i32
    %dma_start3A_425 = tpu.memref_slice %arg5[%dma_start3A_424] : memref<3200xi32, #tpu.memory_space<vmem>> -> memref<128xi32, #tpu.memory_space<vmem>>
    %dma_start3A_426 = arith.constant 0 : i32
    %dma_start3A_427 = arith.constant 0 : i32
    %dma_start3A_428 = tpu.memref_slice %arg6[%dma_start3A_426, %dma_start3A_427] : memref<94x128xf32, #tpu.memory_space<vmem_shared>> -> memref<94x128xf32, #tpu.memory_space<vmem_shared>>
    tpu.enqueue_indirect_dma source(%dma_start3A_428 : memref<94x128xf32, #tpu.memory_space<vmem_shared>>) target(%dma_start3A_423 : memref<128x128xf32, #tpu.memory_space<vmem>>) offsets(%dma_start3A_425 : memref<128xi32, #tpu.memory_space<vmem>>) semaphore(%arg8 : memref<!tpu.dma_semaphore, #tpu.memory_space<semaphore_mem>>)
    %dma_wait3A_429 = arith.constant 1 : i32
    %dma_wait3A_430 = arith.constant 0 : i32
    %dma_wait3A_431 = arith.constant 0 : i32
    %dma_wait3A_432 = tpu.memref_slice %arg7[%dma_wait3A_429, %dma_wait3A_430, %dma_wait3A_431] : memref<3x128x128xf32, #tpu.memory_space<vmem>> -> memref<1x128x128xf32, #tpu.memory_space<vmem>>
    %dma_wait3A_433 = tpu.memref_squeeze %dma_wait3A_432 : memref<1x128x128xf32, #tpu.memory_space<vmem>> -> memref<128x128xf32, #tpu.memory_space<vmem>>
    %dma_wait3A_434 = arith.constant 896 : i32
    %dma_wait3A_435 = tpu.memref_slice %arg5[%dma_wait3A_434] : memref<3200xi32, #tpu.memory_space<vmem>> -> memref<128xi32, #tpu.memory_space<vmem>>
    %dma_wait3A_436 = arith.constant 0 : i32
    %dma_wait3A_437 = arith.constant 0 : i32
    %dma_wait3A_438 = tpu.memref_slice %arg6[%dma_wait3A_436, %dma_wait3A_437] : memref<94x128xf32, #tpu.memory_space<vmem_shared>> -> memref<94x128xf32, #tpu.memory_space<vmem_shared>>
    tpu.wait_indirect_dma semaphore(%arg9 : memref<!tpu.dma_semaphore, #tpu.memory_space<semaphore_mem>>) src(%dma_wait3A_438 : memref<94x128xf32, #tpu.memory_space<vmem_shared>>) dst(%dma_wait3A_433 : memref<128x128xf32, #tpu.memory_space<vmem>>)
    %add3A_439 = arith.constant 896 : i32
    %add3A_440 = arith.addi %min3A_3, %add3A_439 : i32
    %dma_start3A_441 = arith.constant 1 : i32
    %dma_start3A_442 = arith.constant 0 : i32
    %dma_start3A_443 = arith.constant 0 : i32
    %dma_start3A_444 = tpu.memref_slice %arg7[%dma_start3A_441, %dma_start3A_442, %dma_start3A_443] : memref<3x128x128xf32, #tpu.memory_space<vmem>> -> memref<1x128x128xf32, #tpu.memory_space<vmem>>
    %dma_start3A_445 = tpu.memref_squeeze %dma_start3A_444 : memref<1x128x128xf32, #tpu.memory_space<vmem>> -> memref<128x128xf32, #tpu.memory_space<vmem>>
    %dma_start3A_446 = arith.constant 0 : i32
    %dma_start3A_447 = tpu.memref_slice %arg4[%add3A_440, %dma_start3A_446] : memref<100000x128xf32, #tpu.memory_space<hbm>> -> memref<128x128xf32, #tpu.memory_space<hbm>>
    %dma_start3A_448 = arith.constant 0 : i32
    %dma_start3A_449 = tpu.memref_slice %arg4[%add3A_440, %dma_start3A_448] : memref<100000x128xf32, #tpu.memory_space<hbm>> -> memref<128x128xf32, #tpu.memory_space<hbm>>
    %dma_start3A_450 = arith.constant 0 : i32
    %dma_start3A_451 = arith.constant 0 : i32
    %dma_start3A_452 = tpu.memref_slice %arg7[%dma_start3A_441, %dma_start3A_450, %dma_start3A_451] : memref<3x128x128xf32, #tpu.memory_space<vmem>> -> memref<1x128x128xf32, #tpu.memory_space<vmem>>
    %dma_start3A_453 = tpu.memref_squeeze %dma_start3A_452 : memref<1x128x128xf32, #tpu.memory_space<vmem>> -> memref<128x128xf32, #tpu.memory_space<vmem>>
    tpu.enqueue_dma source(%dma_start3A_453 : memref<128x128xf32, #tpu.memory_space<vmem>>) target(%dma_start3A_449 : memref<128x128xf32, #tpu.memory_space<hbm>>) target_semaphore(%arg12 : memref<!tpu.dma_semaphore, #tpu.memory_space<semaphore_mem>>)
    %dma_wait3A_454 = arith.constant 1 : i32
    %dma_wait3A_455 = arith.constant 0 : i32
    %dma_wait3A_456 = arith.constant 0 : i32
    %dma_wait3A_457 = tpu.memref_slice %arg7[%dma_wait3A_454, %dma_wait3A_455, %dma_wait3A_456] : memref<3x128x128xf32, #tpu.memory_space<vmem>> -> memref<1x128x128xf32, #tpu.memory_space<vmem>>
    %dma_wait3A_458 = tpu.memref_squeeze %dma_wait3A_457 : memref<1x128x128xf32, #tpu.memory_space<vmem>> -> memref<128x128xf32, #tpu.memory_space<vmem>>
    %dma_wait3A_459 = arith.constant 0 : i32
    %dma_wait3A_460 = tpu.memref_slice %arg4[%add3A_440, %dma_wait3A_459] : memref<100000x128xf32, #tpu.memory_space<hbm>> -> memref<128x128xf32, #tpu.memory_space<hbm>>
    %dma_wait3A_461 = arith.constant 0 : i32
    %dma_wait3A_462 = tpu.memref_slice %arg4[%add3A_440, %dma_wait3A_461] : memref<100000x128xf32, #tpu.memory_space<hbm>> -> memref<128x128xf32, #tpu.memory_space<hbm>>
    %dma_wait3A_463 = arith.constant 0 : i32
    %dma_wait3A_464 = arith.constant 0 : i32
    %dma_wait3A_465 = tpu.memref_slice %arg7[%dma_wait3A_454, %dma_wait3A_463, %dma_wait3A_464] : memref<3x128x128xf32, #tpu.memory_space<vmem>> -> memref<1x128x128xf32, #tpu.memory_space<vmem>>
    %dma_wait3A_466 = tpu.memref_squeeze %dma_wait3A_465 : memref<1x128x128xf32, #tpu.memory_space<vmem>> -> memref<128x128xf32, #tpu.memory_space<vmem>>
    tpu.wait_dma2 semaphore(%arg12 : memref<!tpu.dma_semaphore, #tpu.memory_space<semaphore_mem>>) src(%dma_wait3A_466 : memref<128x128xf32, #tpu.memory_space<vmem>>) dst(%dma_wait3A_462 : memref<128x128xf32, #tpu.memory_space<hbm>>)
    %scan3A_467 = arith.constant 0 : i32
    %scan3A_468 = arith.constant 0 : i32
    %scan3A_469 = arith.constant 8 : i32
    %scan3A_470 = arith.addi %scan3A_468, %scan3A_469 : i32
    %scan3A_471 = arith.constant 1 : i32
    scf.for %scan3A_1353 = %scan3A_468 to %scan3A_470 step %scan3A_471  : i32 {
      %mul3A_1354 = arith.constant 16 : i32
      %mul3A_1355 = arith.muli %scan3A_1353, %mul3A_1354 : i32
      %add3A_1356 = arith.constant 1280 : i32
      %add3A_1357 = arith.addi %add3A_1356, %mul3A_1355 : i32
      %get3A = arith.index_cast %add3A_1357 : i32 to index
      %get3A_1358 = tpu.vector_load %arg5[%get3A] {strides = array<i32>} : memref<3200xi32, #tpu.memory_space<vmem>>, vector<16xi32>,
      %get3A_1359 = vector.shape_cast %get3A_1358 : vector<16xi32> to vector<16xi32>
      %sub3A = arith.constant 1 : i32
      %sub3A_1360 = vector.broadcast %sub3A : i32 to vector<16xi32>
      %sub3A_1361 = arith.subi %get3A_1359, %sub3A_1360 : vector<16xi32>
      %swap3A = arith.index_cast %add3A_1357 : i32 to index
      %swap3A_1362 = tpu.vector_load %arg5[%swap3A] {strides = array<i32>} : memref<3200xi32, #tpu.memory_space<vmem>>, vector<16xi32>,
      %swap3A_1363 = vector.shape_cast %swap3A_1362 : vector<16xi32> to vector<16xi32>
      %swap3A_1364 = vector.shape_cast %sub3A_1361 : vector<16xi32> to vector<16xi32>
      tpu.vector_store %arg5[%swap3A], %swap3A_1364 {strides = array<i32>} : memref<3200xi32, #tpu.memory_space<vmem>>, vector<16xi32>,
    }
    %scan3A_472 = arith.constant 8 : i32
    %dma_start3A_473 = arith.constant 1 : i32
    %dma_start3A_474 = arith.constant 0 : i32
    %dma_start3A_475 = arith.constant 0 : i32
    %dma_start3A_476 = tpu.memref_slice %arg7[%dma_start3A_473, %dma_start3A_474, %dma_start3A_475] : memref<3x128x128xf32, #tpu.memory_space<vmem>> -> memref<1x128x128xf32, #tpu.memory_space<vmem>>
    %dma_start3A_477 = tpu.memref_squeeze %dma_start3A_476 : memref<1x128x128xf32, #tpu.memory_space<vmem>> -> memref<128x128xf32, #tpu.memory_space<vmem>>
    %dma_start3A_478 = arith.constant 1280 : i32
    %dma_start3A_479 = tpu.memref_slice %arg5[%dma_start3A_478] : memref<3200xi32, #tpu.memory_space<vmem>> -> memref<128xi32, #tpu.memory_space<vmem>>
    %dma_start3A_480 = arith.constant 0 : i32
    %dma_start3A_481 = arith.constant 0 : i32
    %dma_start3A_482 = tpu.memref_slice %arg6[%dma_start3A_480, %dma_start3A_481] : memref<94x128xf32, #tpu.memory_space<vmem_shared>> -> memref<94x128xf32, #tpu.memory_space<vmem_shared>>
    tpu.enqueue_indirect_dma source(%dma_start3A_482 : memref<94x128xf32, #tpu.memory_space<vmem_shared>>) target(%dma_start3A_477 : memref<128x128xf32, #tpu.memory_space<vmem>>) offsets(%dma_start3A_479 : memref<128xi32, #tpu.memory_space<vmem>>) semaphore(%arg9 : memref<!tpu.dma_semaphore, #tpu.memory_space<semaphore_mem>>)
    %dma_wait3A_483 = arith.constant 2 : i32
    %dma_wait3A_484 = arith.constant 0 : i32
    %dma_wait3A_485 = arith.constant 0 : i32
    %dma_wait3A_486 = tpu.memref_slice %arg7[%dma_wait3A_483, %dma_wait3A_484, %dma_wait3A_485] : memref<3x128x128xf32, #tpu.memory_space<vmem>> -> memref<1x128x128xf32, #tpu.memory_space<vmem>>
    %dma_wait3A_487 = tpu.memref_squeeze %dma_wait3A_486 : memref<1x128x128xf32, #tpu.memory_space<vmem>> -> memref<128x128xf32, #tpu.memory_space<vmem>>
    %dma_wait3A_488 = arith.constant 1024 : i32
    %dma_wait3A_489 = tpu.memref_slice %arg5[%dma_wait3A_488] : memref<3200xi32, #tpu.memory_space<vmem>> -> memref<128xi32, #tpu.memory_space<vmem>>
    %dma_wait3A_490 = arith.constant 0 : i32
    %dma_wait3A_491 = arith.constant 0 : i32
    %dma_wait3A_492 = tpu.memref_slice %arg6[%dma_wait3A_490, %dma_wait3A_491] : memref<94x128xf32, #tpu.memory_space<vmem_shared>> -> memref<94x128xf32, #tpu.memory_space<vmem_shared>>
    tpu.wait_indirect_dma semaphore(%arg10 : memref<!tpu.dma_semaphore, #tpu.memory_space<semaphore_mem>>) src(%dma_wait3A_492 : memref<94x128xf32, #tpu.memory_space<vmem_shared>>) dst(%dma_wait3A_487 : memref<128x128xf32, #tpu.memory_space<vmem>>)
    %add3A_493 = arith.constant 1024 : i32
    %add3A_494 = arith.addi %min3A_3, %add3A_493 : i32
    %dma_start3A_495 = arith.constant 2 : i32
    %dma_start3A_496 = arith.constant 0 : i32
    %dma_start3A_497 = arith.constant 0 : i32
    %dma_start3A_498 = tpu.memref_slice %arg7[%dma_start3A_495, %dma_start3A_496, %dma_start3A_497] : memref<3x128x128xf32, #tpu.memory_space<vmem>> -> memref<1x128x128xf32, #tpu.memory_space<vmem>>
    %dma_start3A_499 = tpu.memref_squeeze %dma_start3A_498 : memref<1x128x128xf32, #tpu.memory_space<vmem>> -> memref<128x128xf32, #tpu.memory_space<vmem>>
    %dma_start3A_500 = arith.constant 0 : i32
    %dma_start3A_501 = tpu.memref_slice %arg4[%add3A_494, %dma_start3A_500] : memref<100000x128xf32, #tpu.memory_space<hbm>> -> memref<128x128xf32, #tpu.memory_space<hbm>>
    %dma_start3A_502 = arith.constant 0 : i32
    %dma_start3A_503 = tpu.memref_slice %arg4[%add3A_494, %dma_start3A_502] : memref<100000x128xf32, #tpu.memory_space<hbm>> -> memref<128x128xf32, #tpu.memory_space<hbm>>
    %dma_start3A_504 = arith.constant 0 : i32
    %dma_start3A_505 = arith.constant 0 : i32
    %dma_start3A_506 = tpu.memref_slice %arg7[%dma_start3A_495, %dma_start3A_504, %dma_start3A_505] : memref<3x128x128xf32, #tpu.memory_space<vmem>> -> memref<1x128x128xf32, #tpu.memory_space<vmem>>
    %dma_start3A_507 = tpu.memref_squeeze %dma_start3A_506 : memref<1x128x128xf32, #tpu.memory_space<vmem>> -> memref<128x128xf32, #tpu.memory_space<vmem>>
    tpu.enqueue_dma source(%dma_start3A_507 : memref<128x128xf32, #tpu.memory_space<vmem>>) target(%dma_start3A_503 : memref<128x128xf32, #tpu.memory_space<hbm>>) target_semaphore(%arg13 : memref<!tpu.dma_semaphore, #tpu.memory_space<semaphore_mem>>)
    %dma_wait3A_508 = arith.constant 2 : i32
    %dma_wait3A_509 = arith.constant 0 : i32
    %dma_wait3A_510 = arith.constant 0 : i32
    %dma_wait3A_511 = tpu.memref_slice %arg7[%dma_wait3A_508, %dma_wait3A_509, %dma_wait3A_510] : memref<3x128x128xf32, #tpu.memory_space<vmem>> -> memref<1x128x128xf32, #tpu.memory_space<vmem>>
    %dma_wait3A_512 = tpu.memref_squeeze %dma_wait3A_511 : memref<1x128x128xf32, #tpu.memory_space<vmem>> -> memref<128x128xf32, #tpu.memory_space<vmem>>
    %dma_wait3A_513 = arith.constant 0 : i32
    %dma_wait3A_514 = tpu.memref_slice %arg4[%add3A_494, %dma_wait3A_513] : memref<100000x128xf32, #tpu.memory_space<hbm>> -> memref<128x128xf32, #tpu.memory_space<hbm>>
    %dma_wait3A_515 = arith.constant 0 : i32
    %dma_wait3A_516 = tpu.memref_slice %arg4[%add3A_494, %dma_wait3A_515] : memref<100000x128xf32, #tpu.memory_space<hbm>> -> memref<128x128xf32, #tpu.memory_space<hbm>>
    %dma_wait3A_517 = arith.constant 0 : i32
    %dma_wait3A_518 = arith.constant 0 : i32
    %dma_wait3A_519 = tpu.memref_slice %arg7[%dma_wait3A_508, %dma_wait3A_517, %dma_wait3A_518] : memref<3x128x128xf32, #tpu.memory_space<vmem>> -> memref<1x128x128xf32, #tpu.memory_space<vmem>>
    %dma_wait3A_520 = tpu.memref_squeeze %dma_wait3A_519 : memref<1x128x128xf32, #tpu.memory_space<vmem>> -> memref<128x128xf32, #tpu.memory_space<vmem>>
    tpu.wait_dma2 semaphore(%arg13 : memref<!tpu.dma_semaphore, #tpu.memory_space<semaphore_mem>>) src(%dma_wait3A_520 : memref<128x128xf32, #tpu.memory_space<vmem>>) dst(%dma_wait3A_516 : memref<128x128xf32, #tpu.memory_space<hbm>>)
    %scan3A_521 = arith.constant 0 : i32
    %scan3A_522 = arith.constant 0 : i32
    %scan3A_523 = arith.constant 8 : i32
    %scan3A_524 = arith.addi %scan3A_522, %scan3A_523 : i32
    %scan3A_525 = arith.constant 1 : i32
    scf.for %scan3A_1353 = %scan3A_522 to %scan3A_524 step %scan3A_525  : i32 {
      %mul3A_1354 = arith.constant 16 : i32
      %mul3A_1355 = arith.muli %scan3A_1353, %mul3A_1354 : i32
      %add3A_1356 = arith.constant 1408 : i32
      %add3A_1357 = arith.addi %add3A_1356, %mul3A_1355 : i32
      %get3A = arith.index_cast %add3A_1357 : i32 to index
      %get3A_1358 = tpu.vector_load %arg5[%get3A] {strides = array<i32>} : memref<3200xi32, #tpu.memory_space<vmem>>, vector<16xi32>,
      %get3A_1359 = vector.shape_cast %get3A_1358 : vector<16xi32> to vector<16xi32>
      %sub3A = arith.constant 1 : i32
      %sub3A_1360 = vector.broadcast %sub3A : i32 to vector<16xi32>
      %sub3A_1361 = arith.subi %get3A_1359, %sub3A_1360 : vector<16xi32>
      %swap3A = arith.index_cast %add3A_1357 : i32 to index
      %swap3A_1362 = tpu.vector_load %arg5[%swap3A] {strides = array<i32>} : memref<3200xi32, #tpu.memory_space<vmem>>, vector<16xi32>,
      %swap3A_1363 = vector.shape_cast %swap3A_1362 : vector<16xi32> to vector<16xi32>
      %swap3A_1364 = vector.shape_cast %sub3A_1361 : vector<16xi32> to vector<16xi32>
      tpu.vector_store %arg5[%swap3A], %swap3A_1364 {strides = array<i32>} : memref<3200xi32, #tpu.memory_space<vmem>>, vector<16xi32>,
    }
    %scan3A_526 = arith.constant 8 : i32
    %dma_start3A_527 = arith.constant 2 : i32
    %dma_start3A_528 = arith.constant 0 : i32
    %dma_start3A_529 = arith.constant 0 : i32
    %dma_start3A_530 = tpu.memref_slice %arg7[%dma_start3A_527, %dma_start3A_528, %dma_start3A_529] : memref<3x128x128xf32, #tpu.memory_space<vmem>> -> memref<1x128x128xf32, #tpu.memory_space<vmem>>
    %dma_start3A_531 = tpu.memref_squeeze %dma_start3A_530 : memref<1x128x128xf32, #tpu.memory_space<vmem>> -> memref<128x128xf32, #tpu.memory_space<vmem>>
    %dma_start3A_532 = arith.constant 1408 : i32
    %dma_start3A_533 = tpu.memref_slice %arg5[%dma_start3A_532] : memref<3200xi32, #tpu.memory_space<vmem>> -> memref<128xi32, #tpu.memory_space<vmem>>
    %dma_start3A_534 = arith.constant 0 : i32
    %dma_start3A_535 = arith.constant 0 : i32
    %dma_start3A_536 = tpu.memref_slice %arg6[%dma_start3A_534, %dma_start3A_535] : memref<94x128xf32, #tpu.memory_space<vmem_shared>> -> memref<94x128xf32, #tpu.memory_space<vmem_shared>>
    tpu.enqueue_indirect_dma source(%dma_start3A_536 : memref<94x128xf32, #tpu.memory_space<vmem_shared>>) target(%dma_start3A_531 : memref<128x128xf32, #tpu.memory_space<vmem>>) offsets(%dma_start3A_533 : memref<128xi32, #tpu.memory_space<vmem>>) semaphore(%arg10 : memref<!tpu.dma_semaphore, #tpu.memory_space<semaphore_mem>>)
    %dma_wait3A_537 = arith.constant 0 : i32
    %dma_wait3A_538 = arith.constant 0 : i32
    %dma_wait3A_539 = arith.constant 0 : i32
    %dma_wait3A_540 = tpu.memref_slice %arg7[%dma_wait3A_537, %dma_wait3A_538, %dma_wait3A_539] : memref<3x128x128xf32, #tpu.memory_space<vmem>> -> memref<1x128x128xf32, #tpu.memory_space<vmem>>
    %dma_wait3A_541 = tpu.memref_squeeze %dma_wait3A_540 : memref<1x128x128xf32, #tpu.memory_space<vmem>> -> memref<128x128xf32, #tpu.memory_space<vmem>>
    %dma_wait3A_542 = arith.constant 1152 : i32
    %dma_wait3A_543 = tpu.memref_slice %arg5[%dma_wait3A_542] : memref<3200xi32, #tpu.memory_space<vmem>> -> memref<128xi32, #tpu.memory_space<vmem>>
    %dma_wait3A_544 = arith.constant 0 : i32
    %dma_wait3A_545 = arith.constant 0 : i32
    %dma_wait3A_546 = tpu.memref_slice %arg6[%dma_wait3A_544, %dma_wait3A_545] : memref<94x128xf32, #tpu.memory_space<vmem_shared>> -> memref<94x128xf32, #tpu.memory_space<vmem_shared>>
    tpu.wait_indirect_dma semaphore(%arg8 : memref<!tpu.dma_semaphore, #tpu.memory_space<semaphore_mem>>) src(%dma_wait3A_546 : memref<94x128xf32, #tpu.memory_space<vmem_shared>>) dst(%dma_wait3A_541 : memref<128x128xf32, #tpu.memory_space<vmem>>)
    %add3A_547 = arith.constant 1152 : i32
    %add3A_548 = arith.addi %min3A_3, %add3A_547 : i32
    %dma_start3A_549 = arith.constant 0 : i32
    %dma_start3A_550 = arith.constant 0 : i32
    %dma_start3A_551 = arith.constant 0 : i32
    %dma_start3A_552 = tpu.memref_slice %arg7[%dma_start3A_549, %dma_start3A_550, %dma_start3A_551] : memref<3x128x128xf32, #tpu.memory_space<vmem>> -> memref<1x128x128xf32, #tpu.memory_space<vmem>>
    %dma_start3A_553 = tpu.memref_squeeze %dma_start3A_552 : memref<1x128x128xf32, #tpu.memory_space<vmem>> -> memref<128x128xf32, #tpu.memory_space<vmem>>
    %dma_start3A_554 = arith.constant 0 : i32
    %dma_start3A_555 = tpu.memref_slice %arg4[%add3A_548, %dma_start3A_554] : memref<100000x128xf32, #tpu.memory_space<hbm>> -> memref<128x128xf32, #tpu.memory_space<hbm>>
    %dma_start3A_556 = arith.constant 0 : i32
    %dma_start3A_557 = tpu.memref_slice %arg4[%add3A_548, %dma_start3A_556] : memref<100000x128xf32, #tpu.memory_space<hbm>> -> memref<128x128xf32, #tpu.memory_space<hbm>>
    %dma_start3A_558 = arith.constant 0 : i32
    %dma_start3A_559 = arith.constant 0 : i32
    %dma_start3A_560 = tpu.memref_slice %arg7[%dma_start3A_549, %dma_start3A_558, %dma_start3A_559] : memref<3x128x128xf32, #tpu.memory_space<vmem>> -> memref<1x128x128xf32, #tpu.memory_space<vmem>>
    %dma_start3A_561 = tpu.memref_squeeze %dma_start3A_560 : memref<1x128x128xf32, #tpu.memory_space<vmem>> -> memref<128x128xf32, #tpu.memory_space<vmem>>
    tpu.enqueue_dma source(%dma_start3A_561 : memref<128x128xf32, #tpu.memory_space<vmem>>) target(%dma_start3A_557 : memref<128x128xf32, #tpu.memory_space<hbm>>) target_semaphore(%arg11 : memref<!tpu.dma_semaphore, #tpu.memory_space<semaphore_mem>>)
    %dma_wait3A_562 = arith.constant 0 : i32
    %dma_wait3A_563 = arith.constant 0 : i32
    %dma_wait3A_564 = arith.constant 0 : i32
    %dma_wait3A_565 = tpu.memref_slice %arg7[%dma_wait3A_562, %dma_wait3A_563, %dma_wait3A_564] : memref<3x128x128xf32, #tpu.memory_space<vmem>> -> memref<1x128x128xf32, #tpu.memory_space<vmem>>
    %dma_wait3A_566 = tpu.memref_squeeze %dma_wait3A_565 : memref<1x128x128xf32, #tpu.memory_space<vmem>> -> memref<128x128xf32, #tpu.memory_space<vmem>>
    %dma_wait3A_567 = arith.constant 0 : i32
    %dma_wait3A_568 = tpu.memref_slice %arg4[%add3A_548, %dma_wait3A_567] : memref<100000x128xf32, #tpu.memory_space<hbm>> -> memref<128x128xf32, #tpu.memory_space<hbm>>
    %dma_wait3A_569 = arith.constant 0 : i32
    %dma_wait3A_570 = tpu.memref_slice %arg4[%add3A_548, %dma_wait3A_569] : memref<100000x128xf32, #tpu.memory_space<hbm>> -> memref<128x128xf32, #tpu.memory_space<hbm>>
    %dma_wait3A_571 = arith.constant 0 : i32
    %dma_wait3A_572 = arith.constant 0 : i32
    %dma_wait3A_573 = tpu.memref_slice %arg7[%dma_wait3A_562, %dma_wait3A_571, %dma_wait3A_572] : memref<3x128x128xf32, #tpu.memory_space<vmem>> -> memref<1x128x128xf32, #tpu.memory_space<vmem>>
    %dma_wait3A_574 = tpu.memref_squeeze %dma_wait3A_573 : memref<1x128x128xf32, #tpu.memory_space<vmem>> -> memref<128x128xf32, #tpu.memory_space<vmem>>
    tpu.wait_dma2 semaphore(%arg11 : memref<!tpu.dma_semaphore, #tpu.memory_space<semaphore_mem>>) src(%dma_wait3A_574 : memref<128x128xf32, #tpu.memory_space<vmem>>) dst(%dma_wait3A_570 : memref<128x128xf32, #tpu.memory_space<hbm>>)
    %scan3A_575 = arith.constant 0 : i32
    %scan3A_576 = arith.constant 0 : i32
    %scan3A_577 = arith.constant 8 : i32
    %scan3A_578 = arith.addi %scan3A_576, %scan3A_577 : i32
    %scan3A_579 = arith.constant 1 : i32
    scf.for %scan3A_1353 = %scan3A_576 to %scan3A_578 step %scan3A_579  : i32 {
      %mul3A_1354 = arith.constant 16 : i32
      %mul3A_1355 = arith.muli %scan3A_1353, %mul3A_1354 : i32
      %add3A_1356 = arith.constant 1536 : i32
      %add3A_1357 = arith.addi %add3A_1356, %mul3A_1355 : i32
      %get3A = arith.index_cast %add3A_1357 : i32 to index
      %get3A_1358 = tpu.vector_load %arg5[%get3A] {strides = array<i32>} : memref<3200xi32, #tpu.memory_space<vmem>>, vector<16xi32>,
      %get3A_1359 = vector.shape_cast %get3A_1358 : vector<16xi32> to vector<16xi32>
      %sub3A = arith.constant 1 : i32
      %sub3A_1360 = vector.broadcast %sub3A : i32 to vector<16xi32>
      %sub3A_1361 = arith.subi %get3A_1359, %sub3A_1360 : vector<16xi32>
      %swap3A = arith.index_cast %add3A_1357 : i32 to index
      %swap3A_1362 = tpu.vector_load %arg5[%swap3A] {strides = array<i32>} : memref<3200xi32, #tpu.memory_space<vmem>>, vector<16xi32>,
      %swap3A_1363 = vector.shape_cast %swap3A_1362 : vector<16xi32> to vector<16xi32>
      %swap3A_1364 = vector.shape_cast %sub3A_1361 : vector<16xi32> to vector<16xi32>
      tpu.vector_store %arg5[%swap3A], %swap3A_1364 {strides = array<i32>} : memref<3200xi32, #tpu.memory_space<vmem>>, vector<16xi32>,
    }
    %scan3A_580 = arith.constant 8 : i32
    %dma_start3A_581 = arith.constant 0 : i32
    %dma_start3A_582 = arith.constant 0 : i32
    %dma_start3A_583 = arith.constant 0 : i32
    %dma_start3A_584 = tpu.memref_slice %arg7[%dma_start3A_581, %dma_start3A_582, %dma_start3A_583] : memref<3x128x128xf32, #tpu.memory_space<vmem>> -> memref<1x128x128xf32, #tpu.memory_space<vmem>>
    %dma_start3A_585 = tpu.memref_squeeze %dma_start3A_584 : memref<1x128x128xf32, #tpu.memory_space<vmem>> -> memref<128x128xf32, #tpu.memory_space<vmem>>
    %dma_start3A_586 = arith.constant 1536 : i32
    %dma_start3A_587 = tpu.memref_slice %arg5[%dma_start3A_586] : memref<3200xi32, #tpu.memory_space<vmem>> -> memref<128xi32, #tpu.memory_space<vmem>>
    %dma_start3A_588 = arith.constant 0 : i32
    %dma_start3A_589 = arith.constant 0 : i32
    %dma_start3A_590 = tpu.memref_slice %arg6[%dma_start3A_588, %dma_start3A_589] : memref<94x128xf32, #tpu.memory_space<vmem_shared>> -> memref<94x128xf32, #tpu.memory_space<vmem_shared>>
    tpu.enqueue_indirect_dma source(%dma_start3A_590 : memref<94x128xf32, #tpu.memory_space<vmem_shared>>) target(%dma_start3A_585 : memref<128x128xf32, #tpu.memory_space<vmem>>) offsets(%dma_start3A_587 : memref<128xi32, #tpu.memory_space<vmem>>) semaphore(%arg8 : memref<!tpu.dma_semaphore, #tpu.memory_space<semaphore_mem>>)
    %dma_wait3A_591 = arith.constant 1 : i32
    %dma_wait3A_592 = arith.constant 0 : i32
    %dma_wait3A_593 = arith.constant 0 : i32
    %dma_wait3A_594 = tpu.memref_slice %arg7[%dma_wait3A_591, %dma_wait3A_592, %dma_wait3A_593] : memref<3x128x128xf32, #tpu.memory_space<vmem>> -> memref<1x128x128xf32, #tpu.memory_space<vmem>>
    %dma_wait3A_595 = tpu.memref_squeeze %dma_wait3A_594 : memref<1x128x128xf32, #tpu.memory_space<vmem>> -> memref<128x128xf32, #tpu.memory_space<vmem>>
    %dma_wait3A_596 = arith.constant 1280 : i32
    %dma_wait3A_597 = tpu.memref_slice %arg5[%dma_wait3A_596] : memref<3200xi32, #tpu.memory_space<vmem>> -> memref<128xi32, #tpu.memory_space<vmem>>
    %dma_wait3A_598 = arith.constant 0 : i32
    %dma_wait3A_599 = arith.constant 0 : i32
    %dma_wait3A_600 = tpu.memref_slice %arg6[%dma_wait3A_598, %dma_wait3A_599] : memref<94x128xf32, #tpu.memory_space<vmem_shared>> -> memref<94x128xf32, #tpu.memory_space<vmem_shared>>
    tpu.wait_indirect_dma semaphore(%arg9 : memref<!tpu.dma_semaphore, #tpu.memory_space<semaphore_mem>>) src(%dma_wait3A_600 : memref<94x128xf32, #tpu.memory_space<vmem_shared>>) dst(%dma_wait3A_595 : memref<128x128xf32, #tpu.memory_space<vmem>>)
    %add3A_601 = arith.constant 1280 : i32
    %add3A_602 = arith.addi %min3A_3, %add3A_601 : i32
    %dma_start3A_603 = arith.constant 1 : i32
    %dma_start3A_604 = arith.constant 0 : i32
    %dma_start3A_605 = arith.constant 0 : i32
    %dma_start3A_606 = tpu.memref_slice %arg7[%dma_start3A_603, %dma_start3A_604, %dma_start3A_605] : memref<3x128x128xf32, #tpu.memory_space<vmem>> -> memref<1x128x128xf32, #tpu.memory_space<vmem>>
    %dma_start3A_607 = tpu.memref_squeeze %dma_start3A_606 : memref<1x128x128xf32, #tpu.memory_space<vmem>> -> memref<128x128xf32, #tpu.memory_space<vmem>>
    %dma_start3A_608 = arith.constant 0 : i32
    %dma_start3A_609 = tpu.memref_slice %arg4[%add3A_602, %dma_start3A_608] : memref<100000x128xf32, #tpu.memory_space<hbm>> -> memref<128x128xf32, #tpu.memory_space<hbm>>
    %dma_start3A_610 = arith.constant 0 : i32
    %dma_start3A_611 = tpu.memref_slice %arg4[%add3A_602, %dma_start3A_610] : memref<100000x128xf32, #tpu.memory_space<hbm>> -> memref<128x128xf32, #tpu.memory_space<hbm>>
    %dma_start3A_612 = arith.constant 0 : i32
    %dma_start3A_613 = arith.constant 0 : i32
    %dma_start3A_614 = tpu.memref_slice %arg7[%dma_start3A_603, %dma_start3A_612, %dma_start3A_613] : memref<3x128x128xf32, #tpu.memory_space<vmem>> -> memref<1x128x128xf32, #tpu.memory_space<vmem>>
    %dma_start3A_615 = tpu.memref_squeeze %dma_start3A_614 : memref<1x128x128xf32, #tpu.memory_space<vmem>> -> memref<128x128xf32, #tpu.memory_space<vmem>>
    tpu.enqueue_dma source(%dma_start3A_615 : memref<128x128xf32, #tpu.memory_space<vmem>>) target(%dma_start3A_611 : memref<128x128xf32, #tpu.memory_space<hbm>>) target_semaphore(%arg12 : memref<!tpu.dma_semaphore, #tpu.memory_space<semaphore_mem>>)
    %dma_wait3A_616 = arith.constant 1 : i32
    %dma_wait3A_617 = arith.constant 0 : i32
    %dma_wait3A_618 = arith.constant 0 : i32
    %dma_wait3A_619 = tpu.memref_slice %arg7[%dma_wait3A_616, %dma_wait3A_617, %dma_wait3A_618] : memref<3x128x128xf32, #tpu.memory_space<vmem>> -> memref<1x128x128xf32, #tpu.memory_space<vmem>>
    %dma_wait3A_620 = tpu.memref_squeeze %dma_wait3A_619 : memref<1x128x128xf32, #tpu.memory_space<vmem>> -> memref<128x128xf32, #tpu.memory_space<vmem>>
    %dma_wait3A_621 = arith.constant 0 : i32
    %dma_wait3A_622 = tpu.memref_slice %arg4[%add3A_602, %dma_wait3A_621] : memref<100000x128xf32, #tpu.memory_space<hbm>> -> memref<128x128xf32, #tpu.memory_space<hbm>>
    %dma_wait3A_623 = arith.constant 0 : i32
    %dma_wait3A_624 = tpu.memref_slice %arg4[%add3A_602, %dma_wait3A_623] : memref<100000x128xf32, #tpu.memory_space<hbm>> -> memref<128x128xf32, #tpu.memory_space<hbm>>
    %dma_wait3A_625 = arith.constant 0 : i32
    %dma_wait3A_626 = arith.constant 0 : i32
    %dma_wait3A_627 = tpu.memref_slice %arg7[%dma_wait3A_616, %dma_wait3A_625, %dma_wait3A_626] : memref<3x128x128xf32, #tpu.memory_space<vmem>> -> memref<1x128x128xf32, #tpu.memory_space<vmem>>
    %dma_wait3A_628 = tpu.memref_squeeze %dma_wait3A_627 : memref<1x128x128xf32, #tpu.memory_space<vmem>> -> memref<128x128xf32, #tpu.memory_space<vmem>>
    tpu.wait_dma2 semaphore(%arg12 : memref<!tpu.dma_semaphore, #tpu.memory_space<semaphore_mem>>) src(%dma_wait3A_628 : memref<128x128xf32, #tpu.memory_space<vmem>>) dst(%dma_wait3A_624 : memref<128x128xf32, #tpu.memory_space<hbm>>)
    %scan3A_629 = arith.constant 0 : i32
    %scan3A_630 = arith.constant 0 : i32
    %scan3A_631 = arith.constant 8 : i32
    %scan3A_632 = arith.addi %scan3A_630, %scan3A_631 : i32
    %scan3A_633 = arith.constant 1 : i32
    scf.for %scan3A_1353 = %scan3A_630 to %scan3A_632 step %scan3A_633  : i32 {
      %mul3A_1354 = arith.constant 16 : i32
      %mul3A_1355 = arith.muli %scan3A_1353, %mul3A_1354 : i32
      %add3A_1356 = arith.constant 1664 : i32
      %add3A_1357 = arith.addi %add3A_1356, %mul3A_1355 : i32
      %get3A = arith.index_cast %add3A_1357 : i32 to index
      %get3A_1358 = tpu.vector_load %arg5[%get3A] {strides = array<i32>} : memref<3200xi32, #tpu.memory_space<vmem>>, vector<16xi32>,
      %get3A_1359 = vector.shape_cast %get3A_1358 : vector<16xi32> to vector<16xi32>
      %sub3A = arith.constant 1 : i32
      %sub3A_1360 = vector.broadcast %sub3A : i32 to vector<16xi32>
      %sub3A_1361 = arith.subi %get3A_1359, %sub3A_1360 : vector<16xi32>
      %swap3A = arith.index_cast %add3A_1357 : i32 to index
      %swap3A_1362 = tpu.vector_load %arg5[%swap3A] {strides = array<i32>} : memref<3200xi32, #tpu.memory_space<vmem>>, vector<16xi32>,
      %swap3A_1363 = vector.shape_cast %swap3A_1362 : vector<16xi32> to vector<16xi32>
      %swap3A_1364 = vector.shape_cast %sub3A_1361 : vector<16xi32> to vector<16xi32>
      tpu.vector_store %arg5[%swap3A], %swap3A_1364 {strides = array<i32>} : memref<3200xi32, #tpu.memory_space<vmem>>, vector<16xi32>,
    }
    %scan3A_634 = arith.constant 8 : i32
    %dma_start3A_635 = arith.constant 1 : i32
    %dma_start3A_636 = arith.constant 0 : i32
    %dma_start3A_637 = arith.constant 0 : i32
    %dma_start3A_638 = tpu.memref_slice %arg7[%dma_start3A_635, %dma_start3A_636, %dma_start3A_637] : memref<3x128x128xf32, #tpu.memory_space<vmem>> -> memref<1x128x128xf32, #tpu.memory_space<vmem>>
    %dma_start3A_639 = tpu.memref_squeeze %dma_start3A_638 : memref<1x128x128xf32, #tpu.memory_space<vmem>> -> memref<128x128xf32, #tpu.memory_space<vmem>>
    %dma_start3A_640 = arith.constant 1664 : i32
    %dma_start3A_641 = tpu.memref_slice %arg5[%dma_start3A_640] : memref<3200xi32, #tpu.memory_space<vmem>> -> memref<128xi32, #tpu.memory_space<vmem>>
    %dma_start3A_642 = arith.constant 0 : i32
    %dma_start3A_643 = arith.constant 0 : i32
    %dma_start3A_644 = tpu.memref_slice %arg6[%dma_start3A_642, %dma_start3A_643] : memref<94x128xf32, #tpu.memory_space<vmem_shared>> -> memref<94x128xf32, #tpu.memory_space<vmem_shared>>
    tpu.enqueue_indirect_dma source(%dma_start3A_644 : memref<94x128xf32, #tpu.memory_space<vmem_shared>>) target(%dma_start3A_639 : memref<128x128xf32, #tpu.memory_space<vmem>>) offsets(%dma_start3A_641 : memref<128xi32, #tpu.memory_space<vmem>>) semaphore(%arg9 : memref<!tpu.dma_semaphore, #tpu.memory_space<semaphore_mem>>)
    %dma_wait3A_645 = arith.constant 2 : i32
    %dma_wait3A_646 = arith.constant 0 : i32
    %dma_wait3A_647 = arith.constant 0 : i32
    %dma_wait3A_648 = tpu.memref_slice %arg7[%dma_wait3A_645, %dma_wait3A_646, %dma_wait3A_647] : memref<3x128x128xf32, #tpu.memory_space<vmem>> -> memref<1x128x128xf32, #tpu.memory_space<vmem>>
    %dma_wait3A_649 = tpu.memref_squeeze %dma_wait3A_648 : memref<1x128x128xf32, #tpu.memory_space<vmem>> -> memref<128x128xf32, #tpu.memory_space<vmem>>
    %dma_wait3A_650 = arith.constant 1408 : i32
    %dma_wait3A_651 = tpu.memref_slice %arg5[%dma_wait3A_650] : memref<3200xi32, #tpu.memory_space<vmem>> -> memref<128xi32, #tpu.memory_space<vmem>>
    %dma_wait3A_652 = arith.constant 0 : i32
    %dma_wait3A_653 = arith.constant 0 : i32
    %dma_wait3A_654 = tpu.memref_slice %arg6[%dma_wait3A_652, %dma_wait3A_653] : memref<94x128xf32, #tpu.memory_space<vmem_shared>> -> memref<94x128xf32, #tpu.memory_space<vmem_shared>>
    tpu.wait_indirect_dma semaphore(%arg10 : memref<!tpu.dma_semaphore, #tpu.memory_space<semaphore_mem>>) src(%dma_wait3A_654 : memref<94x128xf32, #tpu.memory_space<vmem_shared>>) dst(%dma_wait3A_649 : memref<128x128xf32, #tpu.memory_space<vmem>>)
    %add3A_655 = arith.constant 1408 : i32
    %add3A_656 = arith.addi %min3A_3, %add3A_655 : i32
    %dma_start3A_657 = arith.constant 2 : i32
    %dma_start3A_658 = arith.constant 0 : i32
    %dma_start3A_659 = arith.constant 0 : i32
    %dma_start3A_660 = tpu.memref_slice %arg7[%dma_start3A_657, %dma_start3A_658, %dma_start3A_659] : memref<3x128x128xf32, #tpu.memory_space<vmem>> -> memref<1x128x128xf32, #tpu.memory_space<vmem>>
    %dma_start3A_661 = tpu.memref_squeeze %dma_start3A_660 : memref<1x128x128xf32, #tpu.memory_space<vmem>> -> memref<128x128xf32, #tpu.memory_space<vmem>>
    %dma_start3A_662 = arith.constant 0 : i32
    %dma_start3A_663 = tpu.memref_slice %arg4[%add3A_656, %dma_start3A_662] : memref<100000x128xf32, #tpu.memory_space<hbm>> -> memref<128x128xf32, #tpu.memory_space<hbm>>
    %dma_start3A_664 = arith.constant 0 : i32
    %dma_start3A_665 = tpu.memref_slice %arg4[%add3A_656, %dma_start3A_664] : memref<100000x128xf32, #tpu.memory_space<hbm>> -> memref<128x128xf32, #tpu.memory_space<hbm>>
    %dma_start3A_666 = arith.constant 0 : i32
    %dma_start3A_667 = arith.constant 0 : i32
    %dma_start3A_668 = tpu.memref_slice %arg7[%dma_start3A_657, %dma_start3A_666, %dma_start3A_667] : memref<3x128x128xf32, #tpu.memory_space<vmem>> -> memref<1x128x128xf32, #tpu.memory_space<vmem>>
    %dma_start3A_669 = tpu.memref_squeeze %dma_start3A_668 : memref<1x128x128xf32, #tpu.memory_space<vmem>> -> memref<128x128xf32, #tpu.memory_space<vmem>>
    tpu.enqueue_dma source(%dma_start3A_669 : memref<128x128xf32, #tpu.memory_space<vmem>>) target(%dma_start3A_665 : memref<128x128xf32, #tpu.memory_space<hbm>>) target_semaphore(%arg13 : memref<!tpu.dma_semaphore, #tpu.memory_space<semaphore_mem>>)
    %dma_wait3A_670 = arith.constant 2 : i32
    %dma_wait3A_671 = arith.constant 0 : i32
    %dma_wait3A_672 = arith.constant 0 : i32
    %dma_wait3A_673 = tpu.memref_slice %arg7[%dma_wait3A_670, %dma_wait3A_671, %dma_wait3A_672] : memref<3x128x128xf32, #tpu.memory_space<vmem>> -> memref<1x128x128xf32, #tpu.memory_space<vmem>>
    %dma_wait3A_674 = tpu.memref_squeeze %dma_wait3A_673 : memref<1x128x128xf32, #tpu.memory_space<vmem>> -> memref<128x128xf32, #tpu.memory_space<vmem>>
    %dma_wait3A_675 = arith.constant 0 : i32
    %dma_wait3A_676 = tpu.memref_slice %arg4[%add3A_656, %dma_wait3A_675] : memref<100000x128xf32, #tpu.memory_space<hbm>> -> memref<128x128xf32, #tpu.memory_space<hbm>>
    %dma_wait3A_677 = arith.constant 0 : i32
    %dma_wait3A_678 = tpu.memref_slice %arg4[%add3A_656, %dma_wait3A_677] : memref<100000x128xf32, #tpu.memory_space<hbm>> -> memref<128x128xf32, #tpu.memory_space<hbm>>
    %dma_wait3A_679 = arith.constant 0 : i32
    %dma_wait3A_680 = arith.constant 0 : i32
    %dma_wait3A_681 = tpu.memref_slice %arg7[%dma_wait3A_670, %dma_wait3A_679, %dma_wait3A_680] : memref<3x128x128xf32, #tpu.memory_space<vmem>> -> memref<1x128x128xf32, #tpu.memory_space<vmem>>
    %dma_wait3A_682 = tpu.memref_squeeze %dma_wait3A_681 : memref<1x128x128xf32, #tpu.memory_space<vmem>> -> memref<128x128xf32, #tpu.memory_space<vmem>>
    tpu.wait_dma2 semaphore(%arg13 : memref<!tpu.dma_semaphore, #tpu.memory_space<semaphore_mem>>) src(%dma_wait3A_682 : memref<128x128xf32, #tpu.memory_space<vmem>>) dst(%dma_wait3A_678 : memref<128x128xf32, #tpu.memory_space<hbm>>)
    %scan3A_683 = arith.constant 0 : i32
    %scan3A_684 = arith.constant 0 : i32
    %scan3A_685 = arith.constant 8 : i32
    %scan3A_686 = arith.addi %scan3A_684, %scan3A_685 : i32
    %scan3A_687 = arith.constant 1 : i32
    scf.for %scan3A_1353 = %scan3A_684 to %scan3A_686 step %scan3A_687  : i32 {
      %mul3A_1354 = arith.constant 16 : i32
      %mul3A_1355 = arith.muli %scan3A_1353, %mul3A_1354 : i32
      %add3A_1356 = arith.constant 1792 : i32
      %add3A_1357 = arith.addi %add3A_1356, %mul3A_1355 : i32
      %get3A = arith.index_cast %add3A_1357 : i32 to index
      %get3A_1358 = tpu.vector_load %arg5[%get3A] {strides = array<i32>} : memref<3200xi32, #tpu.memory_space<vmem>>, vector<16xi32>,
      %get3A_1359 = vector.shape_cast %get3A_1358 : vector<16xi32> to vector<16xi32>
      %sub3A = arith.constant 1 : i32
      %sub3A_1360 = vector.broadcast %sub3A : i32 to vector<16xi32>
      %sub3A_1361 = arith.subi %get3A_1359, %sub3A_1360 : vector<16xi32>
      %swap3A = arith.index_cast %add3A_1357 : i32 to index
      %swap3A_1362 = tpu.vector_load %arg5[%swap3A] {strides = array<i32>} : memref<3200xi32, #tpu.memory_space<vmem>>, vector<16xi32>,
      %swap3A_1363 = vector.shape_cast %swap3A_1362 : vector<16xi32> to vector<16xi32>
      %swap3A_1364 = vector.shape_cast %sub3A_1361 : vector<16xi32> to vector<16xi32>
      tpu.vector_store %arg5[%swap3A], %swap3A_1364 {strides = array<i32>} : memref<3200xi32, #tpu.memory_space<vmem>>, vector<16xi32>,
    }
    %scan3A_688 = arith.constant 8 : i32
    %dma_start3A_689 = arith.constant 2 : i32
    %dma_start3A_690 = arith.constant 0 : i32
    %dma_start3A_691 = arith.constant 0 : i32
    %dma_start3A_692 = tpu.memref_slice %arg7[%dma_start3A_689, %dma_start3A_690, %dma_start3A_691] : memref<3x128x128xf32, #tpu.memory_space<vmem>> -> memref<1x128x128xf32, #tpu.memory_space<vmem>>
    %dma_start3A_693 = tpu.memref_squeeze %dma_start3A_692 : memref<1x128x128xf32, #tpu.memory_space<vmem>> -> memref<128x128xf32, #tpu.memory_space<vmem>>
    %dma_start3A_694 = arith.constant 1792 : i32
    %dma_start3A_695 = tpu.memref_slice %arg5[%dma_start3A_694] : memref<3200xi32, #tpu.memory_space<vmem>> -> memref<128xi32, #tpu.memory_space<vmem>>
    %dma_start3A_696 = arith.constant 0 : i32
    %dma_start3A_697 = arith.constant 0 : i32
    %dma_start3A_698 = tpu.memref_slice %arg6[%dma_start3A_696, %dma_start3A_697] : memref<94x128xf32, #tpu.memory_space<vmem_shared>> -> memref<94x128xf32, #tpu.memory_space<vmem_shared>>
    tpu.enqueue_indirect_dma source(%dma_start3A_698 : memref<94x128xf32, #tpu.memory_space<vmem_shared>>) target(%dma_start3A_693 : memref<128x128xf32, #tpu.memory_space<vmem>>) offsets(%dma_start3A_695 : memref<128xi32, #tpu.memory_space<vmem>>) semaphore(%arg10 : memref<!tpu.dma_semaphore, #tpu.memory_space<semaphore_mem>>)
    %dma_wait3A_699 = arith.constant 0 : i32
    %dma_wait3A_700 = arith.constant 0 : i32
    %dma_wait3A_701 = arith.constant 0 : i32
    %dma_wait3A_702 = tpu.memref_slice %arg7[%dma_wait3A_699, %dma_wait3A_700, %dma_wait3A_701] : memref<3x128x128xf32, #tpu.memory_space<vmem>> -> memref<1x128x128xf32, #tpu.memory_space<vmem>>
    %dma_wait3A_703 = tpu.memref_squeeze %dma_wait3A_702 : memref<1x128x128xf32, #tpu.memory_space<vmem>> -> memref<128x128xf32, #tpu.memory_space<vmem>>
    %dma_wait3A_704 = arith.constant 1536 : i32
    %dma_wait3A_705 = tpu.memref_slice %arg5[%dma_wait3A_704] : memref<3200xi32, #tpu.memory_space<vmem>> -> memref<128xi32, #tpu.memory_space<vmem>>
    %dma_wait3A_706 = arith.constant 0 : i32
    %dma_wait3A_707 = arith.constant 0 : i32
    %dma_wait3A_708 = tpu.memref_slice %arg6[%dma_wait3A_706, %dma_wait3A_707] : memref<94x128xf32, #tpu.memory_space<vmem_shared>> -> memref<94x128xf32, #tpu.memory_space<vmem_shared>>
    tpu.wait_indirect_dma semaphore(%arg8 : memref<!tpu.dma_semaphore, #tpu.memory_space<semaphore_mem>>) src(%dma_wait3A_708 : memref<94x128xf32, #tpu.memory_space<vmem_shared>>) dst(%dma_wait3A_703 : memref<128x128xf32, #tpu.memory_space<vmem>>)
    %add3A_709 = arith.constant 1536 : i32
    %add3A_710 = arith.addi %min3A_3, %add3A_709 : i32
    %dma_start3A_711 = arith.constant 0 : i32
    %dma_start3A_712 = arith.constant 0 : i32
    %dma_start3A_713 = arith.constant 0 : i32
    %dma_start3A_714 = tpu.memref_slice %arg7[%dma_start3A_711, %dma_start3A_712, %dma_start3A_713] : memref<3x128x128xf32, #tpu.memory_space<vmem>> -> memref<1x128x128xf32, #tpu.memory_space<vmem>>
    %dma_start3A_715 = tpu.memref_squeeze %dma_start3A_714 : memref<1x128x128xf32, #tpu.memory_space<vmem>> -> memref<128x128xf32, #tpu.memory_space<vmem>>
    %dma_start3A_716 = arith.constant 0 : i32
    %dma_start3A_717 = tpu.memref_slice %arg4[%add3A_710, %dma_start3A_716] : memref<100000x128xf32, #tpu.memory_space<hbm>> -> memref<128x128xf32, #tpu.memory_space<hbm>>
    %dma_start3A_718 = arith.constant 0 : i32
    %dma_start3A_719 = tpu.memref_slice %arg4[%add3A_710, %dma_start3A_718] : memref<100000x128xf32, #tpu.memory_space<hbm>> -> memref<128x128xf32, #tpu.memory_space<hbm>>
    %dma_start3A_720 = arith.constant 0 : i32
    %dma_start3A_721 = arith.constant 0 : i32
    %dma_start3A_722 = tpu.memref_slice %arg7[%dma_start3A_711, %dma_start3A_720, %dma_start3A_721] : memref<3x128x128xf32, #tpu.memory_space<vmem>> -> memref<1x128x128xf32, #tpu.memory_space<vmem>>
    %dma_start3A_723 = tpu.memref_squeeze %dma_start3A_722 : memref<1x128x128xf32, #tpu.memory_space<vmem>> -> memref<128x128xf32, #tpu.memory_space<vmem>>
    tpu.enqueue_dma source(%dma_start3A_723 : memref<128x128xf32, #tpu.memory_space<vmem>>) target(%dma_start3A_719 : memref<128x128xf32, #tpu.memory_space<hbm>>) target_semaphore(%arg11 : memref<!tpu.dma_semaphore, #tpu.memory_space<semaphore_mem>>)
    %dma_wait3A_724 = arith.constant 0 : i32
    %dma_wait3A_725 = arith.constant 0 : i32
    %dma_wait3A_726 = arith.constant 0 : i32
    %dma_wait3A_727 = tpu.memref_slice %arg7[%dma_wait3A_724, %dma_wait3A_725, %dma_wait3A_726] : memref<3x128x128xf32, #tpu.memory_space<vmem>> -> memref<1x128x128xf32, #tpu.memory_space<vmem>>
    %dma_wait3A_728 = tpu.memref_squeeze %dma_wait3A_727 : memref<1x128x128xf32, #tpu.memory_space<vmem>> -> memref<128x128xf32, #tpu.memory_space<vmem>>
    %dma_wait3A_729 = arith.constant 0 : i32
    %dma_wait3A_730 = tpu.memref_slice %arg4[%add3A_710, %dma_wait3A_729] : memref<100000x128xf32, #tpu.memory_space<hbm>> -> memref<128x128xf32, #tpu.memory_space<hbm>>
    %dma_wait3A_731 = arith.constant 0 : i32
    %dma_wait3A_732 = tpu.memref_slice %arg4[%add3A_710, %dma_wait3A_731] : memref<100000x128xf32, #tpu.memory_space<hbm>> -> memref<128x128xf32, #tpu.memory_space<hbm>>
    %dma_wait3A_733 = arith.constant 0 : i32
    %dma_wait3A_734 = arith.constant 0 : i32
    %dma_wait3A_735 = tpu.memref_slice %arg7[%dma_wait3A_724, %dma_wait3A_733, %dma_wait3A_734] : memref<3x128x128xf32, #tpu.memory_space<vmem>> -> memref<1x128x128xf32, #tpu.memory_space<vmem>>
    %dma_wait3A_736 = tpu.memref_squeeze %dma_wait3A_735 : memref<1x128x128xf32, #tpu.memory_space<vmem>> -> memref<128x128xf32, #tpu.memory_space<vmem>>
    tpu.wait_dma2 semaphore(%arg11 : memref<!tpu.dma_semaphore, #tpu.memory_space<semaphore_mem>>) src(%dma_wait3A_736 : memref<128x128xf32, #tpu.memory_space<vmem>>) dst(%dma_wait3A_732 : memref<128x128xf32, #tpu.memory_space<hbm>>)
    %scan3A_737 = arith.constant 0 : i32
    %scan3A_738 = arith.constant 0 : i32
    %scan3A_739 = arith.constant 8 : i32
    %scan3A_740 = arith.addi %scan3A_738, %scan3A_739 : i32
    %scan3A_741 = arith.constant 1 : i32
    scf.for %scan3A_1353 = %scan3A_738 to %scan3A_740 step %scan3A_741  : i32 {
      %mul3A_1354 = arith.constant 16 : i32
      %mul3A_1355 = arith.muli %scan3A_1353, %mul3A_1354 : i32
      %add3A_1356 = arith.constant 1920 : i32
      %add3A_1357 = arith.addi %add3A_1356, %mul3A_1355 : i32
      %get3A = arith.index_cast %add3A_1357 : i32 to index
      %get3A_1358 = tpu.vector_load %arg5[%get3A] {strides = array<i32>} : memref<3200xi32, #tpu.memory_space<vmem>>, vector<16xi32>,
      %get3A_1359 = vector.shape_cast %get3A_1358 : vector<16xi32> to vector<16xi32>
      %sub3A = arith.constant 1 : i32
      %sub3A_1360 = vector.broadcast %sub3A : i32 to vector<16xi32>
      %sub3A_1361 = arith.subi %get3A_1359, %sub3A_1360 : vector<16xi32>
      %swap3A = arith.index_cast %add3A_1357 : i32 to index
      %swap3A_1362 = tpu.vector_load %arg5[%swap3A] {strides = array<i32>} : memref<3200xi32, #tpu.memory_space<vmem>>, vector<16xi32>,
      %swap3A_1363 = vector.shape_cast %swap3A_1362 : vector<16xi32> to vector<16xi32>
      %swap3A_1364 = vector.shape_cast %sub3A_1361 : vector<16xi32> to vector<16xi32>
      tpu.vector_store %arg5[%swap3A], %swap3A_1364 {strides = array<i32>} : memref<3200xi32, #tpu.memory_space<vmem>>, vector<16xi32>,
    }
    %scan3A_742 = arith.constant 8 : i32
    %dma_start3A_743 = arith.constant 0 : i32
    %dma_start3A_744 = arith.constant 0 : i32
    %dma_start3A_745 = arith.constant 0 : i32
    %dma_start3A_746 = tpu.memref_slice %arg7[%dma_start3A_743, %dma_start3A_744, %dma_start3A_745] : memref<3x128x128xf32, #tpu.memory_space<vmem>> -> memref<1x128x128xf32, #tpu.memory_space<vmem>>
    %dma_start3A_747 = tpu.memref_squeeze %dma_start3A_746 : memref<1x128x128xf32, #tpu.memory_space<vmem>> -> memref<128x128xf32, #tpu.memory_space<vmem>>
    %dma_start3A_748 = arith.constant 1920 : i32
    %dma_start3A_749 = tpu.memref_slice %arg5[%dma_start3A_748] : memref<3200xi32, #tpu.memory_space<vmem>> -> memref<128xi32, #tpu.memory_space<vmem>>
    %dma_start3A_750 = arith.constant 0 : i32
    %dma_start3A_751 = arith.constant 0 : i32
    %dma_start3A_752 = tpu.memref_slice %arg6[%dma_start3A_750, %dma_start3A_751] : memref<94x128xf32, #tpu.memory_space<vmem_shared>> -> memref<94x128xf32, #tpu.memory_space<vmem_shared>>
    tpu.enqueue_indirect_dma source(%dma_start3A_752 : memref<94x128xf32, #tpu.memory_space<vmem_shared>>) target(%dma_start3A_747 : memref<128x128xf32, #tpu.memory_space<vmem>>) offsets(%dma_start3A_749 : memref<128xi32, #tpu.memory_space<vmem>>) semaphore(%arg8 : memref<!tpu.dma_semaphore, #tpu.memory_space<semaphore_mem>>)
    %dma_wait3A_753 = arith.constant 1 : i32
    %dma_wait3A_754 = arith.constant 0 : i32
    %dma_wait3A_755 = arith.constant 0 : i32
    %dma_wait3A_756 = tpu.memref_slice %arg7[%dma_wait3A_753, %dma_wait3A_754, %dma_wait3A_755] : memref<3x128x128xf32, #tpu.memory_space<vmem>> -> memref<1x128x128xf32, #tpu.memory_space<vmem>>
    %dma_wait3A_757 = tpu.memref_squeeze %dma_wait3A_756 : memref<1x128x128xf32, #tpu.memory_space<vmem>> -> memref<128x128xf32, #tpu.memory_space<vmem>>
    %dma_wait3A_758 = arith.constant 1664 : i32
    %dma_wait3A_759 = tpu.memref_slice %arg5[%dma_wait3A_758] : memref<3200xi32, #tpu.memory_space<vmem>> -> memref<128xi32, #tpu.memory_space<vmem>>
    %dma_wait3A_760 = arith.constant 0 : i32
    %dma_wait3A_761 = arith.constant 0 : i32
    %dma_wait3A_762 = tpu.memref_slice %arg6[%dma_wait3A_760, %dma_wait3A_761] : memref<94x128xf32, #tpu.memory_space<vmem_shared>> -> memref<94x128xf32, #tpu.memory_space<vmem_shared>>
    tpu.wait_indirect_dma semaphore(%arg9 : memref<!tpu.dma_semaphore, #tpu.memory_space<semaphore_mem>>) src(%dma_wait3A_762 : memref<94x128xf32, #tpu.memory_space<vmem_shared>>) dst(%dma_wait3A_757 : memref<128x128xf32, #tpu.memory_space<vmem>>)
    %add3A_763 = arith.constant 1664 : i32
    %add3A_764 = arith.addi %min3A_3, %add3A_763 : i32
    %dma_start3A_765 = arith.constant 1 : i32
    %dma_start3A_766 = arith.constant 0 : i32
    %dma_start3A_767 = arith.constant 0 : i32
    %dma_start3A_768 = tpu.memref_slice %arg7[%dma_start3A_765, %dma_start3A_766, %dma_start3A_767] : memref<3x128x128xf32, #tpu.memory_space<vmem>> -> memref<1x128x128xf32, #tpu.memory_space<vmem>>
    %dma_start3A_769 = tpu.memref_squeeze %dma_start3A_768 : memref<1x128x128xf32, #tpu.memory_space<vmem>> -> memref<128x128xf32, #tpu.memory_space<vmem>>
    %dma_start3A_770 = arith.constant 0 : i32
    %dma_start3A_771 = tpu.memref_slice %arg4[%add3A_764, %dma_start3A_770] : memref<100000x128xf32, #tpu.memory_space<hbm>> -> memref<128x128xf32, #tpu.memory_space<hbm>>
    %dma_start3A_772 = arith.constant 0 : i32
    %dma_start3A_773 = tpu.memref_slice %arg4[%add3A_764, %dma_start3A_772] : memref<100000x128xf32, #tpu.memory_space<hbm>> -> memref<128x128xf32, #tpu.memory_space<hbm>>
    %dma_start3A_774 = arith.constant 0 : i32
    %dma_start3A_775 = arith.constant 0 : i32
    %dma_start3A_776 = tpu.memref_slice %arg7[%dma_start3A_765, %dma_start3A_774, %dma_start3A_775] : memref<3x128x128xf32, #tpu.memory_space<vmem>> -> memref<1x128x128xf32, #tpu.memory_space<vmem>>
    %dma_start3A_777 = tpu.memref_squeeze %dma_start3A_776 : memref<1x128x128xf32, #tpu.memory_space<vmem>> -> memref<128x128xf32, #tpu.memory_space<vmem>>
    tpu.enqueue_dma source(%dma_start3A_777 : memref<128x128xf32, #tpu.memory_space<vmem>>) target(%dma_start3A_773 : memref<128x128xf32, #tpu.memory_space<hbm>>) target_semaphore(%arg12 : memref<!tpu.dma_semaphore, #tpu.memory_space<semaphore_mem>>)
    %dma_wait3A_778 = arith.constant 1 : i32
    %dma_wait3A_779 = arith.constant 0 : i32
    %dma_wait3A_780 = arith.constant 0 : i32
    %dma_wait3A_781 = tpu.memref_slice %arg7[%dma_wait3A_778, %dma_wait3A_779, %dma_wait3A_780] : memref<3x128x128xf32, #tpu.memory_space<vmem>> -> memref<1x128x128xf32, #tpu.memory_space<vmem>>
    %dma_wait3A_782 = tpu.memref_squeeze %dma_wait3A_781 : memref<1x128x128xf32, #tpu.memory_space<vmem>> -> memref<128x128xf32, #tpu.memory_space<vmem>>
    %dma_wait3A_783 = arith.constant 0 : i32
    %dma_wait3A_784 = tpu.memref_slice %arg4[%add3A_764, %dma_wait3A_783] : memref<100000x128xf32, #tpu.memory_space<hbm>> -> memref<128x128xf32, #tpu.memory_space<hbm>>
    %dma_wait3A_785 = arith.constant 0 : i32
    %dma_wait3A_786 = tpu.memref_slice %arg4[%add3A_764, %dma_wait3A_785] : memref<100000x128xf32, #tpu.memory_space<hbm>> -> memref<128x128xf32, #tpu.memory_space<hbm>>
    %dma_wait3A_787 = arith.constant 0 : i32
    %dma_wait3A_788 = arith.constant 0 : i32
    %dma_wait3A_789 = tpu.memref_slice %arg7[%dma_wait3A_778, %dma_wait3A_787, %dma_wait3A_788] : memref<3x128x128xf32, #tpu.memory_space<vmem>> -> memref<1x128x128xf32, #tpu.memory_space<vmem>>
    %dma_wait3A_790 = tpu.memref_squeeze %dma_wait3A_789 : memref<1x128x128xf32, #tpu.memory_space<vmem>> -> memref<128x128xf32, #tpu.memory_space<vmem>>
    tpu.wait_dma2 semaphore(%arg12 : memref<!tpu.dma_semaphore, #tpu.memory_space<semaphore_mem>>) src(%dma_wait3A_790 : memref<128x128xf32, #tpu.memory_space<vmem>>) dst(%dma_wait3A_786 : memref<128x128xf32, #tpu.memory_space<hbm>>)
    %scan3A_791 = arith.constant 0 : i32
    %scan3A_792 = arith.constant 0 : i32
    %scan3A_793 = arith.constant 8 : i32
    %scan3A_794 = arith.addi %scan3A_792, %scan3A_793 : i32
    %scan3A_795 = arith.constant 1 : i32
    scf.for %scan3A_1353 = %scan3A_792 to %scan3A_794 step %scan3A_795  : i32 {
      %mul3A_1354 = arith.constant 16 : i32
      %mul3A_1355 = arith.muli %scan3A_1353, %mul3A_1354 : i32
      %add3A_1356 = arith.constant 2048 : i32
      %add3A_1357 = arith.addi %add3A_1356, %mul3A_1355 : i32
      %get3A = arith.index_cast %add3A_1357 : i32 to index
      %get3A_1358 = tpu.vector_load %arg5[%get3A] {strides = array<i32>} : memref<3200xi32, #tpu.memory_space<vmem>>, vector<16xi32>,
      %get3A_1359 = vector.shape_cast %get3A_1358 : vector<16xi32> to vector<16xi32>
      %sub3A = arith.constant 1 : i32
      %sub3A_1360 = vector.broadcast %sub3A : i32 to vector<16xi32>
      %sub3A_1361 = arith.subi %get3A_1359, %sub3A_1360 : vector<16xi32>
      %swap3A = arith.index_cast %add3A_1357 : i32 to index
      %swap3A_1362 = tpu.vector_load %arg5[%swap3A] {strides = array<i32>} : memref<3200xi32, #tpu.memory_space<vmem>>, vector<16xi32>,
      %swap3A_1363 = vector.shape_cast %swap3A_1362 : vector<16xi32> to vector<16xi32>
      %swap3A_1364 = vector.shape_cast %sub3A_1361 : vector<16xi32> to vector<16xi32>
      tpu.vector_store %arg5[%swap3A], %swap3A_1364 {strides = array<i32>} : memref<3200xi32, #tpu.memory_space<vmem>>, vector<16xi32>,
    }
    %scan3A_796 = arith.constant 8 : i32
    %dma_start3A_797 = arith.constant 1 : i32
    %dma_start3A_798 = arith.constant 0 : i32
    %dma_start3A_799 = arith.constant 0 : i32
    %dma_start3A_800 = tpu.memref_slice %arg7[%dma_start3A_797, %dma_start3A_798, %dma_start3A_799] : memref<3x128x128xf32, #tpu.memory_space<vmem>> -> memref<1x128x128xf32, #tpu.memory_space<vmem>>
    %dma_start3A_801 = tpu.memref_squeeze %dma_start3A_800 : memref<1x128x128xf32, #tpu.memory_space<vmem>> -> memref<128x128xf32, #tpu.memory_space<vmem>>
    %dma_start3A_802 = arith.constant 2048 : i32
    %dma_start3A_803 = tpu.memref_slice %arg5[%dma_start3A_802] : memref<3200xi32, #tpu.memory_space<vmem>> -> memref<128xi32, #tpu.memory_space<vmem>>
    %dma_start3A_804 = arith.constant 0 : i32
    %dma_start3A_805 = arith.constant 0 : i32
    %dma_start3A_806 = tpu.memref_slice %arg6[%dma_start3A_804, %dma_start3A_805] : memref<94x128xf32, #tpu.memory_space<vmem_shared>> -> memref<94x128xf32, #tpu.memory_space<vmem_shared>>
    tpu.enqueue_indirect_dma source(%dma_start3A_806 : memref<94x128xf32, #tpu.memory_space<vmem_shared>>) target(%dma_start3A_801 : memref<128x128xf32, #tpu.memory_space<vmem>>) offsets(%dma_start3A_803 : memref<128xi32, #tpu.memory_space<vmem>>) semaphore(%arg9 : memref<!tpu.dma_semaphore, #tpu.memory_space<semaphore_mem>>)
    %dma_wait3A_807 = arith.constant 2 : i32
    %dma_wait3A_808 = arith.constant 0 : i32
    %dma_wait3A_809 = arith.constant 0 : i32
    %dma_wait3A_810 = tpu.memref_slice %arg7[%dma_wait3A_807, %dma_wait3A_808, %dma_wait3A_809] : memref<3x128x128xf32, #tpu.memory_space<vmem>> -> memref<1x128x128xf32, #tpu.memory_space<vmem>>
    %dma_wait3A_811 = tpu.memref_squeeze %dma_wait3A_810 : memref<1x128x128xf32, #tpu.memory_space<vmem>> -> memref<128x128xf32, #tpu.memory_space<vmem>>
    %dma_wait3A_812 = arith.constant 1792 : i32
    %dma_wait3A_813 = tpu.memref_slice %arg5[%dma_wait3A_812] : memref<3200xi32, #tpu.memory_space<vmem>> -> memref<128xi32, #tpu.memory_space<vmem>>
    %dma_wait3A_814 = arith.constant 0 : i32
    %dma_wait3A_815 = arith.constant 0 : i32
    %dma_wait3A_816 = tpu.memref_slice %arg6[%dma_wait3A_814, %dma_wait3A_815] : memref<94x128xf32, #tpu.memory_space<vmem_shared>> -> memref<94x128xf32, #tpu.memory_space<vmem_shared>>
    tpu.wait_indirect_dma semaphore(%arg10 : memref<!tpu.dma_semaphore, #tpu.memory_space<semaphore_mem>>) src(%dma_wait3A_816 : memref<94x128xf32, #tpu.memory_space<vmem_shared>>) dst(%dma_wait3A_811 : memref<128x128xf32, #tpu.memory_space<vmem>>)
    %add3A_817 = arith.constant 1792 : i32
    %add3A_818 = arith.addi %min3A_3, %add3A_817 : i32
    %dma_start3A_819 = arith.constant 2 : i32
    %dma_start3A_820 = arith.constant 0 : i32
    %dma_start3A_821 = arith.constant 0 : i32
    %dma_start3A_822 = tpu.memref_slice %arg7[%dma_start3A_819, %dma_start3A_820, %dma_start3A_821] : memref<3x128x128xf32, #tpu.memory_space<vmem>> -> memref<1x128x128xf32, #tpu.memory_space<vmem>>
    %dma_start3A_823 = tpu.memref_squeeze %dma_start3A_822 : memref<1x128x128xf32, #tpu.memory_space<vmem>> -> memref<128x128xf32, #tpu.memory_space<vmem>>
    %dma_start3A_824 = arith.constant 0 : i32
    %dma_start3A_825 = tpu.memref_slice %arg4[%add3A_818, %dma_start3A_824] : memref<100000x128xf32, #tpu.memory_space<hbm>> -> memref<128x128xf32, #tpu.memory_space<hbm>>
    %dma_start3A_826 = arith.constant 0 : i32
    %dma_start3A_827 = tpu.memref_slice %arg4[%add3A_818, %dma_start3A_826] : memref<100000x128xf32, #tpu.memory_space<hbm>> -> memref<128x128xf32, #tpu.memory_space<hbm>>
    %dma_start3A_828 = arith.constant 0 : i32
    %dma_start3A_829 = arith.constant 0 : i32
    %dma_start3A_830 = tpu.memref_slice %arg7[%dma_start3A_819, %dma_start3A_828, %dma_start3A_829] : memref<3x128x128xf32, #tpu.memory_space<vmem>> -> memref<1x128x128xf32, #tpu.memory_space<vmem>>
    %dma_start3A_831 = tpu.memref_squeeze %dma_start3A_830 : memref<1x128x128xf32, #tpu.memory_space<vmem>> -> memref<128x128xf32, #tpu.memory_space<vmem>>
    tpu.enqueue_dma source(%dma_start3A_831 : memref<128x128xf32, #tpu.memory_space<vmem>>) target(%dma_start3A_827 : memref<128x128xf32, #tpu.memory_space<hbm>>) target_semaphore(%arg13 : memref<!tpu.dma_semaphore, #tpu.memory_space<semaphore_mem>>)
    %dma_wait3A_832 = arith.constant 2 : i32
    %dma_wait3A_833 = arith.constant 0 : i32
    %dma_wait3A_834 = arith.constant 0 : i32
    %dma_wait3A_835 = tpu.memref_slice %arg7[%dma_wait3A_832, %dma_wait3A_833, %dma_wait3A_834] : memref<3x128x128xf32, #tpu.memory_space<vmem>> -> memref<1x128x128xf32, #tpu.memory_space<vmem>>
    %dma_wait3A_836 = tpu.memref_squeeze %dma_wait3A_835 : memref<1x128x128xf32, #tpu.memory_space<vmem>> -> memref<128x128xf32, #tpu.memory_space<vmem>>
    %dma_wait3A_837 = arith.constant 0 : i32
    %dma_wait3A_838 = tpu.memref_slice %arg4[%add3A_818, %dma_wait3A_837] : memref<100000x128xf32, #tpu.memory_space<hbm>> -> memref<128x128xf32, #tpu.memory_space<hbm>>
    %dma_wait3A_839 = arith.constant 0 : i32
    %dma_wait3A_840 = tpu.memref_slice %arg4[%add3A_818, %dma_wait3A_839] : memref<100000x128xf32, #tpu.memory_space<hbm>> -> memref<128x128xf32, #tpu.memory_space<hbm>>
    %dma_wait3A_841 = arith.constant 0 : i32
    %dma_wait3A_842 = arith.constant 0 : i32
    %dma_wait3A_843 = tpu.memref_slice %arg7[%dma_wait3A_832, %dma_wait3A_841, %dma_wait3A_842] : memref<3x128x128xf32, #tpu.memory_space<vmem>> -> memref<1x128x128xf32, #tpu.memory_space<vmem>>
    %dma_wait3A_844 = tpu.memref_squeeze %dma_wait3A_843 : memref<1x128x128xf32, #tpu.memory_space<vmem>> -> memref<128x128xf32, #tpu.memory_space<vmem>>
    tpu.wait_dma2 semaphore(%arg13 : memref<!tpu.dma_semaphore, #tpu.memory_space<semaphore_mem>>) src(%dma_wait3A_844 : memref<128x128xf32, #tpu.memory_space<vmem>>) dst(%dma_wait3A_840 : memref<128x128xf32, #tpu.memory_space<hbm>>)
    %scan3A_845 = arith.constant 0 : i32
    %scan3A_846 = arith.constant 0 : i32
    %scan3A_847 = arith.constant 8 : i32
    %scan3A_848 = arith.addi %scan3A_846, %scan3A_847 : i32
    %scan3A_849 = arith.constant 1 : i32
    scf.for %scan3A_1353 = %scan3A_846 to %scan3A_848 step %scan3A_849  : i32 {
      %mul3A_1354 = arith.constant 16 : i32
      %mul3A_1355 = arith.muli %scan3A_1353, %mul3A_1354 : i32
      %add3A_1356 = arith.constant 2176 : i32
      %add3A_1357 = arith.addi %add3A_1356, %mul3A_1355 : i32
      %get3A = arith.index_cast %add3A_1357 : i32 to index
      %get3A_1358 = tpu.vector_load %arg5[%get3A] {strides = array<i32>} : memref<3200xi32, #tpu.memory_space<vmem>>, vector<16xi32>,
      %get3A_1359 = vector.shape_cast %get3A_1358 : vector<16xi32> to vector<16xi32>
      %sub3A = arith.constant 1 : i32
      %sub3A_1360 = vector.broadcast %sub3A : i32 to vector<16xi32>
      %sub3A_1361 = arith.subi %get3A_1359, %sub3A_1360 : vector<16xi32>
      %swap3A = arith.index_cast %add3A_1357 : i32 to index
      %swap3A_1362 = tpu.vector_load %arg5[%swap3A] {strides = array<i32>} : memref<3200xi32, #tpu.memory_space<vmem>>, vector<16xi32>,
      %swap3A_1363 = vector.shape_cast %swap3A_1362 : vector<16xi32> to vector<16xi32>
      %swap3A_1364 = vector.shape_cast %sub3A_1361 : vector<16xi32> to vector<16xi32>
      tpu.vector_store %arg5[%swap3A], %swap3A_1364 {strides = array<i32>} : memref<3200xi32, #tpu.memory_space<vmem>>, vector<16xi32>,
    }
    %scan3A_850 = arith.constant 8 : i32
    %dma_start3A_851 = arith.constant 2 : i32
    %dma_start3A_852 = arith.constant 0 : i32
    %dma_start3A_853 = arith.constant 0 : i32
    %dma_start3A_854 = tpu.memref_slice %arg7[%dma_start3A_851, %dma_start3A_852, %dma_start3A_853] : memref<3x128x128xf32, #tpu.memory_space<vmem>> -> memref<1x128x128xf32, #tpu.memory_space<vmem>>
    %dma_start3A_855 = tpu.memref_squeeze %dma_start3A_854 : memref<1x128x128xf32, #tpu.memory_space<vmem>> -> memref<128x128xf32, #tpu.memory_space<vmem>>
    %dma_start3A_856 = arith.constant 2176 : i32
    %dma_start3A_857 = tpu.memref_slice %arg5[%dma_start3A_856] : memref<3200xi32, #tpu.memory_space<vmem>> -> memref<128xi32, #tpu.memory_space<vmem>>
    %dma_start3A_858 = arith.constant 0 : i32
    %dma_start3A_859 = arith.constant 0 : i32
    %dma_start3A_860 = tpu.memref_slice %arg6[%dma_start3A_858, %dma_start3A_859] : memref<94x128xf32, #tpu.memory_space<vmem_shared>> -> memref<94x128xf32, #tpu.memory_space<vmem_shared>>
    tpu.enqueue_indirect_dma source(%dma_start3A_860 : memref<94x128xf32, #tpu.memory_space<vmem_shared>>) target(%dma_start3A_855 : memref<128x128xf32, #tpu.memory_space<vmem>>) offsets(%dma_start3A_857 : memref<128xi32, #tpu.memory_space<vmem>>) semaphore(%arg10 : memref<!tpu.dma_semaphore, #tpu.memory_space<semaphore_mem>>)
    %dma_wait3A_861 = arith.constant 0 : i32
    %dma_wait3A_862 = arith.constant 0 : i32
    %dma_wait3A_863 = arith.constant 0 : i32
    %dma_wait3A_864 = tpu.memref_slice %arg7[%dma_wait3A_861, %dma_wait3A_862, %dma_wait3A_863] : memref<3x128x128xf32, #tpu.memory_space<vmem>> -> memref<1x128x128xf32, #tpu.memory_space<vmem>>
    %dma_wait3A_865 = tpu.memref_squeeze %dma_wait3A_864 : memref<1x128x128xf32, #tpu.memory_space<vmem>> -> memref<128x128xf32, #tpu.memory_space<vmem>>
    %dma_wait3A_866 = arith.constant 1920 : i32
    %dma_wait3A_867 = tpu.memref_slice %arg5[%dma_wait3A_866] : memref<3200xi32, #tpu.memory_space<vmem>> -> memref<128xi32, #tpu.memory_space<vmem>>
    %dma_wait3A_868 = arith.constant 0 : i32
    %dma_wait3A_869 = arith.constant 0 : i32
    %dma_wait3A_870 = tpu.memref_slice %arg6[%dma_wait3A_868, %dma_wait3A_869] : memref<94x128xf32, #tpu.memory_space<vmem_shared>> -> memref<94x128xf32, #tpu.memory_space<vmem_shared>>
    tpu.wait_indirect_dma semaphore(%arg8 : memref<!tpu.dma_semaphore, #tpu.memory_space<semaphore_mem>>) src(%dma_wait3A_870 : memref<94x128xf32, #tpu.memory_space<vmem_shared>>) dst(%dma_wait3A_865 : memref<128x128xf32, #tpu.memory_space<vmem>>)
    %add3A_871 = arith.constant 1920 : i32
    %add3A_872 = arith.addi %min3A_3, %add3A_871 : i32
    %dma_start3A_873 = arith.constant 0 : i32
    %dma_start3A_874 = arith.constant 0 : i32
    %dma_start3A_875 = arith.constant 0 : i32
    %dma_start3A_876 = tpu.memref_slice %arg7[%dma_start3A_873, %dma_start3A_874, %dma_start3A_875] : memref<3x128x128xf32, #tpu.memory_space<vmem>> -> memref<1x128x128xf32, #tpu.memory_space<vmem>>
    %dma_start3A_877 = tpu.memref_squeeze %dma_start3A_876 : memref<1x128x128xf32, #tpu.memory_space<vmem>> -> memref<128x128xf32, #tpu.memory_space<vmem>>
    %dma_start3A_878 = arith.constant 0 : i32
    %dma_start3A_879 = tpu.memref_slice %arg4[%add3A_872, %dma_start3A_878] : memref<100000x128xf32, #tpu.memory_space<hbm>> -> memref<128x128xf32, #tpu.memory_space<hbm>>
    %dma_start3A_880 = arith.constant 0 : i32
    %dma_start3A_881 = tpu.memref_slice %arg4[%add3A_872, %dma_start3A_880] : memref<100000x128xf32, #tpu.memory_space<hbm>> -> memref<128x128xf32, #tpu.memory_space<hbm>>
    %dma_start3A_882 = arith.constant 0 : i32
    %dma_start3A_883 = arith.constant 0 : i32
    %dma_start3A_884 = tpu.memref_slice %arg7[%dma_start3A_873, %dma_start3A_882, %dma_start3A_883] : memref<3x128x128xf32, #tpu.memory_space<vmem>> -> memref<1x128x128xf32, #tpu.memory_space<vmem>>
    %dma_start3A_885 = tpu.memref_squeeze %dma_start3A_884 : memref<1x128x128xf32, #tpu.memory_space<vmem>> -> memref<128x128xf32, #tpu.memory_space<vmem>>
    tpu.enqueue_dma source(%dma_start3A_885 : memref<128x128xf32, #tpu.memory_space<vmem>>) target(%dma_start3A_881 : memref<128x128xf32, #tpu.memory_space<hbm>>) target_semaphore(%arg11 : memref<!tpu.dma_semaphore, #tpu.memory_space<semaphore_mem>>)
    %dma_wait3A_886 = arith.constant 0 : i32
    %dma_wait3A_887 = arith.constant 0 : i32
    %dma_wait3A_888 = arith.constant 0 : i32
    %dma_wait3A_889 = tpu.memref_slice %arg7[%dma_wait3A_886, %dma_wait3A_887, %dma_wait3A_888] : memref<3x128x128xf32, #tpu.memory_space<vmem>> -> memref<1x128x128xf32, #tpu.memory_space<vmem>>
    %dma_wait3A_890 = tpu.memref_squeeze %dma_wait3A_889 : memref<1x128x128xf32, #tpu.memory_space<vmem>> -> memref<128x128xf32, #tpu.memory_space<vmem>>
    %dma_wait3A_891 = arith.constant 0 : i32
    %dma_wait3A_892 = tpu.memref_slice %arg4[%add3A_872, %dma_wait3A_891] : memref<100000x128xf32, #tpu.memory_space<hbm>> -> memref<128x128xf32, #tpu.memory_space<hbm>>
    %dma_wait3A_893 = arith.constant 0 : i32
    %dma_wait3A_894 = tpu.memref_slice %arg4[%add3A_872, %dma_wait3A_893] : memref<100000x128xf32, #tpu.memory_space<hbm>> -> memref<128x128xf32, #tpu.memory_space<hbm>>
    %dma_wait3A_895 = arith.constant 0 : i32
    %dma_wait3A_896 = arith.constant 0 : i32
    %dma_wait3A_897 = tpu.memref_slice %arg7[%dma_wait3A_886, %dma_wait3A_895, %dma_wait3A_896] : memref<3x128x128xf32, #tpu.memory_space<vmem>> -> memref<1x128x128xf32, #tpu.memory_space<vmem>>
    %dma_wait3A_898 = tpu.memref_squeeze %dma_wait3A_897 : memref<1x128x128xf32, #tpu.memory_space<vmem>> -> memref<128x128xf32, #tpu.memory_space<vmem>>
    tpu.wait_dma2 semaphore(%arg11 : memref<!tpu.dma_semaphore, #tpu.memory_space<semaphore_mem>>) src(%dma_wait3A_898 : memref<128x128xf32, #tpu.memory_space<vmem>>) dst(%dma_wait3A_894 : memref<128x128xf32, #tpu.memory_space<hbm>>)
    %scan3A_899 = arith.constant 0 : i32
    %scan3A_900 = arith.constant 0 : i32
    %scan3A_901 = arith.constant 8 : i32
    %scan3A_902 = arith.addi %scan3A_900, %scan3A_901 : i32
    %scan3A_903 = arith.constant 1 : i32
    scf.for %scan3A_1353 = %scan3A_900 to %scan3A_902 step %scan3A_903  : i32 {
      %mul3A_1354 = arith.constant 16 : i32
      %mul3A_1355 = arith.muli %scan3A_1353, %mul3A_1354 : i32
      %add3A_1356 = arith.constant 2304 : i32
      %add3A_1357 = arith.addi %add3A_1356, %mul3A_1355 : i32
      %get3A = arith.index_cast %add3A_1357 : i32 to index
      %get3A_1358 = tpu.vector_load %arg5[%get3A] {strides = array<i32>} : memref<3200xi32, #tpu.memory_space<vmem>>, vector<16xi32>,
      %get3A_1359 = vector.shape_cast %get3A_1358 : vector<16xi32> to vector<16xi32>
      %sub3A = arith.constant 1 : i32
      %sub3A_1360 = vector.broadcast %sub3A : i32 to vector<16xi32>
      %sub3A_1361 = arith.subi %get3A_1359, %sub3A_1360 : vector<16xi32>
      %swap3A = arith.index_cast %add3A_1357 : i32 to index
      %swap3A_1362 = tpu.vector_load %arg5[%swap3A] {strides = array<i32>} : memref<3200xi32, #tpu.memory_space<vmem>>, vector<16xi32>,
      %swap3A_1363 = vector.shape_cast %swap3A_1362 : vector<16xi32> to vector<16xi32>
      %swap3A_1364 = vector.shape_cast %sub3A_1361 : vector<16xi32> to vector<16xi32>
      tpu.vector_store %arg5[%swap3A], %swap3A_1364 {strides = array<i32>} : memref<3200xi32, #tpu.memory_space<vmem>>, vector<16xi32>,
    }
    %scan3A_904 = arith.constant 8 : i32
    %dma_start3A_905 = arith.constant 0 : i32
    %dma_start3A_906 = arith.constant 0 : i32
    %dma_start3A_907 = arith.constant 0 : i32
    %dma_start3A_908 = tpu.memref_slice %arg7[%dma_start3A_905, %dma_start3A_906, %dma_start3A_907] : memref<3x128x128xf32, #tpu.memory_space<vmem>> -> memref<1x128x128xf32, #tpu.memory_space<vmem>>
    %dma_start3A_909 = tpu.memref_squeeze %dma_start3A_908 : memref<1x128x128xf32, #tpu.memory_space<vmem>> -> memref<128x128xf32, #tpu.memory_space<vmem>>
    %dma_start3A_910 = arith.constant 2304 : i32
    %dma_start3A_911 = tpu.memref_slice %arg5[%dma_start3A_910] : memref<3200xi32, #tpu.memory_space<vmem>> -> memref<128xi32, #tpu.memory_space<vmem>>
    %dma_start3A_912 = arith.constant 0 : i32
    %dma_start3A_913 = arith.constant 0 : i32
    %dma_start3A_914 = tpu.memref_slice %arg6[%dma_start3A_912, %dma_start3A_913] : memref<94x128xf32, #tpu.memory_space<vmem_shared>> -> memref<94x128xf32, #tpu.memory_space<vmem_shared>>
    tpu.enqueue_indirect_dma source(%dma_start3A_914 : memref<94x128xf32, #tpu.memory_space<vmem_shared>>) target(%dma_start3A_909 : memref<128x128xf32, #tpu.memory_space<vmem>>) offsets(%dma_start3A_911 : memref<128xi32, #tpu.memory_space<vmem>>) semaphore(%arg8 : memref<!tpu.dma_semaphore, #tpu.memory_space<semaphore_mem>>)
    %dma_wait3A_915 = arith.constant 1 : i32
    %dma_wait3A_916 = arith.constant 0 : i32
    %dma_wait3A_917 = arith.constant 0 : i32
    %dma_wait3A_918 = tpu.memref_slice %arg7[%dma_wait3A_915, %dma_wait3A_916, %dma_wait3A_917] : memref<3x128x128xf32, #tpu.memory_space<vmem>> -> memref<1x128x128xf32, #tpu.memory_space<vmem>>
    %dma_wait3A_919 = tpu.memref_squeeze %dma_wait3A_918 : memref<1x128x128xf32, #tpu.memory_space<vmem>> -> memref<128x128xf32, #tpu.memory_space<vmem>>
    %dma_wait3A_920 = arith.constant 2048 : i32
    %dma_wait3A_921 = tpu.memref_slice %arg5[%dma_wait3A_920] : memref<3200xi32, #tpu.memory_space<vmem>> -> memref<128xi32, #tpu.memory_space<vmem>>
    %dma_wait3A_922 = arith.constant 0 : i32
    %dma_wait3A_923 = arith.constant 0 : i32
    %dma_wait3A_924 = tpu.memref_slice %arg6[%dma_wait3A_922, %dma_wait3A_923] : memref<94x128xf32, #tpu.memory_space<vmem_shared>> -> memref<94x128xf32, #tpu.memory_space<vmem_shared>>
    tpu.wait_indirect_dma semaphore(%arg9 : memref<!tpu.dma_semaphore, #tpu.memory_space<semaphore_mem>>) src(%dma_wait3A_924 : memref<94x128xf32, #tpu.memory_space<vmem_shared>>) dst(%dma_wait3A_919 : memref<128x128xf32, #tpu.memory_space<vmem>>)
    %add3A_925 = arith.constant 2048 : i32
    %add3A_926 = arith.addi %min3A_3, %add3A_925 : i32
    %dma_start3A_927 = arith.constant 1 : i32
    %dma_start3A_928 = arith.constant 0 : i32
    %dma_start3A_929 = arith.constant 0 : i32
    %dma_start3A_930 = tpu.memref_slice %arg7[%dma_start3A_927, %dma_start3A_928, %dma_start3A_929] : memref<3x128x128xf32, #tpu.memory_space<vmem>> -> memref<1x128x128xf32, #tpu.memory_space<vmem>>
    %dma_start3A_931 = tpu.memref_squeeze %dma_start3A_930 : memref<1x128x128xf32, #tpu.memory_space<vmem>> -> memref<128x128xf32, #tpu.memory_space<vmem>>
    %dma_start3A_932 = arith.constant 0 : i32
    %dma_start3A_933 = tpu.memref_slice %arg4[%add3A_926, %dma_start3A_932] : memref<100000x128xf32, #tpu.memory_space<hbm>> -> memref<128x128xf32, #tpu.memory_space<hbm>>
    %dma_start3A_934 = arith.constant 0 : i32
    %dma_start3A_935 = tpu.memref_slice %arg4[%add3A_926, %dma_start3A_934] : memref<100000x128xf32, #tpu.memory_space<hbm>> -> memref<128x128xf32, #tpu.memory_space<hbm>>
    %dma_start3A_936 = arith.constant 0 : i32
    %dma_start3A_937 = arith.constant 0 : i32
    %dma_start3A_938 = tpu.memref_slice %arg7[%dma_start3A_927, %dma_start3A_936, %dma_start3A_937] : memref<3x128x128xf32, #tpu.memory_space<vmem>> -> memref<1x128x128xf32, #tpu.memory_space<vmem>>
    %dma_start3A_939 = tpu.memref_squeeze %dma_start3A_938 : memref<1x128x128xf32, #tpu.memory_space<vmem>> -> memref<128x128xf32, #tpu.memory_space<vmem>>
    tpu.enqueue_dma source(%dma_start3A_939 : memref<128x128xf32, #tpu.memory_space<vmem>>) target(%dma_start3A_935 : memref<128x128xf32, #tpu.memory_space<hbm>>) target_semaphore(%arg12 : memref<!tpu.dma_semaphore, #tpu.memory_space<semaphore_mem>>)
    %dma_wait3A_940 = arith.constant 1 : i32
    %dma_wait3A_941 = arith.constant 0 : i32
    %dma_wait3A_942 = arith.constant 0 : i32
    %dma_wait3A_943 = tpu.memref_slice %arg7[%dma_wait3A_940, %dma_wait3A_941, %dma_wait3A_942] : memref<3x128x128xf32, #tpu.memory_space<vmem>> -> memref<1x128x128xf32, #tpu.memory_space<vmem>>
    %dma_wait3A_944 = tpu.memref_squeeze %dma_wait3A_943 : memref<1x128x128xf32, #tpu.memory_space<vmem>> -> memref<128x128xf32, #tpu.memory_space<vmem>>
    %dma_wait3A_945 = arith.constant 0 : i32
    %dma_wait3A_946 = tpu.memref_slice %arg4[%add3A_926, %dma_wait3A_945] : memref<100000x128xf32, #tpu.memory_space<hbm>> -> memref<128x128xf32, #tpu.memory_space<hbm>>
    %dma_wait3A_947 = arith.constant 0 : i32
    %dma_wait3A_948 = tpu.memref_slice %arg4[%add3A_926, %dma_wait3A_947] : memref<100000x128xf32, #tpu.memory_space<hbm>> -> memref<128x128xf32, #tpu.memory_space<hbm>>
    %dma_wait3A_949 = arith.constant 0 : i32
    %dma_wait3A_950 = arith.constant 0 : i32
    %dma_wait3A_951 = tpu.memref_slice %arg7[%dma_wait3A_940, %dma_wait3A_949, %dma_wait3A_950] : memref<3x128x128xf32, #tpu.memory_space<vmem>> -> memref<1x128x128xf32, #tpu.memory_space<vmem>>
    %dma_wait3A_952 = tpu.memref_squeeze %dma_wait3A_951 : memref<1x128x128xf32, #tpu.memory_space<vmem>> -> memref<128x128xf32, #tpu.memory_space<vmem>>
    tpu.wait_dma2 semaphore(%arg12 : memref<!tpu.dma_semaphore, #tpu.memory_space<semaphore_mem>>) src(%dma_wait3A_952 : memref<128x128xf32, #tpu.memory_space<vmem>>) dst(%dma_wait3A_948 : memref<128x128xf32, #tpu.memory_space<hbm>>)
    %scan3A_953 = arith.constant 0 : i32
    %scan3A_954 = arith.constant 0 : i32
    %scan3A_955 = arith.constant 8 : i32
    %scan3A_956 = arith.addi %scan3A_954, %scan3A_955 : i32
    %scan3A_957 = arith.constant 1 : i32
    scf.for %scan3A_1353 = %scan3A_954 to %scan3A_956 step %scan3A_957  : i32 {
      %mul3A_1354 = arith.constant 16 : i32
      %mul3A_1355 = arith.muli %scan3A_1353, %mul3A_1354 : i32
      %add3A_1356 = arith.constant 2432 : i32
      %add3A_1357 = arith.addi %add3A_1356, %mul3A_1355 : i32
      %get3A = arith.index_cast %add3A_1357 : i32 to index
      %get3A_1358 = tpu.vector_load %arg5[%get3A] {strides = array<i32>} : memref<3200xi32, #tpu.memory_space<vmem>>, vector<16xi32>,
      %get3A_1359 = vector.shape_cast %get3A_1358 : vector<16xi32> to vector<16xi32>
      %sub3A = arith.constant 1 : i32
      %sub3A_1360 = vector.broadcast %sub3A : i32 to vector<16xi32>
      %sub3A_1361 = arith.subi %get3A_1359, %sub3A_1360 : vector<16xi32>
      %swap3A = arith.index_cast %add3A_1357 : i32 to index
      %swap3A_1362 = tpu.vector_load %arg5[%swap3A] {strides = array<i32>} : memref<3200xi32, #tpu.memory_space<vmem>>, vector<16xi32>,
      %swap3A_1363 = vector.shape_cast %swap3A_1362 : vector<16xi32> to vector<16xi32>
      %swap3A_1364 = vector.shape_cast %sub3A_1361 : vector<16xi32> to vector<16xi32>
      tpu.vector_store %arg5[%swap3A], %swap3A_1364 {strides = array<i32>} : memref<3200xi32, #tpu.memory_space<vmem>>, vector<16xi32>,
    }
    %scan3A_958 = arith.constant 8 : i32
    %dma_start3A_959 = arith.constant 1 : i32
    %dma_start3A_960 = arith.constant 0 : i32
    %dma_start3A_961 = arith.constant 0 : i32
    %dma_start3A_962 = tpu.memref_slice %arg7[%dma_start3A_959, %dma_start3A_960, %dma_start3A_961] : memref<3x128x128xf32, #tpu.memory_space<vmem>> -> memref<1x128x128xf32, #tpu.memory_space<vmem>>
    %dma_start3A_963 = tpu.memref_squeeze %dma_start3A_962 : memref<1x128x128xf32, #tpu.memory_space<vmem>> -> memref<128x128xf32, #tpu.memory_space<vmem>>
    %dma_start3A_964 = arith.constant 2432 : i32
    %dma_start3A_965 = tpu.memref_slice %arg5[%dma_start3A_964] : memref<3200xi32, #tpu.memory_space<vmem>> -> memref<128xi32, #tpu.memory_space<vmem>>
    %dma_start3A_966 = arith.constant 0 : i32
    %dma_start3A_967 = arith.constant 0 : i32
    %dma_start3A_968 = tpu.memref_slice %arg6[%dma_start3A_966, %dma_start3A_967] : memref<94x128xf32, #tpu.memory_space<vmem_shared>> -> memref<94x128xf32, #tpu.memory_space<vmem_shared>>
    tpu.enqueue_indirect_dma source(%dma_start3A_968 : memref<94x128xf32, #tpu.memory_space<vmem_shared>>) target(%dma_start3A_963 : memref<128x128xf32, #tpu.memory_space<vmem>>) offsets(%dma_start3A_965 : memref<128xi32, #tpu.memory_space<vmem>>) semaphore(%arg9 : memref<!tpu.dma_semaphore, #tpu.memory_space<semaphore_mem>>)
    %dma_wait3A_969 = arith.constant 2 : i32
    %dma_wait3A_970 = arith.constant 0 : i32
    %dma_wait3A_971 = arith.constant 0 : i32
    %dma_wait3A_972 = tpu.memref_slice %arg7[%dma_wait3A_969, %dma_wait3A_970, %dma_wait3A_971] : memref<3x128x128xf32, #tpu.memory_space<vmem>> -> memref<1x128x128xf32, #tpu.memory_space<vmem>>
    %dma_wait3A_973 = tpu.memref_squeeze %dma_wait3A_972 : memref<1x128x128xf32, #tpu.memory_space<vmem>> -> memref<128x128xf32, #tpu.memory_space<vmem>>
    %dma_wait3A_974 = arith.constant 2176 : i32
    %dma_wait3A_975 = tpu.memref_slice %arg5[%dma_wait3A_974] : memref<3200xi32, #tpu.memory_space<vmem>> -> memref<128xi32, #tpu.memory_space<vmem>>
    %dma_wait3A_976 = arith.constant 0 : i32
    %dma_wait3A_977 = arith.constant 0 : i32
    %dma_wait3A_978 = tpu.memref_slice %arg6[%dma_wait3A_976, %dma_wait3A_977] : memref<94x128xf32, #tpu.memory_space<vmem_shared>> -> memref<94x128xf32, #tpu.memory_space<vmem_shared>>
    tpu.wait_indirect_dma semaphore(%arg10 : memref<!tpu.dma_semaphore, #tpu.memory_space<semaphore_mem>>) src(%dma_wait3A_978 : memref<94x128xf32, #tpu.memory_space<vmem_shared>>) dst(%dma_wait3A_973 : memref<128x128xf32, #tpu.memory_space<vmem>>)
    %add3A_979 = arith.constant 2176 : i32
    %add3A_980 = arith.addi %min3A_3, %add3A_979 : i32
    %dma_start3A_981 = arith.constant 2 : i32
    %dma_start3A_982 = arith.constant 0 : i32
    %dma_start3A_983 = arith.constant 0 : i32
    %dma_start3A_984 = tpu.memref_slice %arg7[%dma_start3A_981, %dma_start3A_982, %dma_start3A_983] : memref<3x128x128xf32, #tpu.memory_space<vmem>> -> memref<1x128x128xf32, #tpu.memory_space<vmem>>
    %dma_start3A_985 = tpu.memref_squeeze %dma_start3A_984 : memref<1x128x128xf32, #tpu.memory_space<vmem>> -> memref<128x128xf32, #tpu.memory_space<vmem>>
    %dma_start3A_986 = arith.constant 0 : i32
    %dma_start3A_987 = tpu.memref_slice %arg4[%add3A_980, %dma_start3A_986] : memref<100000x128xf32, #tpu.memory_space<hbm>> -> memref<128x128xf32, #tpu.memory_space<hbm>>
    %dma_start3A_988 = arith.constant 0 : i32
    %dma_start3A_989 = tpu.memref_slice %arg4[%add3A_980, %dma_start3A_988] : memref<100000x128xf32, #tpu.memory_space<hbm>> -> memref<128x128xf32, #tpu.memory_space<hbm>>
    %dma_start3A_990 = arith.constant 0 : i32
    %dma_start3A_991 = arith.constant 0 : i32
    %dma_start3A_992 = tpu.memref_slice %arg7[%dma_start3A_981, %dma_start3A_990, %dma_start3A_991] : memref<3x128x128xf32, #tpu.memory_space<vmem>> -> memref<1x128x128xf32, #tpu.memory_space<vmem>>
    %dma_start3A_993 = tpu.memref_squeeze %dma_start3A_992 : memref<1x128x128xf32, #tpu.memory_space<vmem>> -> memref<128x128xf32, #tpu.memory_space<vmem>>
    tpu.enqueue_dma source(%dma_start3A_993 : memref<128x128xf32, #tpu.memory_space<vmem>>) target(%dma_start3A_989 : memref<128x128xf32, #tpu.memory_space<hbm>>) target_semaphore(%arg13 : memref<!tpu.dma_semaphore, #tpu.memory_space<semaphore_mem>>)
    %dma_wait3A_994 = arith.constant 2 : i32
    %dma_wait3A_995 = arith.constant 0 : i32
    %dma_wait3A_996 = arith.constant 0 : i32
    %dma_wait3A_997 = tpu.memref_slice %arg7[%dma_wait3A_994, %dma_wait3A_995, %dma_wait3A_996] : memref<3x128x128xf32, #tpu.memory_space<vmem>> -> memref<1x128x128xf32, #tpu.memory_space<vmem>>
    %dma_wait3A_998 = tpu.memref_squeeze %dma_wait3A_997 : memref<1x128x128xf32, #tpu.memory_space<vmem>> -> memref<128x128xf32, #tpu.memory_space<vmem>>
    %dma_wait3A_999 = arith.constant 0 : i32
    %dma_wait3A_1000 = tpu.memref_slice %arg4[%add3A_980, %dma_wait3A_999] : memref<100000x128xf32, #tpu.memory_space<hbm>> -> memref<128x128xf32, #tpu.memory_space<hbm>>
    %dma_wait3A_1001 = arith.constant 0 : i32
    %dma_wait3A_1002 = tpu.memref_slice %arg4[%add3A_980, %dma_wait3A_1001] : memref<100000x128xf32, #tpu.memory_space<hbm>> -> memref<128x128xf32, #tpu.memory_space<hbm>>
    %dma_wait3A_1003 = arith.constant 0 : i32
    %dma_wait3A_1004 = arith.constant 0 : i32
    %dma_wait3A_1005 = tpu.memref_slice %arg7[%dma_wait3A_994, %dma_wait3A_1003, %dma_wait3A_1004] : memref<3x128x128xf32, #tpu.memory_space<vmem>> -> memref<1x128x128xf32, #tpu.memory_space<vmem>>
    %dma_wait3A_1006 = tpu.memref_squeeze %dma_wait3A_1005 : memref<1x128x128xf32, #tpu.memory_space<vmem>> -> memref<128x128xf32, #tpu.memory_space<vmem>>
    tpu.wait_dma2 semaphore(%arg13 : memref<!tpu.dma_semaphore, #tpu.memory_space<semaphore_mem>>) src(%dma_wait3A_1006 : memref<128x128xf32, #tpu.memory_space<vmem>>) dst(%dma_wait3A_1002 : memref<128x128xf32, #tpu.memory_space<hbm>>)
    %scan3A_1007 = arith.constant 0 : i32
    %scan3A_1008 = arith.constant 0 : i32
    %scan3A_1009 = arith.constant 8 : i32
    %scan3A_1010 = arith.addi %scan3A_1008, %scan3A_1009 : i32
    %scan3A_1011 = arith.constant 1 : i32
    scf.for %scan3A_1353 = %scan3A_1008 to %scan3A_1010 step %scan3A_1011  : i32 {
      %mul3A_1354 = arith.constant 16 : i32
      %mul3A_1355 = arith.muli %scan3A_1353, %mul3A_1354 : i32
      %add3A_1356 = arith.constant 2560 : i32
      %add3A_1357 = arith.addi %add3A_1356, %mul3A_1355 : i32
      %get3A = arith.index_cast %add3A_1357 : i32 to index
      %get3A_1358 = tpu.vector_load %arg5[%get3A] {strides = array<i32>} : memref<3200xi32, #tpu.memory_space<vmem>>, vector<16xi32>,
      %get3A_1359 = vector.shape_cast %get3A_1358 : vector<16xi32> to vector<16xi32>
      %sub3A = arith.constant 1 : i32
      %sub3A_1360 = vector.broadcast %sub3A : i32 to vector<16xi32>
      %sub3A_1361 = arith.subi %get3A_1359, %sub3A_1360 : vector<16xi32>
      %swap3A = arith.index_cast %add3A_1357 : i32 to index
      %swap3A_1362 = tpu.vector_load %arg5[%swap3A] {strides = array<i32>} : memref<3200xi32, #tpu.memory_space<vmem>>, vector<16xi32>,
      %swap3A_1363 = vector.shape_cast %swap3A_1362 : vector<16xi32> to vector<16xi32>
      %swap3A_1364 = vector.shape_cast %sub3A_1361 : vector<16xi32> to vector<16xi32>
      tpu.vector_store %arg5[%swap3A], %swap3A_1364 {strides = array<i32>} : memref<3200xi32, #tpu.memory_space<vmem>>, vector<16xi32>,
    }
    %scan3A_1012 = arith.constant 8 : i32
    %dma_start3A_1013 = arith.constant 2 : i32
    %dma_start3A_1014 = arith.constant 0 : i32
    %dma_start3A_1015 = arith.constant 0 : i32
    %dma_start3A_1016 = tpu.memref_slice %arg7[%dma_start3A_1013, %dma_start3A_1014, %dma_start3A_1015] : memref<3x128x128xf32, #tpu.memory_space<vmem>> -> memref<1x128x128xf32, #tpu.memory_space<vmem>>
    %dma_start3A_1017 = tpu.memref_squeeze %dma_start3A_1016 : memref<1x128x128xf32, #tpu.memory_space<vmem>> -> memref<128x128xf32, #tpu.memory_space<vmem>>
    %dma_start3A_1018 = arith.constant 2560 : i32
    %dma_start3A_1019 = tpu.memref_slice %arg5[%dma_start3A_1018] : memref<3200xi32, #tpu.memory_space<vmem>> -> memref<128xi32, #tpu.memory_space<vmem>>
    %dma_start3A_1020 = arith.constant 0 : i32
    %dma_start3A_1021 = arith.constant 0 : i32
    %dma_start3A_1022 = tpu.memref_slice %arg6[%dma_start3A_1020, %dma_start3A_1021] : memref<94x128xf32, #tpu.memory_space<vmem_shared>> -> memref<94x128xf32, #tpu.memory_space<vmem_shared>>
    tpu.enqueue_indirect_dma source(%dma_start3A_1022 : memref<94x128xf32, #tpu.memory_space<vmem_shared>>) target(%dma_start3A_1017 : memref<128x128xf32, #tpu.memory_space<vmem>>) offsets(%dma_start3A_1019 : memref<128xi32, #tpu.memory_space<vmem>>) semaphore(%arg10 : memref<!tpu.dma_semaphore, #tpu.memory_space<semaphore_mem>>)
    %dma_wait3A_1023 = arith.constant 0 : i32
    %dma_wait3A_1024 = arith.constant 0 : i32
    %dma_wait3A_1025 = arith.constant 0 : i32
    %dma_wait3A_1026 = tpu.memref_slice %arg7[%dma_wait3A_1023, %dma_wait3A_1024, %dma_wait3A_1025] : memref<3x128x128xf32, #tpu.memory_space<vmem>> -> memref<1x128x128xf32, #tpu.memory_space<vmem>>
    %dma_wait3A_1027 = tpu.memref_squeeze %dma_wait3A_1026 : memref<1x128x128xf32, #tpu.memory_space<vmem>> -> memref<128x128xf32, #tpu.memory_space<vmem>>
    %dma_wait3A_1028 = arith.constant 2304 : i32
    %dma_wait3A_1029 = tpu.memref_slice %arg5[%dma_wait3A_1028] : memref<3200xi32, #tpu.memory_space<vmem>> -> memref<128xi32, #tpu.memory_space<vmem>>
    %dma_wait3A_1030 = arith.constant 0 : i32
    %dma_wait3A_1031 = arith.constant 0 : i32
    %dma_wait3A_1032 = tpu.memref_slice %arg6[%dma_wait3A_1030, %dma_wait3A_1031] : memref<94x128xf32, #tpu.memory_space<vmem_shared>> -> memref<94x128xf32, #tpu.memory_space<vmem_shared>>
    tpu.wait_indirect_dma semaphore(%arg8 : memref<!tpu.dma_semaphore, #tpu.memory_space<semaphore_mem>>) src(%dma_wait3A_1032 : memref<94x128xf32, #tpu.memory_space<vmem_shared>>) dst(%dma_wait3A_1027 : memref<128x128xf32, #tpu.memory_space<vmem>>)
    %add3A_1033 = arith.constant 2304 : i32
    %add3A_1034 = arith.addi %min3A_3, %add3A_1033 : i32
    %dma_start3A_1035 = arith.constant 0 : i32
    %dma_start3A_1036 = arith.constant 0 : i32
    %dma_start3A_1037 = arith.constant 0 : i32
    %dma_start3A_1038 = tpu.memref_slice %arg7[%dma_start3A_1035, %dma_start3A_1036, %dma_start3A_1037] : memref<3x128x128xf32, #tpu.memory_space<vmem>> -> memref<1x128x128xf32, #tpu.memory_space<vmem>>
    %dma_start3A_1039 = tpu.memref_squeeze %dma_start3A_1038 : memref<1x128x128xf32, #tpu.memory_space<vmem>> -> memref<128x128xf32, #tpu.memory_space<vmem>>
    %dma_start3A_1040 = arith.constant 0 : i32
    %dma_start3A_1041 = tpu.memref_slice %arg4[%add3A_1034, %dma_start3A_1040] : memref<100000x128xf32, #tpu.memory_space<hbm>> -> memref<128x128xf32, #tpu.memory_space<hbm>>
    %dma_start3A_1042 = arith.constant 0 : i32
    %dma_start3A_1043 = tpu.memref_slice %arg4[%add3A_1034, %dma_start3A_1042] : memref<100000x128xf32, #tpu.memory_space<hbm>> -> memref<128x128xf32, #tpu.memory_space<hbm>>
    %dma_start3A_1044 = arith.constant 0 : i32
    %dma_start3A_1045 = arith.constant 0 : i32
    %dma_start3A_1046 = tpu.memref_slice %arg7[%dma_start3A_1035, %dma_start3A_1044, %dma_start3A_1045] : memref<3x128x128xf32, #tpu.memory_space<vmem>> -> memref<1x128x128xf32, #tpu.memory_space<vmem>>
    %dma_start3A_1047 = tpu.memref_squeeze %dma_start3A_1046 : memref<1x128x128xf32, #tpu.memory_space<vmem>> -> memref<128x128xf32, #tpu.memory_space<vmem>>
    tpu.enqueue_dma source(%dma_start3A_1047 : memref<128x128xf32, #tpu.memory_space<vmem>>) target(%dma_start3A_1043 : memref<128x128xf32, #tpu.memory_space<hbm>>) target_semaphore(%arg11 : memref<!tpu.dma_semaphore, #tpu.memory_space<semaphore_mem>>)
    %dma_wait3A_1048 = arith.constant 0 : i32
    %dma_wait3A_1049 = arith.constant 0 : i32
    %dma_wait3A_1050 = arith.constant 0 : i32
    %dma_wait3A_1051 = tpu.memref_slice %arg7[%dma_wait3A_1048, %dma_wait3A_1049, %dma_wait3A_1050] : memref<3x128x128xf32, #tpu.memory_space<vmem>> -> memref<1x128x128xf32, #tpu.memory_space<vmem>>
    %dma_wait3A_1052 = tpu.memref_squeeze %dma_wait3A_1051 : memref<1x128x128xf32, #tpu.memory_space<vmem>> -> memref<128x128xf32, #tpu.memory_space<vmem>>
    %dma_wait3A_1053 = arith.constant 0 : i32
    %dma_wait3A_1054 = tpu.memref_slice %arg4[%add3A_1034, %dma_wait3A_1053] : memref<100000x128xf32, #tpu.memory_space<hbm>> -> memref<128x128xf32, #tpu.memory_space<hbm>>
    %dma_wait3A_1055 = arith.constant 0 : i32
    %dma_wait3A_1056 = tpu.memref_slice %arg4[%add3A_1034, %dma_wait3A_1055] : memref<100000x128xf32, #tpu.memory_space<hbm>> -> memref<128x128xf32, #tpu.memory_space<hbm>>
    %dma_wait3A_1057 = arith.constant 0 : i32
    %dma_wait3A_1058 = arith.constant 0 : i32
    %dma_wait3A_1059 = tpu.memref_slice %arg7[%dma_wait3A_1048, %dma_wait3A_1057, %dma_wait3A_1058] : memref<3x128x128xf32, #tpu.memory_space<vmem>> -> memref<1x128x128xf32, #tpu.memory_space<vmem>>
    %dma_wait3A_1060 = tpu.memref_squeeze %dma_wait3A_1059 : memref<1x128x128xf32, #tpu.memory_space<vmem>> -> memref<128x128xf32, #tpu.memory_space<vmem>>
    tpu.wait_dma2 semaphore(%arg11 : memref<!tpu.dma_semaphore, #tpu.memory_space<semaphore_mem>>) src(%dma_wait3A_1060 : memref<128x128xf32, #tpu.memory_space<vmem>>) dst(%dma_wait3A_1056 : memref<128x128xf32, #tpu.memory_space<hbm>>)
    %scan3A_1061 = arith.constant 0 : i32
    %scan3A_1062 = arith.constant 0 : i32
    %scan3A_1063 = arith.constant 8 : i32
    %scan3A_1064 = arith.addi %scan3A_1062, %scan3A_1063 : i32
    %scan3A_1065 = arith.constant 1 : i32
    scf.for %scan3A_1353 = %scan3A_1062 to %scan3A_1064 step %scan3A_1065  : i32 {
      %mul3A_1354 = arith.constant 16 : i32
      %mul3A_1355 = arith.muli %scan3A_1353, %mul3A_1354 : i32
      %add3A_1356 = arith.constant 2688 : i32
      %add3A_1357 = arith.addi %add3A_1356, %mul3A_1355 : i32
      %get3A = arith.index_cast %add3A_1357 : i32 to index
      %get3A_1358 = tpu.vector_load %arg5[%get3A] {strides = array<i32>} : memref<3200xi32, #tpu.memory_space<vmem>>, vector<16xi32>,
      %get3A_1359 = vector.shape_cast %get3A_1358 : vector<16xi32> to vector<16xi32>
      %sub3A = arith.constant 1 : i32
      %sub3A_1360 = vector.broadcast %sub3A : i32 to vector<16xi32>
      %sub3A_1361 = arith.subi %get3A_1359, %sub3A_1360 : vector<16xi32>
      %swap3A = arith.index_cast %add3A_1357 : i32 to index
      %swap3A_1362 = tpu.vector_load %arg5[%swap3A] {strides = array<i32>} : memref<3200xi32, #tpu.memory_space<vmem>>, vector<16xi32>,
      %swap3A_1363 = vector.shape_cast %swap3A_1362 : vector<16xi32> to vector<16xi32>
      %swap3A_1364 = vector.shape_cast %sub3A_1361 : vector<16xi32> to vector<16xi32>
      tpu.vector_store %arg5[%swap3A], %swap3A_1364 {strides = array<i32>} : memref<3200xi32, #tpu.memory_space<vmem>>, vector<16xi32>,
    }
    %scan3A_1066 = arith.constant 8 : i32
    %dma_start3A_1067 = arith.constant 0 : i32
    %dma_start3A_1068 = arith.constant 0 : i32
    %dma_start3A_1069 = arith.constant 0 : i32
    %dma_start3A_1070 = tpu.memref_slice %arg7[%dma_start3A_1067, %dma_start3A_1068, %dma_start3A_1069] : memref<3x128x128xf32, #tpu.memory_space<vmem>> -> memref<1x128x128xf32, #tpu.memory_space<vmem>>
    %dma_start3A_1071 = tpu.memref_squeeze %dma_start3A_1070 : memref<1x128x128xf32, #tpu.memory_space<vmem>> -> memref<128x128xf32, #tpu.memory_space<vmem>>
    %dma_start3A_1072 = arith.constant 2688 : i32
    %dma_start3A_1073 = tpu.memref_slice %arg5[%dma_start3A_1072] : memref<3200xi32, #tpu.memory_space<vmem>> -> memref<128xi32, #tpu.memory_space<vmem>>
    %dma_start3A_1074 = arith.constant 0 : i32
    %dma_start3A_1075 = arith.constant 0 : i32
    %dma_start3A_1076 = tpu.memref_slice %arg6[%dma_start3A_1074, %dma_start3A_1075] : memref<94x128xf32, #tpu.memory_space<vmem_shared>> -> memref<94x128xf32, #tpu.memory_space<vmem_shared>>
    tpu.enqueue_indirect_dma source(%dma_start3A_1076 : memref<94x128xf32, #tpu.memory_space<vmem_shared>>) target(%dma_start3A_1071 : memref<128x128xf32, #tpu.memory_space<vmem>>) offsets(%dma_start3A_1073 : memref<128xi32, #tpu.memory_space<vmem>>) semaphore(%arg8 : memref<!tpu.dma_semaphore, #tpu.memory_space<semaphore_mem>>)
    %dma_wait3A_1077 = arith.constant 1 : i32
    %dma_wait3A_1078 = arith.constant 0 : i32
    %dma_wait3A_1079 = arith.constant 0 : i32
    %dma_wait3A_1080 = tpu.memref_slice %arg7[%dma_wait3A_1077, %dma_wait3A_1078, %dma_wait3A_1079] : memref<3x128x128xf32, #tpu.memory_space<vmem>> -> memref<1x128x128xf32, #tpu.memory_space<vmem>>
    %dma_wait3A_1081 = tpu.memref_squeeze %dma_wait3A_1080 : memref<1x128x128xf32, #tpu.memory_space<vmem>> -> memref<128x128xf32, #tpu.memory_space<vmem>>
    %dma_wait3A_1082 = arith.constant 2432 : i32
    %dma_wait3A_1083 = tpu.memref_slice %arg5[%dma_wait3A_1082] : memref<3200xi32, #tpu.memory_space<vmem>> -> memref<128xi32, #tpu.memory_space<vmem>>
    %dma_wait3A_1084 = arith.constant 0 : i32
    %dma_wait3A_1085 = arith.constant 0 : i32
    %dma_wait3A_1086 = tpu.memref_slice %arg6[%dma_wait3A_1084, %dma_wait3A_1085] : memref<94x128xf32, #tpu.memory_space<vmem_shared>> -> memref<94x128xf32, #tpu.memory_space<vmem_shared>>
    tpu.wait_indirect_dma semaphore(%arg9 : memref<!tpu.dma_semaphore, #tpu.memory_space<semaphore_mem>>) src(%dma_wait3A_1086 : memref<94x128xf32, #tpu.memory_space<vmem_shared>>) dst(%dma_wait3A_1081 : memref<128x128xf32, #tpu.memory_space<vmem>>)
    %add3A_1087 = arith.constant 2432 : i32
    %add3A_1088 = arith.addi %min3A_3, %add3A_1087 : i32
    %dma_start3A_1089 = arith.constant 1 : i32
    %dma_start3A_1090 = arith.constant 0 : i32
    %dma_start3A_1091 = arith.constant 0 : i32
    %dma_start3A_1092 = tpu.memref_slice %arg7[%dma_start3A_1089, %dma_start3A_1090, %dma_start3A_1091] : memref<3x128x128xf32, #tpu.memory_space<vmem>> -> memref<1x128x128xf32, #tpu.memory_space<vmem>>
    %dma_start3A_1093 = tpu.memref_squeeze %dma_start3A_1092 : memref<1x128x128xf32, #tpu.memory_space<vmem>> -> memref<128x128xf32, #tpu.memory_space<vmem>>
    %dma_start3A_1094 = arith.constant 0 : i32
    %dma_start3A_1095 = tpu.memref_slice %arg4[%add3A_1088, %dma_start3A_1094] : memref<100000x128xf32, #tpu.memory_space<hbm>> -> memref<128x128xf32, #tpu.memory_space<hbm>>
    %dma_start3A_1096 = arith.constant 0 : i32
    %dma_start3A_1097 = tpu.memref_slice %arg4[%add3A_1088, %dma_start3A_1096] : memref<100000x128xf32, #tpu.memory_space<hbm>> -> memref<128x128xf32, #tpu.memory_space<hbm>>
    %dma_start3A_1098 = arith.constant 0 : i32
    %dma_start3A_1099 = arith.constant 0 : i32
    %dma_start3A_1100 = tpu.memref_slice %arg7[%dma_start3A_1089, %dma_start3A_1098, %dma_start3A_1099] : memref<3x128x128xf32, #tpu.memory_space<vmem>> -> memref<1x128x128xf32, #tpu.memory_space<vmem>>
    %dma_start3A_1101 = tpu.memref_squeeze %dma_start3A_1100 : memref<1x128x128xf32, #tpu.memory_space<vmem>> -> memref<128x128xf32, #tpu.memory_space<vmem>>
    tpu.enqueue_dma source(%dma_start3A_1101 : memref<128x128xf32, #tpu.memory_space<vmem>>) target(%dma_start3A_1097 : memref<128x128xf32, #tpu.memory_space<hbm>>) target_semaphore(%arg12 : memref<!tpu.dma_semaphore, #tpu.memory_space<semaphore_mem>>)
    %dma_wait3A_1102 = arith.constant 1 : i32
    %dma_wait3A_1103 = arith.constant 0 : i32
    %dma_wait3A_1104 = arith.constant 0 : i32
    %dma_wait3A_1105 = tpu.memref_slice %arg7[%dma_wait3A_1102, %dma_wait3A_1103, %dma_wait3A_1104] : memref<3x128x128xf32, #tpu.memory_space<vmem>> -> memref<1x128x128xf32, #tpu.memory_space<vmem>>
    %dma_wait3A_1106 = tpu.memref_squeeze %dma_wait3A_1105 : memref<1x128x128xf32, #tpu.memory_space<vmem>> -> memref<128x128xf32, #tpu.memory_space<vmem>>
    %dma_wait3A_1107 = arith.constant 0 : i32
    %dma_wait3A_1108 = tpu.memref_slice %arg4[%add3A_1088, %dma_wait3A_1107] : memref<100000x128xf32, #tpu.memory_space<hbm>> -> memref<128x128xf32, #tpu.memory_space<hbm>>
    %dma_wait3A_1109 = arith.constant 0 : i32
    %dma_wait3A_1110 = tpu.memref_slice %arg4[%add3A_1088, %dma_wait3A_1109] : memref<100000x128xf32, #tpu.memory_space<hbm>> -> memref<128x128xf32, #tpu.memory_space<hbm>>
    %dma_wait3A_1111 = arith.constant 0 : i32
    %dma_wait3A_1112 = arith.constant 0 : i32
    %dma_wait3A_1113 = tpu.memref_slice %arg7[%dma_wait3A_1102, %dma_wait3A_1111, %dma_wait3A_1112] : memref<3x128x128xf32, #tpu.memory_space<vmem>> -> memref<1x128x128xf32, #tpu.memory_space<vmem>>
    %dma_wait3A_1114 = tpu.memref_squeeze %dma_wait3A_1113 : memref<1x128x128xf32, #tpu.memory_space<vmem>> -> memref<128x128xf32, #tpu.memory_space<vmem>>
    tpu.wait_dma2 semaphore(%arg12 : memref<!tpu.dma_semaphore, #tpu.memory_space<semaphore_mem>>) src(%dma_wait3A_1114 : memref<128x128xf32, #tpu.memory_space<vmem>>) dst(%dma_wait3A_1110 : memref<128x128xf32, #tpu.memory_space<hbm>>)
    %scan3A_1115 = arith.constant 0 : i32
    %scan3A_1116 = arith.constant 0 : i32
    %scan3A_1117 = arith.constant 8 : i32
    %scan3A_1118 = arith.addi %scan3A_1116, %scan3A_1117 : i32
    %scan3A_1119 = arith.constant 1 : i32
    scf.for %scan3A_1353 = %scan3A_1116 to %scan3A_1118 step %scan3A_1119  : i32 {
      %mul3A_1354 = arith.constant 16 : i32
      %mul3A_1355 = arith.muli %scan3A_1353, %mul3A_1354 : i32
      %add3A_1356 = arith.constant 2816 : i32
      %add3A_1357 = arith.addi %add3A_1356, %mul3A_1355 : i32
      %get3A = arith.index_cast %add3A_1357 : i32 to index
      %get3A_1358 = tpu.vector_load %arg5[%get3A] {strides = array<i32>} : memref<3200xi32, #tpu.memory_space<vmem>>, vector<16xi32>,
      %get3A_1359 = vector.shape_cast %get3A_1358 : vector<16xi32> to vector<16xi32>
      %sub3A = arith.constant 1 : i32
      %sub3A_1360 = vector.broadcast %sub3A : i32 to vector<16xi32>
      %sub3A_1361 = arith.subi %get3A_1359, %sub3A_1360 : vector<16xi32>
      %swap3A = arith.index_cast %add3A_1357 : i32 to index
      %swap3A_1362 = tpu.vector_load %arg5[%swap3A] {strides = array<i32>} : memref<3200xi32, #tpu.memory_space<vmem>>, vector<16xi32>,
      %swap3A_1363 = vector.shape_cast %swap3A_1362 : vector<16xi32> to vector<16xi32>
      %swap3A_1364 = vector.shape_cast %sub3A_1361 : vector<16xi32> to vector<16xi32>
      tpu.vector_store %arg5[%swap3A], %swap3A_1364 {strides = array<i32>} : memref<3200xi32, #tpu.memory_space<vmem>>, vector<16xi32>,
    }
    %scan3A_1120 = arith.constant 8 : i32
    %dma_start3A_1121 = arith.constant 1 : i32
    %dma_start3A_1122 = arith.constant 0 : i32
    %dma_start3A_1123 = arith.constant 0 : i32
    %dma_start3A_1124 = tpu.memref_slice %arg7[%dma_start3A_1121, %dma_start3A_1122, %dma_start3A_1123] : memref<3x128x128xf32, #tpu.memory_space<vmem>> -> memref<1x128x128xf32, #tpu.memory_space<vmem>>
    %dma_start3A_1125 = tpu.memref_squeeze %dma_start3A_1124 : memref<1x128x128xf32, #tpu.memory_space<vmem>> -> memref<128x128xf32, #tpu.memory_space<vmem>>
    %dma_start3A_1126 = arith.constant 2816 : i32
    %dma_start3A_1127 = tpu.memref_slice %arg5[%dma_start3A_1126] : memref<3200xi32, #tpu.memory_space<vmem>> -> memref<128xi32, #tpu.memory_space<vmem>>
    %dma_start3A_1128 = arith.constant 0 : i32
    %dma_start3A_1129 = arith.constant 0 : i32
    %dma_start3A_1130 = tpu.memref_slice %arg6[%dma_start3A_1128, %dma_start3A_1129] : memref<94x128xf32, #tpu.memory_space<vmem_shared>> -> memref<94x128xf32, #tpu.memory_space<vmem_shared>>
    tpu.enqueue_indirect_dma source(%dma_start3A_1130 : memref<94x128xf32, #tpu.memory_space<vmem_shared>>) target(%dma_start3A_1125 : memref<128x128xf32, #tpu.memory_space<vmem>>) offsets(%dma_start3A_1127 : memref<128xi32, #tpu.memory_space<vmem>>) semaphore(%arg9 : memref<!tpu.dma_semaphore, #tpu.memory_space<semaphore_mem>>)
    %dma_wait3A_1131 = arith.constant 2 : i32
    %dma_wait3A_1132 = arith.constant 0 : i32
    %dma_wait3A_1133 = arith.constant 0 : i32
    %dma_wait3A_1134 = tpu.memref_slice %arg7[%dma_wait3A_1131, %dma_wait3A_1132, %dma_wait3A_1133] : memref<3x128x128xf32, #tpu.memory_space<vmem>> -> memref<1x128x128xf32, #tpu.memory_space<vmem>>
    %dma_wait3A_1135 = tpu.memref_squeeze %dma_wait3A_1134 : memref<1x128x128xf32, #tpu.memory_space<vmem>> -> memref<128x128xf32, #tpu.memory_space<vmem>>
    %dma_wait3A_1136 = arith.constant 2560 : i32
    %dma_wait3A_1137 = tpu.memref_slice %arg5[%dma_wait3A_1136] : memref<3200xi32, #tpu.memory_space<vmem>> -> memref<128xi32, #tpu.memory_space<vmem>>
    %dma_wait3A_1138 = arith.constant 0 : i32
    %dma_wait3A_1139 = arith.constant 0 : i32
    %dma_wait3A_1140 = tpu.memref_slice %arg6[%dma_wait3A_1138, %dma_wait3A_1139] : memref<94x128xf32, #tpu.memory_space<vmem_shared>> -> memref<94x128xf32, #tpu.memory_space<vmem_shared>>
    tpu.wait_indirect_dma semaphore(%arg10 : memref<!tpu.dma_semaphore, #tpu.memory_space<semaphore_mem>>) src(%dma_wait3A_1140 : memref<94x128xf32, #tpu.memory_space<vmem_shared>>) dst(%dma_wait3A_1135 : memref<128x128xf32, #tpu.memory_space<vmem>>)
    %add3A_1141 = arith.constant 2560 : i32
    %add3A_1142 = arith.addi %min3A_3, %add3A_1141 : i32
    %dma_start3A_1143 = arith.constant 2 : i32
    %dma_start3A_1144 = arith.constant 0 : i32
    %dma_start3A_1145 = arith.constant 0 : i32
    %dma_start3A_1146 = tpu.memref_slice %arg7[%dma_start3A_1143, %dma_start3A_1144, %dma_start3A_1145] : memref<3x128x128xf32, #tpu.memory_space<vmem>> -> memref<1x128x128xf32, #tpu.memory_space<vmem>>
    %dma_start3A_1147 = tpu.memref_squeeze %dma_start3A_1146 : memref<1x128x128xf32, #tpu.memory_space<vmem>> -> memref<128x128xf32, #tpu.memory_space<vmem>>
    %dma_start3A_1148 = arith.constant 0 : i32
    %dma_start3A_1149 = tpu.memref_slice %arg4[%add3A_1142, %dma_start3A_1148] : memref<100000x128xf32, #tpu.memory_space<hbm>> -> memref<128x128xf32, #tpu.memory_space<hbm>>
    %dma_start3A_1150 = arith.constant 0 : i32
    %dma_start3A_1151 = tpu.memref_slice %arg4[%add3A_1142, %dma_start3A_1150] : memref<100000x128xf32, #tpu.memory_space<hbm>> -> memref<128x128xf32, #tpu.memory_space<hbm>>
    %dma_start3A_1152 = arith.constant 0 : i32
    %dma_start3A_1153 = arith.constant 0 : i32
    %dma_start3A_1154 = tpu.memref_slice %arg7[%dma_start3A_1143, %dma_start3A_1152, %dma_start3A_1153] : memref<3x128x128xf32, #tpu.memory_space<vmem>> -> memref<1x128x128xf32, #tpu.memory_space<vmem>>
    %dma_start3A_1155 = tpu.memref_squeeze %dma_start3A_1154 : memref<1x128x128xf32, #tpu.memory_space<vmem>> -> memref<128x128xf32, #tpu.memory_space<vmem>>
    tpu.enqueue_dma source(%dma_start3A_1155 : memref<128x128xf32, #tpu.memory_space<vmem>>) target(%dma_start3A_1151 : memref<128x128xf32, #tpu.memory_space<hbm>>) target_semaphore(%arg13 : memref<!tpu.dma_semaphore, #tpu.memory_space<semaphore_mem>>)
    %dma_wait3A_1156 = arith.constant 2 : i32
    %dma_wait3A_1157 = arith.constant 0 : i32
    %dma_wait3A_1158 = arith.constant 0 : i32
    %dma_wait3A_1159 = tpu.memref_slice %arg7[%dma_wait3A_1156, %dma_wait3A_1157, %dma_wait3A_1158] : memref<3x128x128xf32, #tpu.memory_space<vmem>> -> memref<1x128x128xf32, #tpu.memory_space<vmem>>
    %dma_wait3A_1160 = tpu.memref_squeeze %dma_wait3A_1159 : memref<1x128x128xf32, #tpu.memory_space<vmem>> -> memref<128x128xf32, #tpu.memory_space<vmem>>
    %dma_wait3A_1161 = arith.constant 0 : i32
    %dma_wait3A_1162 = tpu.memref_slice %arg4[%add3A_1142, %dma_wait3A_1161] : memref<100000x128xf32, #tpu.memory_space<hbm>> -> memref<128x128xf32, #tpu.memory_space<hbm>>
    %dma_wait3A_1163 = arith.constant 0 : i32
    %dma_wait3A_1164 = tpu.memref_slice %arg4[%add3A_1142, %dma_wait3A_1163] : memref<100000x128xf32, #tpu.memory_space<hbm>> -> memref<128x128xf32, #tpu.memory_space<hbm>>
    %dma_wait3A_1165 = arith.constant 0 : i32
    %dma_wait3A_1166 = arith.constant 0 : i32
    %dma_wait3A_1167 = tpu.memref_slice %arg7[%dma_wait3A_1156, %dma_wait3A_1165, %dma_wait3A_1166] : memref<3x128x128xf32, #tpu.memory_space<vmem>> -> memref<1x128x128xf32, #tpu.memory_space<vmem>>
    %dma_wait3A_1168 = tpu.memref_squeeze %dma_wait3A_1167 : memref<1x128x128xf32, #tpu.memory_space<vmem>> -> memref<128x128xf32, #tpu.memory_space<vmem>>
    tpu.wait_dma2 semaphore(%arg13 : memref<!tpu.dma_semaphore, #tpu.memory_space<semaphore_mem>>) src(%dma_wait3A_1168 : memref<128x128xf32, #tpu.memory_space<vmem>>) dst(%dma_wait3A_1164 : memref<128x128xf32, #tpu.memory_space<hbm>>)
    %scan3A_1169 = arith.constant 0 : i32
    %scan3A_1170 = arith.constant 0 : i32
    %scan3A_1171 = arith.constant 8 : i32
    %scan3A_1172 = arith.addi %scan3A_1170, %scan3A_1171 : i32
    %scan3A_1173 = arith.constant 1 : i32
    scf.for %scan3A_1353 = %scan3A_1170 to %scan3A_1172 step %scan3A_1173  : i32 {
      %mul3A_1354 = arith.constant 16 : i32
      %mul3A_1355 = arith.muli %scan3A_1353, %mul3A_1354 : i32
      %add3A_1356 = arith.constant 2944 : i32
      %add3A_1357 = arith.addi %add3A_1356, %mul3A_1355 : i32
      %get3A = arith.index_cast %add3A_1357 : i32 to index
      %get3A_1358 = tpu.vector_load %arg5[%get3A] {strides = array<i32>} : memref<3200xi32, #tpu.memory_space<vmem>>, vector<16xi32>,
      %get3A_1359 = vector.shape_cast %get3A_1358 : vector<16xi32> to vector<16xi32>
      %sub3A = arith.constant 1 : i32
      %sub3A_1360 = vector.broadcast %sub3A : i32 to vector<16xi32>
      %sub3A_1361 = arith.subi %get3A_1359, %sub3A_1360 : vector<16xi32>
      %swap3A = arith.index_cast %add3A_1357 : i32 to index
      %swap3A_1362 = tpu.vector_load %arg5[%swap3A] {strides = array<i32>} : memref<3200xi32, #tpu.memory_space<vmem>>, vector<16xi32>,
      %swap3A_1363 = vector.shape_cast %swap3A_1362 : vector<16xi32> to vector<16xi32>
      %swap3A_1364 = vector.shape_cast %sub3A_1361 : vector<16xi32> to vector<16xi32>
      tpu.vector_store %arg5[%swap3A], %swap3A_1364 {strides = array<i32>} : memref<3200xi32, #tpu.memory_space<vmem>>, vector<16xi32>,
    }
    %scan3A_1174 = arith.constant 8 : i32
    %dma_start3A_1175 = arith.constant 2 : i32
    %dma_start3A_1176 = arith.constant 0 : i32
    %dma_start3A_1177 = arith.constant 0 : i32
    %dma_start3A_1178 = tpu.memref_slice %arg7[%dma_start3A_1175, %dma_start3A_1176, %dma_start3A_1177] : memref<3x128x128xf32, #tpu.memory_space<vmem>> -> memref<1x128x128xf32, #tpu.memory_space<vmem>>
    %dma_start3A_1179 = tpu.memref_squeeze %dma_start3A_1178 : memref<1x128x128xf32, #tpu.memory_space<vmem>> -> memref<128x128xf32, #tpu.memory_space<vmem>>
    %dma_start3A_1180 = arith.constant 2944 : i32
    %dma_start3A_1181 = tpu.memref_slice %arg5[%dma_start3A_1180] : memref<3200xi32, #tpu.memory_space<vmem>> -> memref<128xi32, #tpu.memory_space<vmem>>
    %dma_start3A_1182 = arith.constant 0 : i32
    %dma_start3A_1183 = arith.constant 0 : i32
    %dma_start3A_1184 = tpu.memref_slice %arg6[%dma_start3A_1182, %dma_start3A_1183] : memref<94x128xf32, #tpu.memory_space<vmem_shared>> -> memref<94x128xf32, #tpu.memory_space<vmem_shared>>
    tpu.enqueue_indirect_dma source(%dma_start3A_1184 : memref<94x128xf32, #tpu.memory_space<vmem_shared>>) target(%dma_start3A_1179 : memref<128x128xf32, #tpu.memory_space<vmem>>) offsets(%dma_start3A_1181 : memref<128xi32, #tpu.memory_space<vmem>>) semaphore(%arg10 : memref<!tpu.dma_semaphore, #tpu.memory_space<semaphore_mem>>)
    %dma_wait3A_1185 = arith.constant 0 : i32
    %dma_wait3A_1186 = arith.constant 0 : i32
    %dma_wait3A_1187 = arith.constant 0 : i32
    %dma_wait3A_1188 = tpu.memref_slice %arg7[%dma_wait3A_1185, %dma_wait3A_1186, %dma_wait3A_1187] : memref<3x128x128xf32, #tpu.memory_space<vmem>> -> memref<1x128x128xf32, #tpu.memory_space<vmem>>
    %dma_wait3A_1189 = tpu.memref_squeeze %dma_wait3A_1188 : memref<1x128x128xf32, #tpu.memory_space<vmem>> -> memref<128x128xf32, #tpu.memory_space<vmem>>
    %dma_wait3A_1190 = arith.constant 2688 : i32
    %dma_wait3A_1191 = tpu.memref_slice %arg5[%dma_wait3A_1190] : memref<3200xi32, #tpu.memory_space<vmem>> -> memref<128xi32, #tpu.memory_space<vmem>>
    %dma_wait3A_1192 = arith.constant 0 : i32
    %dma_wait3A_1193 = arith.constant 0 : i32
    %dma_wait3A_1194 = tpu.memref_slice %arg6[%dma_wait3A_1192, %dma_wait3A_1193] : memref<94x128xf32, #tpu.memory_space<vmem_shared>> -> memref<94x128xf32, #tpu.memory_space<vmem_shared>>
    tpu.wait_indirect_dma semaphore(%arg8 : memref<!tpu.dma_semaphore, #tpu.memory_space<semaphore_mem>>) src(%dma_wait3A_1194 : memref<94x128xf32, #tpu.memory_space<vmem_shared>>) dst(%dma_wait3A_1189 : memref<128x128xf32, #tpu.memory_space<vmem>>)
    %add3A_1195 = arith.constant 2688 : i32
    %add3A_1196 = arith.addi %min3A_3, %add3A_1195 : i32
    %dma_start3A_1197 = arith.constant 0 : i32
    %dma_start3A_1198 = arith.constant 0 : i32
    %dma_start3A_1199 = arith.constant 0 : i32
    %dma_start3A_1200 = tpu.memref_slice %arg7[%dma_start3A_1197, %dma_start3A_1198, %dma_start3A_1199] : memref<3x128x128xf32, #tpu.memory_space<vmem>> -> memref<1x128x128xf32, #tpu.memory_space<vmem>>
    %dma_start3A_1201 = tpu.memref_squeeze %dma_start3A_1200 : memref<1x128x128xf32, #tpu.memory_space<vmem>> -> memref<128x128xf32, #tpu.memory_space<vmem>>
    %dma_start3A_1202 = arith.constant 0 : i32
    %dma_start3A_1203 = tpu.memref_slice %arg4[%add3A_1196, %dma_start3A_1202] : memref<100000x128xf32, #tpu.memory_space<hbm>> -> memref<128x128xf32, #tpu.memory_space<hbm>>
    %dma_start3A_1204 = arith.constant 0 : i32
    %dma_start3A_1205 = tpu.memref_slice %arg4[%add3A_1196, %dma_start3A_1204] : memref<100000x128xf32, #tpu.memory_space<hbm>> -> memref<128x128xf32, #tpu.memory_space<hbm>>
    %dma_start3A_1206 = arith.constant 0 : i32
    %dma_start3A_1207 = arith.constant 0 : i32
    %dma_start3A_1208 = tpu.memref_slice %arg7[%dma_start3A_1197, %dma_start3A_1206, %dma_start3A_1207] : memref<3x128x128xf32, #tpu.memory_space<vmem>> -> memref<1x128x128xf32, #tpu.memory_space<vmem>>
    %dma_start3A_1209 = tpu.memref_squeeze %dma_start3A_1208 : memref<1x128x128xf32, #tpu.memory_space<vmem>> -> memref<128x128xf32, #tpu.memory_space<vmem>>
    tpu.enqueue_dma source(%dma_start3A_1209 : memref<128x128xf32, #tpu.memory_space<vmem>>) target(%dma_start3A_1205 : memref<128x128xf32, #tpu.memory_space<hbm>>) target_semaphore(%arg11 : memref<!tpu.dma_semaphore, #tpu.memory_space<semaphore_mem>>)
    %dma_wait3A_1210 = arith.constant 0 : i32
    %dma_wait3A_1211 = arith.constant 0 : i32
    %dma_wait3A_1212 = arith.constant 0 : i32
    %dma_wait3A_1213 = tpu.memref_slice %arg7[%dma_wait3A_1210, %dma_wait3A_1211, %dma_wait3A_1212] : memref<3x128x128xf32, #tpu.memory_space<vmem>> -> memref<1x128x128xf32, #tpu.memory_space<vmem>>
    %dma_wait3A_1214 = tpu.memref_squeeze %dma_wait3A_1213 : memref<1x128x128xf32, #tpu.memory_space<vmem>> -> memref<128x128xf32, #tpu.memory_space<vmem>>
    %dma_wait3A_1215 = arith.constant 0 : i32
    %dma_wait3A_1216 = tpu.memref_slice %arg4[%add3A_1196, %dma_wait3A_1215] : memref<100000x128xf32, #tpu.memory_space<hbm>> -> memref<128x128xf32, #tpu.memory_space<hbm>>
    %dma_wait3A_1217 = arith.constant 0 : i32
    %dma_wait3A_1218 = tpu.memref_slice %arg4[%add3A_1196, %dma_wait3A_1217] : memref<100000x128xf32, #tpu.memory_space<hbm>> -> memref<128x128xf32, #tpu.memory_space<hbm>>
    %dma_wait3A_1219 = arith.constant 0 : i32
    %dma_wait3A_1220 = arith.constant 0 : i32
    %dma_wait3A_1221 = tpu.memref_slice %arg7[%dma_wait3A_1210, %dma_wait3A_1219, %dma_wait3A_1220] : memref<3x128x128xf32, #tpu.memory_space<vmem>> -> memref<1x128x128xf32, #tpu.memory_space<vmem>>
    %dma_wait3A_1222 = tpu.memref_squeeze %dma_wait3A_1221 : memref<1x128x128xf32, #tpu.memory_space<vmem>> -> memref<128x128xf32, #tpu.memory_space<vmem>>
    tpu.wait_dma2 semaphore(%arg11 : memref<!tpu.dma_semaphore, #tpu.memory_space<semaphore_mem>>) src(%dma_wait3A_1222 : memref<128x128xf32, #tpu.memory_space<vmem>>) dst(%dma_wait3A_1218 : memref<128x128xf32, #tpu.memory_space<hbm>>)
    %scan3A_1223 = arith.constant 0 : i32
    %scan3A_1224 = arith.constant 0 : i32
    %scan3A_1225 = arith.constant 8 : i32
    %scan3A_1226 = arith.addi %scan3A_1224, %scan3A_1225 : i32
    %scan3A_1227 = arith.constant 1 : i32
    scf.for %scan3A_1353 = %scan3A_1224 to %scan3A_1226 step %scan3A_1227  : i32 {
      %mul3A_1354 = arith.constant 16 : i32
      %mul3A_1355 = arith.muli %scan3A_1353, %mul3A_1354 : i32
      %add3A_1356 = arith.constant 3072 : i32
      %add3A_1357 = arith.addi %add3A_1356, %mul3A_1355 : i32
      %get3A = arith.index_cast %add3A_1357 : i32 to index
      %get3A_1358 = tpu.vector_load %arg5[%get3A] {strides = array<i32>} : memref<3200xi32, #tpu.memory_space<vmem>>, vector<16xi32>,
      %get3A_1359 = vector.shape_cast %get3A_1358 : vector<16xi32> to vector<16xi32>
      %sub3A = arith.constant 1 : i32
      %sub3A_1360 = vector.broadcast %sub3A : i32 to vector<16xi32>
      %sub3A_1361 = arith.subi %get3A_1359, %sub3A_1360 : vector<16xi32>
      %swap3A = arith.index_cast %add3A_1357 : i32 to index
      %swap3A_1362 = tpu.vector_load %arg5[%swap3A] {strides = array<i32>} : memref<3200xi32, #tpu.memory_space<vmem>>, vector<16xi32>,
      %swap3A_1363 = vector.shape_cast %swap3A_1362 : vector<16xi32> to vector<16xi32>
      %swap3A_1364 = vector.shape_cast %sub3A_1361 : vector<16xi32> to vector<16xi32>
      tpu.vector_store %arg5[%swap3A], %swap3A_1364 {strides = array<i32>} : memref<3200xi32, #tpu.memory_space<vmem>>, vector<16xi32>,
    }
    %scan3A_1228 = arith.constant 8 : i32
    %dma_start3A_1229 = arith.constant 0 : i32
    %dma_start3A_1230 = arith.constant 0 : i32
    %dma_start3A_1231 = arith.constant 0 : i32
    %dma_start3A_1232 = tpu.memref_slice %arg7[%dma_start3A_1229, %dma_start3A_1230, %dma_start3A_1231] : memref<3x128x128xf32, #tpu.memory_space<vmem>> -> memref<1x128x128xf32, #tpu.memory_space<vmem>>
    %dma_start3A_1233 = tpu.memref_squeeze %dma_start3A_1232 : memref<1x128x128xf32, #tpu.memory_space<vmem>> -> memref<128x128xf32, #tpu.memory_space<vmem>>
    %dma_start3A_1234 = arith.constant 3072 : i32
    %dma_start3A_1235 = tpu.memref_slice %arg5[%dma_start3A_1234] : memref<3200xi32, #tpu.memory_space<vmem>> -> memref<128xi32, #tpu.memory_space<vmem>>
    %dma_start3A_1236 = arith.constant 0 : i32
    %dma_start3A_1237 = arith.constant 0 : i32
    %dma_start3A_1238 = tpu.memref_slice %arg6[%dma_start3A_1236, %dma_start3A_1237] : memref<94x128xf32, #tpu.memory_space<vmem_shared>> -> memref<94x128xf32, #tpu.memory_space<vmem_shared>>
    tpu.enqueue_indirect_dma source(%dma_start3A_1238 : memref<94x128xf32, #tpu.memory_space<vmem_shared>>) target(%dma_start3A_1233 : memref<128x128xf32, #tpu.memory_space<vmem>>) offsets(%dma_start3A_1235 : memref<128xi32, #tpu.memory_space<vmem>>) semaphore(%arg8 : memref<!tpu.dma_semaphore, #tpu.memory_space<semaphore_mem>>)
    %dma_wait3A_1239 = arith.constant 1 : i32
    %dma_wait3A_1240 = arith.constant 0 : i32
    %dma_wait3A_1241 = arith.constant 0 : i32
    %dma_wait3A_1242 = tpu.memref_slice %arg7[%dma_wait3A_1239, %dma_wait3A_1240, %dma_wait3A_1241] : memref<3x128x128xf32, #tpu.memory_space<vmem>> -> memref<1x128x128xf32, #tpu.memory_space<vmem>>
    %dma_wait3A_1243 = tpu.memref_squeeze %dma_wait3A_1242 : memref<1x128x128xf32, #tpu.memory_space<vmem>> -> memref<128x128xf32, #tpu.memory_space<vmem>>
    %dma_wait3A_1244 = arith.constant 2816 : i32
    %dma_wait3A_1245 = tpu.memref_slice %arg5[%dma_wait3A_1244] : memref<3200xi32, #tpu.memory_space<vmem>> -> memref<128xi32, #tpu.memory_space<vmem>>
    %dma_wait3A_1246 = arith.constant 0 : i32
    %dma_wait3A_1247 = arith.constant 0 : i32
    %dma_wait3A_1248 = tpu.memref_slice %arg6[%dma_wait3A_1246, %dma_wait3A_1247] : memref<94x128xf32, #tpu.memory_space<vmem_shared>> -> memref<94x128xf32, #tpu.memory_space<vmem_shared>>
    tpu.wait_indirect_dma semaphore(%arg9 : memref<!tpu.dma_semaphore, #tpu.memory_space<semaphore_mem>>) src(%dma_wait3A_1248 : memref<94x128xf32, #tpu.memory_space<vmem_shared>>) dst(%dma_wait3A_1243 : memref<128x128xf32, #tpu.memory_space<vmem>>)
    %add3A_1249 = arith.constant 2816 : i32
    %add3A_1250 = arith.addi %min3A_3, %add3A_1249 : i32
    %dma_start3A_1251 = arith.constant 1 : i32
    %dma_start3A_1252 = arith.constant 0 : i32
    %dma_start3A_1253 = arith.constant 0 : i32
    %dma_start3A_1254 = tpu.memref_slice %arg7[%dma_start3A_1251, %dma_start3A_1252, %dma_start3A_1253] : memref<3x128x128xf32, #tpu.memory_space<vmem>> -> memref<1x128x128xf32, #tpu.memory_space<vmem>>
    %dma_start3A_1255 = tpu.memref_squeeze %dma_start3A_1254 : memref<1x128x128xf32, #tpu.memory_space<vmem>> -> memref<128x128xf32, #tpu.memory_space<vmem>>
    %dma_start3A_1256 = arith.constant 0 : i32
    %dma_start3A_1257 = tpu.memref_slice %arg4[%add3A_1250, %dma_start3A_1256] : memref<100000x128xf32, #tpu.memory_space<hbm>> -> memref<128x128xf32, #tpu.memory_space<hbm>>
    %dma_start3A_1258 = arith.constant 0 : i32
    %dma_start3A_1259 = tpu.memref_slice %arg4[%add3A_1250, %dma_start3A_1258] : memref<100000x128xf32, #tpu.memory_space<hbm>> -> memref<128x128xf32, #tpu.memory_space<hbm>>
    %dma_start3A_1260 = arith.constant 0 : i32
    %dma_start3A_1261 = arith.constant 0 : i32
    %dma_start3A_1262 = tpu.memref_slice %arg7[%dma_start3A_1251, %dma_start3A_1260, %dma_start3A_1261] : memref<3x128x128xf32, #tpu.memory_space<vmem>> -> memref<1x128x128xf32, #tpu.memory_space<vmem>>
    %dma_start3A_1263 = tpu.memref_squeeze %dma_start3A_1262 : memref<1x128x128xf32, #tpu.memory_space<vmem>> -> memref<128x128xf32, #tpu.memory_space<vmem>>
    tpu.enqueue_dma source(%dma_start3A_1263 : memref<128x128xf32, #tpu.memory_space<vmem>>) target(%dma_start3A_1259 : memref<128x128xf32, #tpu.memory_space<hbm>>) target_semaphore(%arg12 : memref<!tpu.dma_semaphore, #tpu.memory_space<semaphore_mem>>)
    %dma_wait3A_1264 = arith.constant 2 : i32
    %dma_wait3A_1265 = arith.constant 0 : i32
    %dma_wait3A_1266 = arith.constant 0 : i32
    %dma_wait3A_1267 = tpu.memref_slice %arg7[%dma_wait3A_1264, %dma_wait3A_1265, %dma_wait3A_1266] : memref<3x128x128xf32, #tpu.memory_space<vmem>> -> memref<1x128x128xf32, #tpu.memory_space<vmem>>
    %dma_wait3A_1268 = tpu.memref_squeeze %dma_wait3A_1267 : memref<1x128x128xf32, #tpu.memory_space<vmem>> -> memref<128x128xf32, #tpu.memory_space<vmem>>
    %dma_wait3A_1269 = arith.constant 2944 : i32
    %dma_wait3A_1270 = tpu.memref_slice %arg5[%dma_wait3A_1269] : memref<3200xi32, #tpu.memory_space<vmem>> -> memref<128xi32, #tpu.memory_space<vmem>>
    %dma_wait3A_1271 = arith.constant 0 : i32
    %dma_wait3A_1272 = arith.constant 0 : i32
    %dma_wait3A_1273 = tpu.memref_slice %arg6[%dma_wait3A_1271, %dma_wait3A_1272] : memref<94x128xf32, #tpu.memory_space<vmem_shared>> -> memref<94x128xf32, #tpu.memory_space<vmem_shared>>
    tpu.wait_indirect_dma semaphore(%arg10 : memref<!tpu.dma_semaphore, #tpu.memory_space<semaphore_mem>>) src(%dma_wait3A_1273 : memref<94x128xf32, #tpu.memory_space<vmem_shared>>) dst(%dma_wait3A_1268 : memref<128x128xf32, #tpu.memory_space<vmem>>)
    %add3A_1274 = arith.constant 2944 : i32
    %add3A_1275 = arith.addi %min3A_3, %add3A_1274 : i32
    %dma_start3A_1276 = arith.constant 2 : i32
    %dma_start3A_1277 = arith.constant 0 : i32
    %dma_start3A_1278 = arith.constant 0 : i32
    %dma_start3A_1279 = tpu.memref_slice %arg7[%dma_start3A_1276, %dma_start3A_1277, %dma_start3A_1278] : memref<3x128x128xf32, #tpu.memory_space<vmem>> -> memref<1x128x128xf32, #tpu.memory_space<vmem>>
    %dma_start3A_1280 = tpu.memref_squeeze %dma_start3A_1279 : memref<1x128x128xf32, #tpu.memory_space<vmem>> -> memref<128x128xf32, #tpu.memory_space<vmem>>
    %dma_start3A_1281 = arith.constant 0 : i32
    %dma_start3A_1282 = tpu.memref_slice %arg4[%add3A_1275, %dma_start3A_1281] : memref<100000x128xf32, #tpu.memory_space<hbm>> -> memref<128x128xf32, #tpu.memory_space<hbm>>
    %dma_start3A_1283 = arith.constant 0 : i32
    %dma_start3A_1284 = tpu.memref_slice %arg4[%add3A_1275, %dma_start3A_1283] : memref<100000x128xf32, #tpu.memory_space<hbm>> -> memref<128x128xf32, #tpu.memory_space<hbm>>
    %dma_start3A_1285 = arith.constant 0 : i32
    %dma_start3A_1286 = arith.constant 0 : i32
    %dma_start3A_1287 = tpu.memref_slice %arg7[%dma_start3A_1276, %dma_start3A_1285, %dma_start3A_1286] : memref<3x128x128xf32, #tpu.memory_space<vmem>> -> memref<1x128x128xf32, #tpu.memory_space<vmem>>
    %dma_start3A_1288 = tpu.memref_squeeze %dma_start3A_1287 : memref<1x128x128xf32, #tpu.memory_space<vmem>> -> memref<128x128xf32, #tpu.memory_space<vmem>>
    tpu.enqueue_dma source(%dma_start3A_1288 : memref<128x128xf32, #tpu.memory_space<vmem>>) target(%dma_start3A_1284 : memref<128x128xf32, #tpu.memory_space<hbm>>) target_semaphore(%arg13 : memref<!tpu.dma_semaphore, #tpu.memory_space<semaphore_mem>>)
    %dma_wait3A_1289 = arith.constant 0 : i32
    %dma_wait3A_1290 = arith.constant 0 : i32
    %dma_wait3A_1291 = arith.constant 0 : i32
    %dma_wait3A_1292 = tpu.memref_slice %arg7[%dma_wait3A_1289, %dma_wait3A_1290, %dma_wait3A_1291] : memref<3x128x128xf32, #tpu.memory_space<vmem>> -> memref<1x128x128xf32, #tpu.memory_space<vmem>>
    %dma_wait3A_1293 = tpu.memref_squeeze %dma_wait3A_1292 : memref<1x128x128xf32, #tpu.memory_space<vmem>> -> memref<128x128xf32, #tpu.memory_space<vmem>>
    %dma_wait3A_1294 = arith.constant 3072 : i32
    %dma_wait3A_1295 = tpu.memref_slice %arg5[%dma_wait3A_1294] : memref<3200xi32, #tpu.memory_space<vmem>> -> memref<128xi32, #tpu.memory_space<vmem>>
    %dma_wait3A_1296 = arith.constant 0 : i32
    %dma_wait3A_1297 = arith.constant 0 : i32
    %dma_wait3A_1298 = tpu.memref_slice %arg6[%dma_wait3A_1296, %dma_wait3A_1297] : memref<94x128xf32, #tpu.memory_space<vmem_shared>> -> memref<94x128xf32, #tpu.memory_space<vmem_shared>>
    tpu.wait_indirect_dma semaphore(%arg8 : memref<!tpu.dma_semaphore, #tpu.memory_space<semaphore_mem>>) src(%dma_wait3A_1298 : memref<94x128xf32, #tpu.memory_space<vmem_shared>>) dst(%dma_wait3A_1293 : memref<128x128xf32, #tpu.memory_space<vmem>>)
    %add3A_1299 = arith.constant 3072 : i32
    %add3A_1300 = arith.addi %min3A_3, %add3A_1299 : i32
    %dma_start3A_1301 = arith.constant 0 : i32
    %dma_start3A_1302 = arith.constant 0 : i32
    %dma_start3A_1303 = arith.constant 0 : i32
    %dma_start3A_1304 = tpu.memref_slice %arg7[%dma_start3A_1301, %dma_start3A_1302, %dma_start3A_1303] : memref<3x128x128xf32, #tpu.memory_space<vmem>> -> memref<1x128x128xf32, #tpu.memory_space<vmem>>
    %dma_start3A_1305 = tpu.memref_squeeze %dma_start3A_1304 : memref<1x128x128xf32, #tpu.memory_space<vmem>> -> memref<128x128xf32, #tpu.memory_space<vmem>>
    %dma_start3A_1306 = arith.constant 0 : i32
    %dma_start3A_1307 = tpu.memref_slice %arg4[%add3A_1300, %dma_start3A_1306] : memref<100000x128xf32, #tpu.memory_space<hbm>> -> memref<128x128xf32, #tpu.memory_space<hbm>>
    %dma_start3A_1308 = arith.constant 0 : i32
    %dma_start3A_1309 = tpu.memref_slice %arg4[%add3A_1300, %dma_start3A_1308] : memref<100000x128xf32, #tpu.memory_space<hbm>> -> memref<128x128xf32, #tpu.memory_space<hbm>>
    %dma_start3A_1310 = arith.constant 0 : i32
    %dma_start3A_1311 = arith.constant 0 : i32
    %dma_start3A_1312 = tpu.memref_slice %arg7[%dma_start3A_1301, %dma_start3A_1310, %dma_start3A_1311] : memref<3x128x128xf32, #tpu.memory_space<vmem>> -> memref<1x128x128xf32, #tpu.memory_space<vmem>>
    %dma_start3A_1313 = tpu.memref_squeeze %dma_start3A_1312 : memref<1x128x128xf32, #tpu.memory_space<vmem>> -> memref<128x128xf32, #tpu.memory_space<vmem>>
    tpu.enqueue_dma source(%dma_start3A_1313 : memref<128x128xf32, #tpu.memory_space<vmem>>) target(%dma_start3A_1309 : memref<128x128xf32, #tpu.memory_space<hbm>>) target_semaphore(%arg11 : memref<!tpu.dma_semaphore, #tpu.memory_space<semaphore_mem>>)
    %dma_wait3A_1314 = arith.constant 0 : i32
    %dma_wait3A_1315 = arith.constant 0 : i32
    %dma_wait3A_1316 = arith.constant 0 : i32
    %dma_wait3A_1317 = tpu.memref_slice %arg7[%dma_wait3A_1314, %dma_wait3A_1315, %dma_wait3A_1316] : memref<3x128x128xf32, #tpu.memory_space<vmem>> -> memref<1x128x128xf32, #tpu.memory_space<vmem>>
    %dma_wait3A_1318 = tpu.memref_squeeze %dma_wait3A_1317 : memref<1x128x128xf32, #tpu.memory_space<vmem>> -> memref<128x128xf32, #tpu.memory_space<vmem>>
    %dma_wait3A_1319 = arith.constant 0 : i32
    %dma_wait3A_1320 = tpu.memref_slice %arg4[%add3A_1300, %dma_wait3A_1319] : memref<100000x128xf32, #tpu.memory_space<hbm>> -> memref<128x128xf32, #tpu.memory_space<hbm>>
    %dma_wait3A_1321 = arith.constant 0 : i32
    %dma_wait3A_1322 = tpu.memref_slice %arg4[%add3A_1300, %dma_wait3A_1321] : memref<100000x128xf32, #tpu.memory_space<hbm>> -> memref<128x128xf32, #tpu.memory_space<hbm>>
    %dma_wait3A_1323 = arith.constant 0 : i32
    %dma_wait3A_1324 = arith.constant 0 : i32
    %dma_wait3A_1325 = tpu.memref_slice %arg7[%dma_wait3A_1314, %dma_wait3A_1323, %dma_wait3A_1324] : memref<3x128x128xf32, #tpu.memory_space<vmem>> -> memref<1x128x128xf32, #tpu.memory_space<vmem>>
    %dma_wait3A_1326 = tpu.memref_squeeze %dma_wait3A_1325 : memref<1x128x128xf32, #tpu.memory_space<vmem>> -> memref<128x128xf32, #tpu.memory_space<vmem>>
    tpu.wait_dma2 semaphore(%arg11 : memref<!tpu.dma_semaphore, #tpu.memory_space<semaphore_mem>>) src(%dma_wait3A_1326 : memref<128x128xf32, #tpu.memory_space<vmem>>) dst(%dma_wait3A_1322 : memref<128x128xf32, #tpu.memory_space<hbm>>)
    %dma_wait3A_1327 = arith.constant 1 : i32
    %dma_wait3A_1328 = arith.constant 0 : i32
    %dma_wait3A_1329 = arith.constant 0 : i32
    %dma_wait3A_1330 = tpu.memref_slice %arg7[%dma_wait3A_1327, %dma_wait3A_1328, %dma_wait3A_1329] : memref<3x128x128xf32, #tpu.memory_space<vmem>> -> memref<1x128x128xf32, #tpu.memory_space<vmem>>
    %dma_wait3A_1331 = tpu.memref_squeeze %dma_wait3A_1330 : memref<1x128x128xf32, #tpu.memory_space<vmem>> -> memref<128x128xf32, #tpu.memory_space<vmem>>
    %dma_wait3A_1332 = arith.constant 0 : i32
    %dma_wait3A_1333 = tpu.memref_slice %arg4[%add3A_1250, %dma_wait3A_1332] : memref<100000x128xf32, #tpu.memory_space<hbm>> -> memref<128x128xf32, #tpu.memory_space<hbm>>
    %dma_wait3A_1334 = arith.constant 0 : i32
    %dma_wait3A_1335 = tpu.memref_slice %arg4[%add3A_1250, %dma_wait3A_1334] : memref<100000x128xf32, #tpu.memory_space<hbm>> -> memref<128x128xf32, #tpu.memory_space<hbm>>
    %dma_wait3A_1336 = arith.constant 0 : i32
    %dma_wait3A_1337 = arith.constant 0 : i32
    %dma_wait3A_1338 = tpu.memref_slice %arg7[%dma_wait3A_1327, %dma_wait3A_1336, %dma_wait3A_1337] : memref<3x128x128xf32, #tpu.memory_space<vmem>> -> memref<1x128x128xf32, #tpu.memory_space<vmem>>
    %dma_wait3A_1339 = tpu.memref_squeeze %dma_wait3A_1338 : memref<1x128x128xf32, #tpu.memory_space<vmem>> -> memref<128x128xf32, #tpu.memory_space<vmem>>
    tpu.wait_dma2 semaphore(%arg12 : memref<!tpu.dma_semaphore, #tpu.memory_space<semaphore_mem>>) src(%dma_wait3A_1339 : memref<128x128xf32, #tpu.memory_space<vmem>>) dst(%dma_wait3A_1335 : memref<128x128xf32, #tpu.memory_space<hbm>>)
    %dma_wait3A_1340 = arith.constant 2 : i32
    %dma_wait3A_1341 = arith.constant 0 : i32
    %dma_wait3A_1342 = arith.constant 0 : i32
    %dma_wait3A_1343 = tpu.memref_slice %arg7[%dma_wait3A_1340, %dma_wait3A_1341, %dma_wait3A_1342] : memref<3x128x128xf32, #tpu.memory_space<vmem>> -> memref<1x128x128xf32, #tpu.memory_space<vmem>>
    %dma_wait3A_1344 = tpu.memref_squeeze %dma_wait3A_1343 : memref<1x128x128xf32, #tpu.memory_space<vmem>> -> memref<128x128xf32, #tpu.memory_space<vmem>>
    %dma_wait3A_1345 = arith.constant 0 : i32
    %dma_wait3A_1346 = tpu.memref_slice %arg4[%add3A_1275, %dma_wait3A_1345] : memref<100000x128xf32, #tpu.memory_space<hbm>> -> memref<128x128xf32, #tpu.memory_space<hbm>>
    %dma_wait3A_1347 = arith.constant 0 : i32
    %dma_wait3A_1348 = tpu.memref_slice %arg4[%add3A_1275, %dma_wait3A_1347] : memref<100000x128xf32, #tpu.memory_space<hbm>> -> memref<128x128xf32, #tpu.memory_space<hbm>>
    %dma_wait3A_1349 = arith.constant 0 : i32
    %dma_wait3A_1350 = arith.constant 0 : i32
    %dma_wait3A_1351 = tpu.memref_slice %arg7[%dma_wait3A_1340, %dma_wait3A_1349, %dma_wait3A_1350] : memref<3x128x128xf32, #tpu.memory_space<vmem>> -> memref<1x128x128xf32, #tpu.memory_space<vmem>>
    %dma_wait3A_1352 = tpu.memref_squeeze %dma_wait3A_1351 : memref<1x128x128xf32, #tpu.memory_space<vmem>> -> memref<128x128xf32, #tpu.memory_space<vmem>>
    tpu.wait_dma2 semaphore(%arg13 : memref<!tpu.dma_semaphore, #tpu.memory_space<semaphore_mem>>) src(%dma_wait3A_1352 : memref<128x128xf32, #tpu.memory_space<vmem>>) dst(%dma_wait3A_1348 : memref<128x128xf32, #tpu.memory_space<hbm>>)
    return
  }
}

</mosaic_0001>

<sc_bundles>
// kernel: kernel.3.cloned.1.call-start
scs
__scs_entry_jumppad:
0x0: {  	(pc) =	sbr.rel $0x88, $3  }
0x1: {  	(tag) =	ssettag $0x0;
	lr =	simm.s32 $0x1  }
0x2: {  	[smem:$0x3F9F] =	sst lr;
	_ =	strace $0xD0000000  }
0x3: {  	_ = 	snop  }
0x4: {  	_ = 	snop  }
0x5: {  	_ = 	snop  }
0x6: {  	_ = 	snop  }
0x7: {  	_ = 	snop  }
__scs_overlays_trampoline_lowered:
0x8: {  	[smem:$0x3FAE] =	sst s0  }
0x9: {  	[smem:$0x3FAF] =	sst s1  }
0xa: {  	[smem:$0x3FB0] =	sst s2  }
0xb: {  	[smem:$0x3FB1] =	sst s3  }
0xc: {  	[smem:$0x3FB2] =	sst s4  }
0xd: {  	[smem:$0x3FB3] =	sst s5  }
0xe: {  	[smem:$0x3FB4] =	sst s6  }
0xf: {  	[smem:$0x3FB5] =	sst s7  }
0x10: {  	[smem:$0x3FB6] =	sst s8  }
0x11: {  	[smem:$0x3FB7] =	sst s9;
	s0 =	simm.s32 @!p0 $0x0  }
0x12: {  	s1 =	sld [smem:$0x3F9D];
	s0 =	simm.s32 @p0 $0x1  }
0x13: {  	[smem:$0x3FB8] =	sst s0;
	s0 =	simm.s32 @!p1 $0x0  }
0x14: {  	s2 =	sld [smem:$0x3F9C];
	s0 =	simm.s32 @p1 $0x1  }
0x15: {  	[smem:$0x3FB9] =	sst s0;
	s0 =	simm.s32 @!p2 $0x0  }
0x16: {  	s3 =	sld [smem:$0x3FDB];
	s0 =	simm.s32 @p2 $0x1  }
0x17: {  	s4 =	simm.s32 $0x1BF5;
	[smem:$0x3FBB] =	sst s0  }
0x18: {  	s0 =	sld [smem:$0x3F9E];
	_ =	swait.ge [sflag:s4], $0x0  }
0x19: {  	s7 =	sld [smem:$0x3F9F]  }
0x1a: {  	s8 =	sadd.s32 $0xFFFFE003, lr  }
0x1b: {  	s9 =	sadd.s32 $0xFFFFFEF7, lr;
	s5 =	simm.s32 $0xFFFFFFFF;
	p2 =	slt.u32 s8, $0xFFFFF086  }
0x1c: {  	p1 =	slt.u32 s9, $0xF7A;
	s5 =	simm.s32 @!p2 $0x0  }
0x1d: {  	s5 =	simm.s32 @p1 $0x1;
	p0 =	seq.s32 s7, s2  }
0x1e: {  	s7 =	smul.u32 @!p0 $0xF7A, s2;
	p2 =	seq.s32 @!p0 s5, $0x0  }
0x1f: {  	s9 =	smul.u32 $0xF7A, s1;
	s8 =	simm.s32 @!p0 $0x1BF5;
	p2 =	por !p2, p0  }
0x20: {  	[sflag:s8] =	ssyncset.s32 @!p0 $0xFFFFF086;
	s6 =	sadd.s32 @!p0 s3, s7;
	s7 =	simm.s32 @!p0 $0x108  }
0x21: {  	s3 =	sadd.s32 s3, s9;
	s6 =	sadd.s32 @!p0 $0x88, s6;
	s7 =	simm.s32 @p2 $0x1082  }
0x22: {  	[simem:s7], [sflag:s8] =	dma.local @!p0 [hbm:s6], $0xF7A  }
0x23: {  	s9 =	sor.u32 $0xD0000000, s2;
	s6 =	simm.s32 $0x108;
	_ =	swait.ge @!p0 [sflag:s8], $0x0  }
0x24: {  	s3 =	sadd.s32 $0x88, s3;
	s6 =	simm.s32 @!p1 $0x1082;
	[sflag:s4] =	ssyncset.s32 $0xFFFFF086  }
0x25: {  	[simem:s6], [sflag:s4] =	dma.local [hbm:s3], $0xF7A  }
0x26: {  	[smem:$0x3F9F] =	sst s1;
	(tag) =	ssettag s2;
	_ =	strace s9  }
0x27: {  	s1 =	sld [smem:$0x3FAF]  }
0x28: {  	s2 =	sld [smem:$0x3FB0]  }
0x29: {  	s4 =	sld [smem:$0x3FB2]  }
0x2a: {  	p0 =	seq.s32 s5, $0x0;
	s5 =	sld [smem:$0x3FB3]  }
0x2b: {  	s6 =	sld [smem:$0x3FB4]  }
0x2c: {  	s7 =	sld [smem:$0x3FB5]  }
0x2d: {  	s3 =	simm.s32 $0x108;
	s8 =	sld [smem:$0x3FB6]  }
0x2e: {  	s3 =	simm.s32 @!p0 $0x1082;
	s9 =	sld [smem:$0x3FB7]  }
0x2f: {  	lr =	sadd.s32 s0, s3;
	s0 =	sld [smem:$0x3FAE]  }
0x30: {  	s3 =	sld [smem:$0x3FB1]  }
0x31: {  	[smem:$0x3FBA] =	sst s10  }
0x32: {  	s10 =	sld [smem:$0x3FB8];
	_ =	sdelay $0x3  }
0x33: {  	p0 =	seq.s32 s10, $0x1;
	s10 =	sld [smem:$0x3FBA];
	_ =	sdelay $0x3  }
0x34: {  	[smem:$0x3FBA] =	sst s10  }
0x35: {  	s10 =	sld [smem:$0x3FB9];
	_ =	sdelay $0x3  }
0x36: {  	p1 =	seq.s32 s10, $0x1;
	s10 =	sld [smem:$0x3FBA];
	_ =	sdelay $0x3  }
0x37: {  	[smem:$0x3FBA] =	sst s10  }
0x38: {  	s10 =	sld [smem:$0x3FBB]  }
0x39: {  	_ = 	snop;
	(pc) =	sbr.ind lr, $3  }
0x3a: {  	_ = 	snop  }
0x3b: {  	_ = 	snop  }
0x3c: {  	p2 =	seq.s32 s10, $0x1;
	s10 =	sld [smem:$0x3FBA]  }
0x3d: {  	_ =	shalt  }
0x3e: {  	_ =	shalt  }
0x3f: {  	_ =	shalt  }
0x40: {  	_ =	shalt  }
0x41: {  	_ =	shalt  }
0x42: {  	_ =	shalt  }
0x43: {  	_ =	shalt  }
0x44: {  	_ =	shalt  }
0x45: {  	_ =	shalt  }
0x46: {  	_ =	shalt  }
0x47: {  	_ =	shalt  }
0x48: {  	_ =	shalt  }
0x49: {  	_ =	shalt  }
0x4a: {  	_ =	shalt  }
0x4b: {  	_ =	shalt  }
0x4c: {  	_ =	shalt  }
0x4d: {  	_ =	shalt  }
0x4e: {  	_ =	shalt  }
0x4f: {  	_ =	shalt  }
0x50: {  	_ =	shalt  }
0x51: {  	_ =	shalt  }
0x52: {  	_ =	shalt  }
0x53: {  	_ =	shalt  }
0x54: {  	_ =	shalt  }
0x55: {  	_ =	shalt  }
0x56: {  	_ =	shalt  }
0x57: {  	_ =	shalt  }
0x58: {  	_ =	shalt  }
0x59: {  	_ =	shalt  }
0x5a: {  	_ =	shalt  }
0x5b: {  	_ =	shalt  }
0x5c: {  	_ =	shalt  }
0x5d: {  	_ =	shalt  }
0x5e: {  	_ =	shalt  }
0x5f: {  	_ =	shalt  }
0x60: {  	_ =	shalt  }
0x61: {  	_ =	shalt  }
0x62: {  	_ =	shalt  }
0x63: {  	_ =	shalt  }
0x64: {  	_ =	shalt  }
0x65: {  	_ =	shalt  }
0x66: {  	_ =	shalt  }
0x67: {  	_ =	shalt  }
0x68: {  	_ =	shalt  }
0x69: {  	_ =	shalt  }
0x6a: {  	_ =	shalt  }
0x6b: {  	_ =	shalt  }
0x6c: {  	_ =	shalt  }
0x6d: {  	_ =	shalt  }
0x6e: {  	_ =	shalt  }
0x6f: {  	_ =	shalt  }
0x70: {  	_ =	shalt  }
0x71: {  	_ =	shalt  }
0x72: {  	_ =	shalt  }
0x73: {  	_ =	shalt  }
0x74: {  	_ =	shalt  }
0x75: {  	_ =	shalt  }
0x76: {  	_ =	shalt  }
0x77: {  	_ =	shalt  }
0x78: {  	_ =	shalt  }
0x79: {  	_ =	shalt  }
0x7a: {  	_ =	shalt  }
0x7b: {  	_ =	shalt  }
0x7c: {  	_ =	shalt  }
0x7d: {  	_ =	shalt  }
0x7e: {  	_ =	shalt  }
0x7f: {  	_ =	shalt  }
0x80: {  	_ =	shalt  }
0x81: {  	_ =	shalt  }
0x82: {  	_ =	shalt  }
0x83: {  	_ =	shalt  }
0x84: {  	_ =	shalt  }
0x85: {  	_ =	shalt  }
0x86: {  	_ =	shalt  }
0x87: {  	_ =	shalt  }
.Lfunc_end0:
.L_simem_size_0:
called_computation_lowered:
.L_overlay_start_0:
0x88: {  	s2 =	sld [smem:$0x3FD9]  }
0x89: {  	s3 =	sld [smem:$0x3FFE];
	_ =	sdelay $0x1  }
0x8a: {  	s1 =	srdreg.scid  }
0x8b: {  	s0 =	sand.u32 $0x1, s1  }
0x8c: {  	s18 =	sshll.u32 s0, $0xA;
	s2 =	sadd.s32 s3, s2  }
0x8d: {  	s2 =	sadd.s32 s2, s18  }
0x8e: {  	[smem:$0x3FC6] =	sst s2  }
0x8f: {  	_ = 	snop  }
0x90: {  	s2 =	sld [smem:$0x3FC9]  }
0x91: {  	s19 =	sld [smem:$0x3FC8]  }
0x92: {  	s4 =	sld [smem:$0x3FD0];
	(tm) =	ssettm $0x1  }
0x93: {  	s5 =	sld [smem:$0x3FFB];
	_ =	sdelay $0x3  }
0x94: {  	_ =	strace s5  }
0x95: {  	s5 =	sld [smem:$0x3FFC];
	_ =	sdelay $0x3  }
0x96: {  	_ =	strace s5  }
0x97: {  	s5 =	sld [smem:$0x3FFD];
	_ =	sdelay $0x3  }
0x98: {  	_ =	strace s5  }
0x99: {  	_ =	strace $0x8FFFFFFF  }
0x9a: {  	s20 =	sld [smem:$0x3FDB];
	_ =	sdelay $0x1  }
0x9b: {  	s6 =	simm.s32 $_scs_section_size  }
0x9c: {  	s7 =	simm.s32 $_size__tile_overlayer_lowered;
	s8 =	simm.s32 $_tile_overlayer_lowered  }
0x9d: {  	s23 =	simm.s32 $0x1BFF;
	s22 =	sshll.u32 s8, $0x1;
	s5 =	sadd.s32 s6, s20  }
0x9e: {  	s9 =	simm.s32 $0x0;
	s21 =	sshll.u32 s7, $0x1;
	s7 =	sadd.s32 s22, s5  }
0x9f: {  	[timem:s9], [sflag:s23] =	dma.local [hbm:s7], s21  }
0xa0: {  	_ =	swait.ge [sflag:s23], s21  }
0xa1: {  	s6 =	ssub.s32 $0x0, s21;
	[sflag:s23] =	ssyncset.done $0x0  }
0xa2: {  	[sflag:s23] =	ssyncadd.s32 s6;
	_ =	sdelay $0x1  }
0xa3: {  	s24 =	simm.s32 $0x1B8B  }
0xa4: {  	_ =	swait.ge [sflag:s24], $0x1  }
0xa5: {  	[sflag:s24] =	ssyncset.done $0x0  }
0xa6: {  	s25 =	simm.s32 $0x1B8E;
	[sflag:s24] =	ssyncadd.s32 $0xFFFFFFFF  }
0xa7: {  	s26 =	simm.s32 $execute0_lowered;
	[smem:$0x3FD2] =	sst s25  }
0xa8: {  	s6 =	sshll.u32 s26, $0x1;
	_ =	strace $0x80000046;
	[dreg:$0x1] =	wrdreg $0xFFFFFFFF  }
0xa9: {  	s28 =	simm.s32 $_size_execute0_lowered;
	s5 =	sadd.s32 s5, s6;
	[dreg:$0x0] =	wrdreg $0x0  }
0xaa: {  	s6 =	sshll.u32 s28, $0x1;
	[dreg:$0x2] =	wrdreg s5  }
0xab: {  	[dreg:$0x3] =	wrdreg s6  }
0xac: {  	[dreg:$0x4] =	wrdreg $0xC0  }
0xad: {  	_ =	task [dreg:s9], $0x5FFFF  }
0xae: {  	[dreg:$0x1] =	wrdreg $0xFFFFFFFF  }
0xaf: {  	[dreg:$0x0] =	wrdreg $0x60  }
0xb0: {  	[dreg:$0x2] =	wrdreg s2  }
0xb1: {  	[dreg:$0x3] =	wrdreg s19  }
0xb2: {  	[dreg:$0x4] =	wrdreg s4  }
0xb3: {  	[dreg:$0x5] =	wrdreg $0xC800  }
0xb4: {  	[dreg:$0x6] =	wrdreg $0x9  }
0xb5: {  	_ =	task.clear_ibuf [dreg:s9], $0x7FFFF;
	_ =	strace $0x90000046  }
0xb6: {  	s29 =	simm.s32 $0x9;
	_ =	strace $0x80000048  }
0xb7: {  	_ =	swait.ge [sflag:s29], $0x1  }
0xb8: {  	[sflag:s29] =	ssyncadd.s32 $0xFFFFFFFF  }
0xb9: {  	_ =	strace $0x90000048  }
0xba: {  	_ =	sfence  }
0xbb: {  	s30 =	sld [smem:$0x0];
	_ =	sdelay $0x2  }
0xbc: {  	s31 =	sshll.u32 s1, $0xD;
	s1 =	sshrl.u32 s1, $0x2  }
0xbd: {  	s3 =	sand.u32 $0x4000, s31;
	s1 =	sadd.s32 s1, s30  }
0xbe: {  	s0 =	sor.u32 s3, s0;
	s1 =	sshll.u32 s1, $0x11  }
0xbf: {  	s0 =	sor.u32 s1, s0  }
0xc0: {  	s0 =	sadd.s32 $0x8F2B, s0  }
0xc1: {  	[sflag:s0] =	ssyncadd.remote.s32 $0x1  }
0xc2: {  	_ =	sfence.sel $0xFFFF  }
0xc3: {  	[dreg:$0x0] =	wrdreg $0xFFFFFFFF;
	(pc) =	sbr.abs _section_cstart, $3  }
0xc4: {  	[dreg:$0x1] =	wrdreg $0xFFFFFFFF  }
0xc5: {  	_ =	task.clear_ibuf [dreg:s9], $0x2FFFF;
	_ =	strace $0x9FFFFFFF  }
0xc6: {  	(tm) =	ssettm $0x7FFFFFFF  }
0xc7: {  	_ =	shalt  }
tec
execute0_lowered:
.L_overlay_start_1:
0x0: {  	(tag) =	ssettag $0x1  }
0x1: {  	s0 =	srdreg.scid;
	s5 =	stileid.u32  }
0x2: {  	s3 =	rddreg [dreg:$0x0];
	s4 =	sand.u32 $0x1, s0;
	s24 =	sshll.u32 s5, $0x1  }
0x3: {  	s1 =	rddreg [dreg:$0x1];
	s0 =	sor.u32 s4, s24  }
0x4: {  	s6 =	rddreg [dreg:$0x2];
	s7 =	smul.u32 $0xC80, s0  }
0x5: {  	[dreg:$0x5] =	wrdreg s1  }
0x6: {  	s2 =	simm.s32 $0x0;
	s1 =	rddreg [dreg:$0x3];
	s7 =	smin.u32 s7, $0x17A20  }
0x7: {  	[smem:$0x7FF] =	sst s2;
	s8 =	sshrl.u32 s7, $0x3;
	s7 =	sshll.u32 s7, $0x4  }
0x8: {  	s0 =	rddreg [dreg:$0x4];
	s8 =	sadd.s32 s3, s8;
	s3 =	sadd.s32 s6, s7  }
0x9: {  	_ =	strace $0x80000047;
	[dreg:$0x6] =	wrdreg s8;
	s6 =	sadd.s32 $0x800, s3  }
0xa: {  	s25 =	sadd.s32 $0x1000, s3;
	[dreg:$0x7] =	wrdreg s6  }
0xb: {  	s26 =	sadd.s32 $0x1800, s3;
	[dreg:$0x8] =	wrdreg s25  }
0xc: {  	s29 =	sadd.s32 $0x2000, s3;
	[dreg:$0x9] =	wrdreg s26  }
0xd: {  	s30 =	sadd.s32 $0x2800, s3;
	[dreg:$0xa] =	wrdreg s29  }
0xe: {  	s31 =	sadd.s32 $0x3000, s3;
	[dreg:$0xb] =	wrdreg s30  }
0xf: {  	s7 =	sadd.s32 $0x3800, s3;
	[dreg:$0xc] =	wrdreg s31  }
0x10: {  	s8 =	sadd.s32 $0x4000, s3;
	[dreg:$0xd] =	wrdreg s7  }
0x11: {  	s9 =	sadd.s32 $0x4800, s3;
	[dreg:$0xe] =	wrdreg s8  }
0x12: {  	s10 =	sadd.s32 $0x5000, s3;
	[dreg:$0xf] =	wrdreg s9  }
0x13: {  	s11 =	sadd.s32 $0x5800, s3;
	[dreg:$0x10] =	wrdreg s10  }
0x14: {  	s12 =	sadd.s32 $0x6000, s3;
	[dreg:$0x11] =	wrdreg s11  }
0x15: {  	s13 =	sadd.s32 $0x6800, s3;
	[dreg:$0x12] =	wrdreg s12  }
0x16: {  	s14 =	sadd.s32 $0x7000, s3;
	[dreg:$0x13] =	wrdreg s13  }
0x17: {  	s15 =	sadd.s32 $0x7800, s3;
	[dreg:$0x14] =	wrdreg s14  }
0x18: {  	s28 =	simm.s32 $0xC00;
	s16 =	sadd.s32 $0x8000, s3;
	[dreg:$0x15] =	wrdreg s15  }
0x19: {  	p0 =	sne.s32 s5, $0x0;
	s17 =	sadd.s32 $0x8800, s3;
	[dreg:$0x16] =	wrdreg s16  }
0x1a: {  	s5 =	simm.s32 $0x7;
	s18 =	sadd.s32 $0x9000, s3;
	[dreg:$0x17] =	wrdreg s17  }
0x1b: {  	s4 =	ssub.s32 $0x2, s4;
	s19 =	sadd.s32 $0x9800, s3;
	[dreg:$0x18] =	wrdreg s18  }
0x1c: {  	s23 =	sshrl.u32 s4, $0x1;
	s20 =	sadd.s32 $0xA000, s3;
	[dreg:$0x19] =	wrdreg s19  }
0x1d: {  	s4 =	ssub.s32 s4, s23;
	s21 =	sadd.s32 $0xA800, s3;
	[dreg:$0x1a] =	wrdreg s20  }
0x1e: {  	s23 =	simm.s32 $0xA00;
	s22 =	sadd.s32 $0xB000, s3;
	[dreg:$0x1b] =	wrdreg s21  }
0x1f: {  	s4 =	smax.u32 s4, $0x1;
	s24 =	sadd.s32 $0xB800, s3;
	[dreg:$0x1c] =	wrdreg s22  }
0x20: {  	[dreg:$0x1d] =	wrdreg s24;
	s25 =	sadd.s32 $0xC000, s3;
	s26 =	simm.s32 $0x100  }
0x21: {  	s29 =	simm.s32 $0x180;
	s30 =	simm.s32 $0x200;
	s6 =	simm.s32 $0x80  }
0x22: {  	s31 =	simm.s32 $0x280;
	s7 =	simm.s32 $0xF70;
	[dreg:$0x1e] =	wrdreg s25  }
0x23: {  	s9 =	simm.s32 $0x300;
	s8 =	simm.s32 $0x4F70;
	[dreg:$0x1f] =	wrdreg s26  }
0x24: {  	s10 =	simm.s32 $0x380;
	s11 =	simm.s32 $0x400;
	[smem:$0x7F4] =	sst s29  }
0x25: {  	s12 =	simm.s32 $0x480;
	s13 =	simm.s32 $0x500;
	[smem:$0x7F5] =	sst s30  }
0x26: {  	s14 =	simm.s32 $0x580;
	s16 =	simm.s32 $0x600;
	[smem:$0x7F6] =	sst s31  }
0x27: {  	s15 =	simm.s32 $0x6;
	s17 =	simm.s32 $0x700;
	[smem:$0x7F7] =	sst s9  }
0x28: {  	s18 =	simm.s32 $0x780;
	s19 =	simm.s32 $0x800;
	[smem:$0x7F8] =	sst s10  }
0x29: {  	s20 =	simm.s32 $0x880;
	s21 =	simm.s32 $0x900;
	[smem:$0x7F9] =	sst s11  }
0x2a: {  	s22 =	simm.s32 $0x980;
	s24 =	simm.s32 $0xA80;
	[smem:$0x7FA] =	sst s12  }
0x2b: {  	s9 =	simm.s32 $0x8F70;
	s10 =	simm.s32 $0x1;
	[smem:$0x7FB] =	sst s13  }
0x2c: {  	s11 =	simm.s32 $0x4;
	s12 =	simm.s32 $0x2;
	[smem:$0x7FC] =	sst s14  }
0x2d: {  	s13 =	simm.s32 $0x5;
	s14 =	simm.s32 $0x3;
	[smem:$0x7FD] =	sst s16  }
0x2e: {  	s16 =	simm.s32 $0x680;
	s25 =	simm.s32 $0xB00;
	s26 =	simm.s32 $0xB80  }
.LBB2_1:
0x2f: {  	s29 =	rddreg [dreg:$0x5];
	s30 =	sshrl.u32 @!p0 s1, $0x3;
	s31 =	simm.s32 @!p0 $0x1C07  }
0x30: {  	[spmem:s30], [sflag:s31] =	dma.local @!p0 [hbm:s29], $0x5E0  }
0x31: {  	s29 =	simm.s32 @!p0 $0x7  }
0x32: {  	_ =	swait.ge @!p0 [sflag:s29], $0x5E0  }
0x33: {  	[sflag:s29] =	ssyncset.done @!p0 $0x0  }
0x34: {  	s31 =	rddreg [dreg:$0x6];
	[sflag:s29] =	ssyncadd.s32 @!p0 $0xFFFFFA20  }
0x35: {  	[tilespmem:s2], [sflag:$0x7] =	stream.linear.gather [hbm4b:s31+s2], $0xC80, $0x38;
	[tilespmem:$0xCF70] =	vst v63  }
0x36: {  	_ =	swait.ge [sflag:s5], $0xC80  }
0x37: {  	[sflag:s5] =	ssyncset.done $0x0  }
0x38: {  	[sflag:s5] =	ssyncadd.s32 $0xFFFFF380  }
0x39: {  	[bflag:$0x0] =	sbarrier.arrive $0xFFFF  }
0x3a: {  	v0 =	vld [tilespmem:$0x0]  }
0x3b: {  	v1 =	vld [tilespmem:$0x10]  }
0x3c: {  	v2 =	vld [tilespmem:$0x20]  }
0x3d: {  	v3 =	vld [tilespmem:$0x30]  }
0x3e: {  	v4 =	vld [tilespmem:$0x40]  }
0x3f: {  	v5 =	vld [tilespmem:$0x50];
	v0 =	vadd.s32 $0xFFFFFFFF, v0  }
0x40: {  	v45 =	vld [tilespmem:$0x60];
	v44 =	vadd.s32 $0xFFFFFFFF, v1;
	[tilespmem:$0x0] =	vst v0  }
0x41: {  	v47 =	vld [tilespmem:$0x70];
	v46 =	vadd.s32 $0xFFFFFFFF, v2;
	[tilespmem:$0x10] =	vst v44  }
0x42: {  	v48 =	vadd.s32 $0xFFFFFFFF, v3;
	[tilespmem:$0x20] =	vst v46  }
0x43: {  	v49 =	vadd.s32 $0xFFFFFFFF, v4;
	[tilespmem:$0x30] =	vst v48  }
0x44: {  	v50 =	vadd.s32 $0xFFFFFFFF, v5;
	[tilespmem:$0x40] =	vst v49  }
0x45: {  	v51 =	vadd.s32 $0xFFFFFFFF, v45;
	[tilespmem:$0x50] =	vst v50  }
0x46: {  	v52 =	vadd.s32 $0xFFFFFFFF, v47;
	[tilespmem:$0x60] =	vst v51  }
0x47: {  	[tilespmem:$0x70] =	vst v52  }
0x48: {  	[tilespmem:s7], [sflag:$0x1] =	stream.indirect.gather [spmem:s1], $0x80, s2, s6, $0xb8;
	[tilespmem:$0xCF70] =	vst v63  }
0x49: {  	v53 =	vld [tilespmem:$0x80]  }
0x4a: {  	v54 =	vld [tilespmem:$0x90]  }
0x4b: {  	v55 =	vld [tilespmem:$0xA0]  }
0x4c: {  	v56 =	vld [tilespmem:$0xB0]  }
0x4d: {  	v57 =	vld [tilespmem:$0xC0]  }
0x4e: {  	v58 =	vld [tilespmem:$0xD0];
	v0 =	vadd.s32 $0xFFFFFFFF, v53  }
0x4f: {  	v60 =	vld [tilespmem:$0xE0];
	v59 =	vadd.s32 $0xFFFFFFFF, v54;
	[tilespmem:$0x80] =	vst v0  }
0x50: {  	v62 =	vld [tilespmem:$0xF0];
	v61 =	vadd.s32 $0xFFFFFFFF, v55;
	[tilespmem:$0x90] =	vst v59  }
0x51: {  	v63 =	vadd.s32 $0xFFFFFFFF, v56;
	[tilespmem:$0xA0] =	vst v61  }
0x52: {  	v6 =	vadd.s32 $0xFFFFFFFF, v57;
	[tilespmem:$0xB0] =	vst v63  }
0x53: {  	v7 =	vadd.s32 $0xFFFFFFFF, v58;
	[tilespmem:$0xC0] =	vst v6  }
0x54: {  	v8 =	vadd.s32 $0xFFFFFFFF, v60;
	[tilespmem:$0xD0] =	vst v7  }
0x55: {  	v9 =	vadd.s32 $0xFFFFFFFF, v62;
	[tilespmem:$0xE0] =	vst v8  }
0x56: {  	[tilespmem:$0xF0] =	vst v9  }
0x57: {  	[tilespmem:s8], [sflag:$0x2] =	stream.indirect.gather [spmem:s1], $0x80, s6, s6, $0xb8;
	[tilespmem:$0xCF70] =	vst v63  }
0x58: {  	v10 =	vld [tilespmem:$0x100]  }
0x59: {  	v11 =	vld [tilespmem:$0x110]  }
0x5a: {  	v12 =	vld [tilespmem:$0x120]  }
0x5b: {  	v13 =	vld [tilespmem:$0x130]  }
0x5c: {  	v14 =	vld [tilespmem:$0x140]  }
0x5d: {  	v15 =	vld [tilespmem:$0x150];
	v0 =	vadd.s32 $0xFFFFFFFF, v10  }
0x5e: {  	v17 =	vld [tilespmem:$0x160];
	v16 =	vadd.s32 $0xFFFFFFFF, v11;
	[tilespmem:$0x100] =	vst v0  }
0x5f: {  	v19 =	vld [tilespmem:$0x170];
	v18 =	vadd.s32 $0xFFFFFFFF, v12;
	[tilespmem:$0x110] =	vst v16  }
0x60: {  	v20 =	vadd.s32 $0xFFFFFFFF, v13;
	[tilespmem:$0x120] =	vst v18  }
0x61: {  	v21 =	vadd.s32 $0xFFFFFFFF, v14;
	[tilespmem:$0x130] =	vst v20  }
0x62: {  	v22 =	vadd.s32 $0xFFFFFFFF, v15;
	[tilespmem:$0x140] =	vst v21  }
0x63: {  	v23 =	vadd.s32 $0xFFFFFFFF, v17;
	[tilespmem:$0x150] =	vst v22  }
0x64: {  	v24 =	vadd.s32 $0xFFFFFFFF, v19;
	[tilespmem:$0x160] =	vst v23  }
0x65: {  	s31 =	rddreg [dreg:$0x1f];
	[tilespmem:$0x170] =	vst v24  }
0x66: {  	[tilespmem:s9], [sflag:$0x3] =	stream.indirect.gather [spmem:s1], $0x80, s31, s6, $0xb8;
	[tilespmem:$0xCF70] =	vst v63  }
0x67: {  	_ =	swait.ge [sflag:s10], $0x4000  }
0x68: {  	[sflag:s10] =	ssyncset.done $0x0  }
0x69: {  	[sflag:s10] =	ssyncadd.s32 $0xFFFFC000  }
0x6a: {  	[hbm4b:s3+s2] =	stream.linear.scatter [tilespmem:s7], [sflag:$0x4], $0x4000, $0x38;
	[tilespmem:$0xCF70] =	vst v63  }
0x6b: {  	_ =	swait.ge [sflag:s11], $0x4000  }
0x6c: {  	[sflag:s11] =	ssyncset.done $0x0  }
0x6d: {  	[sflag:s11] =	ssyncadd.s32 $0xFFFFC000  }
0x6e: {  	v25 =	vld [tilespmem:$0x180]  }
0x6f: {  	v26 =	vld [tilespmem:$0x190]  }
0x70: {  	v27 =	vld [tilespmem:$0x1A0]  }
0x71: {  	v28 =	vld [tilespmem:$0x1B0]  }
0x72: {  	v29 =	vld [tilespmem:$0x1C0]  }
0x73: {  	v30 =	vld [tilespmem:$0x1D0];
	v0 =	vadd.s32 $0xFFFFFFFF, v25  }
0x74: {  	v32 =	vld [tilespmem:$0x1E0];
	v31 =	vadd.s32 $0xFFFFFFFF, v26;
	[tilespmem:$0x180] =	vst v0  }
0x75: {  	v34 =	vld [tilespmem:$0x1F0];
	v33 =	vadd.s32 $0xFFFFFFFF, v27;
	[tilespmem:$0x190] =	vst v31  }
0x76: {  	v35 =	vadd.s32 $0xFFFFFFFF, v28;
	[tilespmem:$0x1A0] =	vst v33  }
0x77: {  	v36 =	vadd.s32 $0xFFFFFFFF, v29;
	[tilespmem:$0x1B0] =	vst v35  }
0x78: {  	v37 =	vadd.s32 $0xFFFFFFFF, v30;
	[tilespmem:$0x1C0] =	vst v36  }
0x79: {  	s30 =	sld [smem:$0x7F4];
	v38 =	vadd.s32 $0xFFFFFFFF, v32;
	[tilespmem:$0x1D0] =	vst v37  }
0x7a: {  	v39 =	vadd.s32 $0xFFFFFFFF, v34;
	[tilespmem:$0x1E0] =	vst v38  }
0x7b: {  	[tilespmem:$0x1F0] =	vst v39  }
0x7c: {  	[tilespmem:s7], [sflag:$0x1] =	stream.indirect.gather [spmem:s1], $0x80, s30, s6, $0xb8;
	[tilespmem:$0xCF70] =	vst v63  }
0x7d: {  	_ =	swait.ge [sflag:s12], $0x4000  }
0x7e: {  	[sflag:s12] =	ssyncset.done $0x0  }
0x7f: {  	s31 =	rddreg [dreg:$0x7];
	[sflag:s12] =	ssyncadd.s32 $0xFFFFC000  }
0x80: {  	[hbm4b:s31+s2] =	stream.linear.scatter [tilespmem:s8], [sflag:$0x5], $0x4000, $0x38;
	[tilespmem:$0xCF70] =	vst v63  }
0x81: {  	_ =	swait.ge [sflag:s13], $0x4000  }
0x82: {  	[sflag:s13] =	ssyncset.done $0x0  }
0x83: {  	[sflag:s13] =	ssyncadd.s32 $0xFFFFC000  }
0x84: {  	v40 =	vld [tilespmem:$0x200]  }
0x85: {  	v41 =	vld [tilespmem:$0x210];
	_ =	sdelay $0x3  }
0x86: {  	v0 =	vadd.s32 $0xFFFFFFFF, v40  }
0x87: {  	v42 =	vadd.s32 $0xFFFFFFFF, v41;
	[tilespmem:$0x200] =	vst v0  }
0x88: {  	[tilespmem:$0x210] =	vst v42  }
0x89: {  	v0 =	vld [tilespmem:$0x220]  }
0x8a: {  	v43 =	vld [tilespmem:$0x230]  }
0x8b: {  	v44 =	vld [tilespmem:$0x240]  }
0x8c: {  	v45 =	vld [tilespmem:$0x250]  }
0x8d: {  	v46 =	vld [tilespmem:$0x260]  }
0x8e: {  	v47 =	vld [tilespmem:$0x270];
	v0 =	vadd.s32 $0xFFFFFFFF, v0  }
0x8f: {  	v48 =	vadd.s32 $0xFFFFFFFF, v43;
	[tilespmem:$0x220] =	vst v0  }
0x90: {  	v49 =	vadd.s32 $0xFFFFFFFF, v44;
	[tilespmem:$0x230] =	vst v48  }
0x91: {  	v50 =	vadd.s32 $0xFFFFFFFF, v45;
	[tilespmem:$0x240] =	vst v49  }
0x92: {  	s30 =	sld [smem:$0x7F5];
	v51 =	vadd.s32 $0xFFFFFFFF, v46;
	[tilespmem:$0x250] =	vst v50  }
0x93: {  	v52 =	vadd.s32 $0xFFFFFFFF, v47;
	[tilespmem:$0x260] =	vst v51  }
0x94: {  	[tilespmem:$0x270] =	vst v52  }
0x95: {  	[tilespmem:s8], [sflag:$0x2] =	stream.indirect.gather [spmem:s1], $0x80, s30, s6, $0xb8;
	[tilespmem:$0xCF70] =	vst v63  }
0x96: {  	_ =	swait.ge [sflag:s14], $0x4000  }
0x97: {  	[sflag:s14] =	ssyncset.done $0x0  }
0x98: {  	s31 =	rddreg [dreg:$0x8];
	[sflag:s14] =	ssyncadd.s32 $0xFFFFC000  }
0x99: {  	[hbm4b:s31+s2] =	stream.linear.scatter [tilespmem:s9], [sflag:$0x6], $0x4000, $0x38;
	[tilespmem:$0xCF70] =	vst v63  }
0x9a: {  	_ =	swait.ge [sflag:s15], $0x4000  }
0x9b: {  	[sflag:s15] =	ssyncset.done $0x0  }
0x9c: {  	[sflag:s15] =	ssyncadd.s32 $0xFFFFC000  }
0x9d: {  	v53 =	vld [tilespmem:$0x280]  }
0x9e: {  	v54 =	vld [tilespmem:$0x290]  }
0x9f: {  	v55 =	vld [tilespmem:$0x2A0]  }
0xa0: {  	v56 =	vld [tilespmem:$0x2B0]  }
0xa1: {  	v57 =	vld [tilespmem:$0x2C0]  }
0xa2: {  	v58 =	vld [tilespmem:$0x2D0];
	v0 =	vadd.s32 $0xFFFFFFFF, v53  }
0xa3: {  	v60 =	vld [tilespmem:$0x2E0];
	v59 =	vadd.s32 $0xFFFFFFFF, v54;
	[tilespmem:$0x280] =	vst v0  }
0xa4: {  	v62 =	vld [tilespmem:$0x2F0];
	v61 =	vadd.s32 $0xFFFFFFFF, v55;
	[tilespmem:$0x290] =	vst v59  }
0xa5: {  	v63 =	vadd.s32 $0xFFFFFFFF, v56;
	[tilespmem:$0x2A0] =	vst v61  }
0xa6: {  	v4 =	vadd.s32 $0xFFFFFFFF, v57;
	[tilespmem:$0x2B0] =	vst v63  }
0xa7: {  	v6 =	vadd.s32 $0xFFFFFFFF, v58;
	[tilespmem:$0x2C0] =	vst v4  }
0xa8: {  	s30 =	sld [smem:$0x7F6];
	v7 =	vadd.s32 $0xFFFFFFFF, v60;
	[tilespmem:$0x2D0] =	vst v6  }
0xa9: {  	v8 =	vadd.s32 $0xFFFFFFFF, v62;
	[tilespmem:$0x2E0] =	vst v7  }
0xaa: {  	[tilespmem:$0x2F0] =	vst v8  }
0xab: {  	[tilespmem:s9], [sflag:$0x3] =	stream.indirect.gather [spmem:s1], $0x80, s30, s6, $0xb8;
	[tilespmem:$0xCF70] =	vst v63  }
0xac: {  	_ =	swait.ge [sflag:s10], $0x4000  }
0xad: {  	[sflag:s10] =	ssyncset.done $0x0  }
0xae: {  	s31 =	rddreg [dreg:$0x9];
	[sflag:s10] =	ssyncadd.s32 $0xFFFFC000  }
0xaf: {  	[hbm4b:s31+s2] =	stream.linear.scatter [tilespmem:s7], [sflag:$0x4], $0x4000, $0x38;
	[tilespmem:$0xCF70] =	vst v63  }
0xb0: {  	_ =	swait.ge [sflag:s11], $0x4000  }
0xb1: {  	[sflag:s11] =	ssyncset.done $0x0  }
0xb2: {  	[sflag:s11] =	ssyncadd.s32 $0xFFFFC000  }
0xb3: {  	v9 =	vld [tilespmem:$0x300]  }
0xb4: {  	v10 =	vld [tilespmem:$0x310]  }
0xb5: {  	v11 =	vld [tilespmem:$0x320]  }
0xb6: {  	v12 =	vld [tilespmem:$0x330]  }
0xb7: {  	v13 =	vld [tilespmem:$0x340]  }
0xb8: {  	v14 =	vld [tilespmem:$0x350];
	v0 =	vadd.s32 $0xFFFFFFFF, v9  }
0xb9: {  	v16 =	vld [tilespmem:$0x360];
	v15 =	vadd.s32 $0xFFFFFFFF, v10;
	[tilespmem:$0x300] =	vst v0  }
0xba: {  	v18 =	vld [tilespmem:$0x370];
	v17 =	vadd.s32 $0xFFFFFFFF, v11;
	[tilespmem:$0x310] =	vst v15  }
0xbb: {  	v19 =	vadd.s32 $0xFFFFFFFF, v12;
	[tilespmem:$0x320] =	vst v17  }
0xbc: {  	v20 =	vadd.s32 $0xFFFFFFFF, v13;
	[tilespmem:$0x330] =	vst v19  }
0xbd: {  	v21 =	vadd.s32 $0xFFFFFFFF, v14;
	[tilespmem:$0x340] =	vst v20  }
0xbe: {  	s30 =	sld [smem:$0x7F7];
	v22 =	vadd.s32 $0xFFFFFFFF, v16;
	[tilespmem:$0x350] =	vst v21  }
0xbf: {  	v23 =	vadd.s32 $0xFFFFFFFF, v18;
	[tilespmem:$0x360] =	vst v22  }
0xc0: {  	[tilespmem:$0x370] =	vst v23  }
0xc1: {  	[tilespmem:s7], [sflag:$0x1] =	stream.indirect.gather [spmem:s1], $0x80, s30, s6, $0xb8;
	[tilespmem:$0xCF70] =	vst v63  }
0xc2: {  	_ =	swait.ge [sflag:s12], $0x4000  }
0xc3: {  	[sflag:s12] =	ssyncset.done $0x0  }
0xc4: {  	s31 =	rddreg [dreg:$0xa];
	[sflag:s12] =	ssyncadd.s32 $0xFFFFC000  }
0xc5: {  	[hbm4b:s31+s2] =	stream.linear.scatter [tilespmem:s8], [sflag:$0x5], $0x4000, $0x38;
	[tilespmem:$0xCF70] =	vst v63  }
0xc6: {  	_ =	swait.ge [sflag:s13], $0x4000  }
0xc7: {  	[sflag:s13] =	ssyncset.done $0x0  }
0xc8: {  	[sflag:s13] =	ssyncadd.s32 $0xFFFFC000  }
0xc9: {  	v24 =	vld [tilespmem:$0x380]  }
0xca: {  	v25 =	vld [tilespmem:$0x390]  }
0xcb: {  	v26 =	vld [tilespmem:$0x3A0]  }
0xcc: {  	v27 =	vld [tilespmem:$0x3B0]  }
0xcd: {  	v28 =	vld [tilespmem:$0x3C0]  }
0xce: {  	v29 =	vld [tilespmem:$0x3D0];
	v0 =	vadd.s32 $0xFFFFFFFF, v24  }
0xcf: {  	v31 =	vld [tilespmem:$0x3E0];
	v30 =	vadd.s32 $0xFFFFFFFF, v25;
	[tilespmem:$0x380] =	vst v0  }
0xd0: {  	v33 =	vld [tilespmem:$0x3F0];
	v32 =	vadd.s32 $0xFFFFFFFF, v26;
	[tilespmem:$0x390] =	vst v30  }
0xd1: {  	v34 =	vadd.s32 $0xFFFFFFFF, v27;
	[tilespmem:$0x3A0] =	vst v32  }
0xd2: {  	v35 =	vadd.s32 $0xFFFFFFFF, v28;
	[tilespmem:$0x3B0] =	vst v34  }
0xd3: {  	v36 =	vadd.s32 $0xFFFFFFFF, v29;
	[tilespmem:$0x3C0] =	vst v35  }
0xd4: {  	s30 =	sld [smem:$0x7F8];
	v37 =	vadd.s32 $0xFFFFFFFF, v31;
	[tilespmem:$0x3D0] =	vst v36  }
0xd5: {  	v38 =	vadd.s32 $0xFFFFFFFF, v33;
	[tilespmem:$0x3E0] =	vst v37  }
0xd6: {  	[tilespmem:$0x3F0] =	vst v38  }
0xd7: {  	[tilespmem:s8], [sflag:$0x2] =	stream.indirect.gather [spmem:s1], $0x80, s30, s6, $0xb8;
	[tilespmem:$0xCF70] =	vst v63  }
0xd8: {  	_ =	swait.ge [sflag:s14], $0x4000  }
0xd9: {  	[sflag:s14] =	ssyncset.done $0x0  }
0xda: {  	s31 =	rddreg [dreg:$0xb];
	[sflag:s14] =	ssyncadd.s32 $0xFFFFC000  }
0xdb: {  	[hbm4b:s31+s2] =	stream.linear.scatter [tilespmem:s9], [sflag:$0x6], $0x4000, $0x38;
	[tilespmem:$0xCF70] =	vst v63  }
0xdc: {  	_ =	swait.ge [sflag:s15], $0x4000  }
0xdd: {  	[sflag:s15] =	ssyncset.done $0x0  }
0xde: {  	[sflag:s15] =	ssyncadd.s32 $0xFFFFC000  }
0xdf: {  	v39 =	vld [tilespmem:$0x400]  }
0xe0: {  	v40 =	vld [tilespmem:$0x410]  }
0xe1: {  	v41 =	vld [tilespmem:$0x420]  }
0xe2: {  	v42 =	vld [tilespmem:$0x430]  }
0xe3: {  	v43 =	vld [tilespmem:$0x440]  }
0xe4: {  	v44 =	vld [tilespmem:$0x450];
	v0 =	vadd.s32 $0xFFFFFFFF, v39  }
0xe5: {  	v46 =	vld [tilespmem:$0x460];
	v45 =	vadd.s32 $0xFFFFFFFF, v40;
	[tilespmem:$0x400] =	vst v0  }
0xe6: {  	v48 =	vld [tilespmem:$0x470];
	v47 =	vadd.s32 $0xFFFFFFFF, v41;
	[tilespmem:$0x410] =	vst v45  }
0xe7: {  	v49 =	vadd.s32 $0xFFFFFFFF, v42;
	[tilespmem:$0x420] =	vst v47  }
0xe8: {  	v50 =	vadd.s32 $0xFFFFFFFF, v43;
	[tilespmem:$0x430] =	vst v49  }
0xe9: {  	v51 =	vadd.s32 $0xFFFFFFFF, v44;
	[tilespmem:$0x440] =	vst v50  }
0xea: {  	s30 =	sld [smem:$0x7F9];
	v52 =	vadd.s32 $0xFFFFFFFF, v46;
	[tilespmem:$0x450] =	vst v51  }
0xeb: {  	v53 =	vadd.s32 $0xFFFFFFFF, v48;
	[tilespmem:$0x460] =	vst v52  }
0xec: {  	[tilespmem:$0x470] =	vst v53  }
0xed: {  	[tilespmem:s9], [sflag:$0x3] =	stream.indirect.gather [spmem:s1], $0x80, s30, s6, $0xb8;
	[tilespmem:$0xCF70] =	vst v63  }
0xee: {  	_ =	swait.ge [sflag:s10], $0x4000  }
0xef: {  	[sflag:s10] =	ssyncset.done $0x0  }
0xf0: {  	s31 =	rddreg [dreg:$0xc];
	[sflag:s10] =	ssyncadd.s32 $0xFFFFC000  }
0xf1: {  	[hbm4b:s31+s2] =	stream.linear.scatter [tilespmem:s7], [sflag:$0x4], $0x4000, $0x38;
	[tilespmem:$0xCF70] =	vst v63  }
0xf2: {  	_ =	swait.ge [sflag:s11], $0x4000  }
0xf3: {  	[sflag:s11] =	ssyncset.done $0x0  }
0xf4: {  	[sflag:s11] =	ssyncadd.s32 $0xFFFFC000  }
0xf5: {  	v54 =	vld [tilespmem:$0x480]  }
0xf6: {  	v55 =	vld [tilespmem:$0x490]  }
0xf7: {  	v56 =	vld [tilespmem:$0x4A0]  }
0xf8: {  	v57 =	vld [tilespmem:$0x4B0]  }
0xf9: {  	v58 =	vld [tilespmem:$0x4C0]  }
0xfa: {  	v59 =	vld [tilespmem:$0x4D0];
	v0 =	vadd.s32 $0xFFFFFFFF, v54  }
0xfb: {  	v61 =	vld [tilespmem:$0x4E0];
	v60 =	vadd.s32 $0xFFFFFFFF, v55;
	[tilespmem:$0x480] =	vst v0  }
0xfc: {  	v63 =	vld [tilespmem:$0x4F0];
	v62 =	vadd.s32 $0xFFFFFFFF, v56;
	[tilespmem:$0x490] =	vst v60  }
0xfd: {  	v6 =	vadd.s32 $0xFFFFFFFF, v57;
	[tilespmem:$0x4A0] =	vst v62  }
0xfe: {  	v7 =	vadd.s32 $0xFFFFFFFF, v58;
	[tilespmem:$0x4B0] =	vst v6  }
0xff: {  	v8 =	vadd.s32 $0xFFFFFFFF, v59;
	[tilespmem:$0x4C0] =	vst v7  }
0x100: {  	s30 =	sld [smem:$0x7FA];
	v9 =	vadd.s32 $0xFFFFFFFF, v61;
	[tilespmem:$0x4D0] =	vst v8  }
0x101: {  	v10 =	vadd.s32 $0xFFFFFFFF, v63;
	[tilespmem:$0x4E0] =	vst v9  }
0x102: {  	[tilespmem:$0x4F0] =	vst v10  }
0x103: {  	[tilespmem:s7], [sflag:$0x1] =	stream.indirect.gather [spmem:s1], $0x80, s30, s6, $0xb8;
	[tilespmem:$0xCF70] =	vst v63  }
0x104: {  	_ =	swait.ge [sflag:s12], $0x4000  }
0x105: {  	[sflag:s12] =	ssyncset.done $0x0  }
0x106: {  	s31 =	rddreg [dreg:$0xd];
	[sflag:s12] =	ssyncadd.s32 $0xFFFFC000  }
0x107: {  	[hbm4b:s31+s2] =	stream.linear.scatter [tilespmem:s8], [sflag:$0x5], $0x4000, $0x38;
	[tilespmem:$0xCF70] =	vst v63  }
0x108: {  	_ =	swait.ge [sflag:s13], $0x4000  }
0x109: {  	[sflag:s13] =	ssyncset.done $0x0  }
0x10a: {  	[sflag:s13] =	ssyncadd.s32 $0xFFFFC000  }
0x10b: {  	v11 =	vld [tilespmem:$0x500]  }
0x10c: {  	v12 =	vld [tilespmem:$0x510]  }
0x10d: {  	v13 =	vld [tilespmem:$0x520]  }
0x10e: {  	v14 =	vld [tilespmem:$0x530]  }
0x10f: {  	v15 =	vld [tilespmem:$0x540]  }
0x110: {  	v16 =	vld [tilespmem:$0x550];
	v0 =	vadd.s32 $0xFFFFFFFF, v11  }
0x111: {  	v18 =	vld [tilespmem:$0x560];
	v17 =	vadd.s32 $0xFFFFFFFF, v12;
	[tilespmem:$0x500] =	vst v0  }
0x112: {  	v20 =	vld [tilespmem:$0x570];
	v19 =	vadd.s32 $0xFFFFFFFF, v13;
	[tilespmem:$0x510] =	vst v17  }
0x113: {  	v21 =	vadd.s32 $0xFFFFFFFF, v14;
	[tilespmem:$0x520] =	vst v19  }
0x114: {  	v22 =	vadd.s32 $0xFFFFFFFF, v15;
	[tilespmem:$0x530] =	vst v21  }
0x115: {  	v23 =	vadd.s32 $0xFFFFFFFF, v16;
	[tilespmem:$0x540] =	vst v22  }
0x116: {  	s30 =	sld [smem:$0x7FB];
	v24 =	vadd.s32 $0xFFFFFFFF, v18;
	[tilespmem:$0x550] =	vst v23  }
0x117: {  	v25 =	vadd.s32 $0xFFFFFFFF, v20;
	[tilespmem:$0x560] =	vst v24  }
0x118: {  	[tilespmem:$0x570] =	vst v25  }
0x119: {  	[tilespmem:s8], [sflag:$0x2] =	stream.indirect.gather [spmem:s1], $0x80, s30, s6, $0xb8;
	[tilespmem:$0xCF70] =	vst v63  }
0x11a: {  	_ =	swait.ge [sflag:s14], $0x4000  }
0x11b: {  	[sflag:s14] =	ssyncset.done $0x0  }
0x11c: {  	s31 =	rddreg [dreg:$0xe];
	[sflag:s14] =	ssyncadd.s32 $0xFFFFC000  }
0x11d: {  	[hbm4b:s31+s2] =	stream.linear.scatter [tilespmem:s9], [sflag:$0x6], $0x4000, $0x38;
	[tilespmem:$0xCF70] =	vst v63  }
0x11e: {  	_ =	swait.ge [sflag:s15], $0x4000  }
0x11f: {  	[sflag:s15] =	ssyncset.done $0x0  }
0x120: {  	[sflag:s15] =	ssyncadd.s32 $0xFFFFC000  }
0x121: {  	v26 =	vld [tilespmem:$0x580]  }
0x122: {  	v27 =	vld [tilespmem:$0x590]  }
0x123: {  	v28 =	vld [tilespmem:$0x5A0]  }
0x124: {  	v29 =	vld [tilespmem:$0x5B0]  }
0x125: {  	v30 =	vld [tilespmem:$0x5C0]  }
0x126: {  	v31 =	vld [tilespmem:$0x5D0];
	v0 =	vadd.s32 $0xFFFFFFFF, v26  }
0x127: {  	v33 =	vld [tilespmem:$0x5E0];
	v32 =	vadd.s32 $0xFFFFFFFF, v27;
	[tilespmem:$0x580] =	vst v0  }
0x128: {  	v35 =	vld [tilespmem:$0x5F0];
	v34 =	vadd.s32 $0xFFFFFFFF, v28;
	[tilespmem:$0x590] =	vst v32  }
0x129: {  	v36 =	vadd.s32 $0xFFFFFFFF, v29;
	[tilespmem:$0x5A0] =	vst v34  }
0x12a: {  	v37 =	vadd.s32 $0xFFFFFFFF, v30;
	[tilespmem:$0x5B0] =	vst v36  }
0x12b: {  	v38 =	vadd.s32 $0xFFFFFFFF, v31;
	[tilespmem:$0x5C0] =	vst v37  }
0x12c: {  	s30 =	sld [smem:$0x7FC];
	v39 =	vadd.s32 $0xFFFFFFFF, v33;
	[tilespmem:$0x5D0] =	vst v38  }
0x12d: {  	v40 =	vadd.s32 $0xFFFFFFFF, v35;
	[tilespmem:$0x5E0] =	vst v39  }
0x12e: {  	[tilespmem:$0x5F0] =	vst v40  }
0x12f: {  	[tilespmem:s9], [sflag:$0x3] =	stream.indirect.gather [spmem:s1], $0x80, s30, s6, $0xb8;
	[tilespmem:$0xCF70] =	vst v63  }
0x130: {  	_ =	swait.ge [sflag:s10], $0x4000  }
0x131: {  	[sflag:s10] =	ssyncset.done $0x0  }
0x132: {  	s31 =	rddreg [dreg:$0xf];
	[sflag:s10] =	ssyncadd.s32 $0xFFFFC000  }
0x133: {  	[hbm4b:s31+s2] =	stream.linear.scatter [tilespmem:s7], [sflag:$0x4], $0x4000, $0x38;
	[tilespmem:$0xCF70] =	vst v63  }
0x134: {  	_ =	swait.ge [sflag:s11], $0x4000  }
0x135: {  	[sflag:s11] =	ssyncset.done $0x0  }
0x136: {  	[sflag:s11] =	ssyncadd.s32 $0xFFFFC000  }
0x137: {  	v41 =	vld [tilespmem:$0x600]  }
0x138: {  	v42 =	vld [tilespmem:$0x610]  }
0x139: {  	v43 =	vld [tilespmem:$0x620]  }
0x13a: {  	v44 =	vld [tilespmem:$0x630]  }
0x13b: {  	v45 =	vld [tilespmem:$0x640]  }
0x13c: {  	v46 =	vld [tilespmem:$0x650];
	v0 =	vadd.s32 $0xFFFFFFFF, v41  }
0x13d: {  	v48 =	vld [tilespmem:$0x660];
	v47 =	vadd.s32 $0xFFFFFFFF, v42;
	[tilespmem:$0x600] =	vst v0  }
0x13e: {  	v50 =	vld [tilespmem:$0x670];
	v49 =	vadd.s32 $0xFFFFFFFF, v43;
	[tilespmem:$0x610] =	vst v47  }
0x13f: {  	v51 =	vadd.s32 $0xFFFFFFFF, v44;
	[tilespmem:$0x620] =	vst v49  }
0x140: {  	v52 =	vadd.s32 $0xFFFFFFFF, v45;
	[tilespmem:$0x630] =	vst v51  }
0x141: {  	v53 =	vadd.s32 $0xFFFFFFFF, v46;
	[tilespmem:$0x640] =	vst v52  }
0x142: {  	s30 =	sld [smem:$0x7FD];
	v54 =	vadd.s32 $0xFFFFFFFF, v48;
	[tilespmem:$0x650] =	vst v53  }
0x143: {  	v55 =	vadd.s32 $0xFFFFFFFF, v50;
	[tilespmem:$0x660] =	vst v54  }
0x144: {  	[tilespmem:$0x670] =	vst v55  }
0x145: {  	[tilespmem:s7], [sflag:$0x1] =	stream.indirect.gather [spmem:s1], $0x80, s30, s6, $0xb8;
	[tilespmem:$0xCF70] =	vst v63  }
0x146: {  	_ =	swait.ge [sflag:s12], $0x4000  }
0x147: {  	[sflag:s12] =	ssyncset.done $0x0  }
0x148: {  	s31 =	rddreg [dreg:$0x10];
	[sflag:s12] =	ssyncadd.s32 $0xFFFFC000  }
0x149: {  	[hbm4b:s31+s2] =	stream.linear.scatter [tilespmem:s8], [sflag:$0x5], $0x4000, $0x38;
	[tilespmem:$0xCF70] =	vst v63  }
0x14a: {  	_ =	swait.ge [sflag:s13], $0x4000  }
0x14b: {  	[sflag:s13] =	ssyncset.done $0x0  }
0x14c: {  	[sflag:s13] =	ssyncadd.s32 $0xFFFFC000  }
0x14d: {  	v56 =	vld [tilespmem:$0x680]  }
0x14e: {  	v57 =	vld [tilespmem:$0x690]  }
0x14f: {  	v58 =	vld [tilespmem:$0x6A0]  }
0x150: {  	v59 =	vld [tilespmem:$0x6B0]  }
0x151: {  	v60 =	vld [tilespmem:$0x6C0]  }
0x152: {  	v61 =	vld [tilespmem:$0x6D0];
	v0 =	vadd.s32 $0xFFFFFFFF, v56  }
0x153: {  	v63 =	vld [tilespmem:$0x6E0];
	v62 =	vadd.s32 $0xFFFFFFFF, v57;
	[tilespmem:$0x680] =	vst v0  }
0x154: {  	v7 =	vld [tilespmem:$0x6F0];
	v6 =	vadd.s32 $0xFFFFFFFF, v58;
	[tilespmem:$0x690] =	vst v62  }
0x155: {  	v8 =	vadd.s32 $0xFFFFFFFF, v59;
	[tilespmem:$0x6A0] =	vst v6  }
0x156: {  	v9 =	vadd.s32 $0xFFFFFFFF, v60;
	[tilespmem:$0x6B0] =	vst v8  }
0x157: {  	v10 =	vadd.s32 $0xFFFFFFFF, v61;
	[tilespmem:$0x6C0] =	vst v9  }
0x158: {  	v11 =	vadd.s32 $0xFFFFFFFF, v63;
	[tilespmem:$0x6D0] =	vst v10  }
0x159: {  	v12 =	vadd.s32 $0xFFFFFFFF, v7;
	[tilespmem:$0x6E0] =	vst v11  }
0x15a: {  	[tilespmem:$0x6F0] =	vst v12  }
0x15b: {  	[tilespmem:s8], [sflag:$0x2] =	stream.indirect.gather [spmem:s1], $0x80, s16, s6, $0xb8;
	[tilespmem:$0xCF70] =	vst v63  }
0x15c: {  	_ =	swait.ge [sflag:s14], $0x4000  }
0x15d: {  	[sflag:s14] =	ssyncset.done $0x0  }
0x15e: {  	s30 =	rddreg [dreg:$0x11];
	[sflag:s14] =	ssyncadd.s32 $0xFFFFC000  }
0x15f: {  	[hbm4b:s30+s2] =	stream.linear.scatter [tilespmem:s9], [sflag:$0x6], $0x4000, $0x38;
	[tilespmem:$0xCF70] =	vst v63  }
0x160: {  	_ =	swait.ge [sflag:s15], $0x4000  }
0x161: {  	[sflag:s15] =	ssyncset.done $0x0  }
0x162: {  	[sflag:s15] =	ssyncadd.s32 $0xFFFFC000  }
0x163: {  	v13 =	vld [tilespmem:$0x700]  }
0x164: {  	v14 =	vld [tilespmem:$0x710]  }
0x165: {  	v15 =	vld [tilespmem:$0x720]  }
0x166: {  	v16 =	vld [tilespmem:$0x730]  }
0x167: {  	v17 =	vld [tilespmem:$0x740]  }
0x168: {  	v18 =	vld [tilespmem:$0x750];
	v0 =	vadd.s32 $0xFFFFFFFF, v13  }
0x169: {  	v20 =	vld [tilespmem:$0x760];
	v19 =	vadd.s32 $0xFFFFFFFF, v14;
	[tilespmem:$0x700] =	vst v0  }
0x16a: {  	v22 =	vld [tilespmem:$0x770];
	v21 =	vadd.s32 $0xFFFFFFFF, v15;
	[tilespmem:$0x710] =	vst v19  }
0x16b: {  	v23 =	vadd.s32 $0xFFFFFFFF, v16;
	[tilespmem:$0x720] =	vst v21  }
0x16c: {  	v24 =	vadd.s32 $0xFFFFFFFF, v17;
	[tilespmem:$0x730] =	vst v23  }
0x16d: {  	v25 =	vadd.s32 $0xFFFFFFFF, v18;
	[tilespmem:$0x740] =	vst v24  }
0x16e: {  	v26 =	vadd.s32 $0xFFFFFFFF, v20;
	[tilespmem:$0x750] =	vst v25  }
0x16f: {  	v27 =	vadd.s32 $0xFFFFFFFF, v22;
	[tilespmem:$0x760] =	vst v26  }
0x170: {  	[tilespmem:$0x770] =	vst v27  }
0x171: {  	[tilespmem:s9], [sflag:$0x3] =	stream.indirect.gather [spmem:s1], $0x80, s17, s6, $0xb8;
	[tilespmem:$0xCF70] =	vst v63  }
0x172: {  	_ =	swait.ge [sflag:s10], $0x4000  }
0x173: {  	[sflag:s10] =	ssyncset.done $0x0  }
0x174: {  	s31 =	rddreg [dreg:$0x12];
	[sflag:s10] =	ssyncadd.s32 $0xFFFFC000  }
0x175: {  	[hbm4b:s31+s2] =	stream.linear.scatter [tilespmem:s7], [sflag:$0x4], $0x4000, $0x38;
	[tilespmem:$0xCF70] =	vst v63  }
0x176: {  	_ =	swait.ge [sflag:s11], $0x4000  }
0x177: {  	[sflag:s11] =	ssyncset.done $0x0  }
0x178: {  	[sflag:s11] =	ssyncadd.s32 $0xFFFFC000  }
0x179: {  	v28 =	vld [tilespmem:$0x780]  }
0x17a: {  	v29 =	vld [tilespmem:$0x790]  }
0x17b: {  	v30 =	vld [tilespmem:$0x7A0]  }
0x17c: {  	v31 =	vld [tilespmem:$0x7B0]  }
0x17d: {  	v32 =	vld [tilespmem:$0x7C0]  }
0x17e: {  	v33 =	vld [tilespmem:$0x7D0];
	v0 =	vadd.s32 $0xFFFFFFFF, v28  }
0x17f: {  	v35 =	vld [tilespmem:$0x7E0];
	v34 =	vadd.s32 $0xFFFFFFFF, v29;
	[tilespmem:$0x780] =	vst v0  }
0x180: {  	v37 =	vld [tilespmem:$0x7F0];
	v36 =	vadd.s32 $0xFFFFFFFF, v30;
	[tilespmem:$0x790] =	vst v34  }
0x181: {  	v38 =	vadd.s32 $0xFFFFFFFF, v31;
	[tilespmem:$0x7A0] =	vst v36  }
0x182: {  	v39 =	vadd.s32 $0xFFFFFFFF, v32;
	[tilespmem:$0x7B0] =	vst v38  }
0x183: {  	v40 =	vadd.s32 $0xFFFFFFFF, v33;
	[tilespmem:$0x7C0] =	vst v39  }
0x184: {  	v41 =	vadd.s32 $0xFFFFFFFF, v35;
	[tilespmem:$0x7D0] =	vst v40  }
0x185: {  	v42 =	vadd.s32 $0xFFFFFFFF, v37;
	[tilespmem:$0x7E0] =	vst v41  }
0x186: {  	[tilespmem:$0x7F0] =	vst v42  }
0x187: {  	[tilespmem:s7], [sflag:$0x1] =	stream.indirect.gather [spmem:s1], $0x80, s18, s6, $0xb8;
	[tilespmem:$0xCF70] =	vst v63  }
0x188: {  	_ =	swait.ge [sflag:s12], $0x4000  }
0x189: {  	[sflag:s12] =	ssyncset.done $0x0  }
0x18a: {  	s30 =	rddreg [dreg:$0x13];
	[sflag:s12] =	ssyncadd.s32 $0xFFFFC000  }
0x18b: {  	[hbm4b:s30+s2] =	stream.linear.scatter [tilespmem:s8], [sflag:$0x5], $0x4000, $0x38;
	[tilespmem:$0xCF70] =	vst v63  }
0x18c: {  	_ =	swait.ge [sflag:s13], $0x4000  }
0x18d: {  	[sflag:s13] =	ssyncset.done $0x0  }
0x18e: {  	[sflag:s13] =	ssyncadd.s32 $0xFFFFC000  }
0x18f: {  	v43 =	vld [tilespmem:$0x800]  }
0x190: {  	v44 =	vld [tilespmem:$0x810]  }
0x191: {  	v45 =	vld [tilespmem:$0x820]  }
0x192: {  	v46 =	vld [tilespmem:$0x830]  }
0x193: {  	v47 =	vld [tilespmem:$0x840]  }
0x194: {  	v48 =	vld [tilespmem:$0x850];
	v0 =	vadd.s32 $0xFFFFFFFF, v43  }
0x195: {  	v50 =	vld [tilespmem:$0x860];
	v49 =	vadd.s32 $0xFFFFFFFF, v44;
	[tilespmem:$0x800] =	vst v0  }
0x196: {  	v52 =	vld [tilespmem:$0x870];
	v51 =	vadd.s32 $0xFFFFFFFF, v45;
	[tilespmem:$0x810] =	vst v49  }
0x197: {  	v53 =	vadd.s32 $0xFFFFFFFF, v46;
	[tilespmem:$0x820] =	vst v51  }
0x198: {  	v54 =	vadd.s32 $0xFFFFFFFF, v47;
	[tilespmem:$0x830] =	vst v53  }
0x199: {  	v55 =	vadd.s32 $0xFFFFFFFF, v48;
	[tilespmem:$0x840] =	vst v54  }
0x19a: {  	v56 =	vadd.s32 $0xFFFFFFFF, v50;
	[tilespmem:$0x850] =	vst v55  }
0x19b: {  	v57 =	vadd.s32 $0xFFFFFFFF, v52;
	[tilespmem:$0x860] =	vst v56  }
0x19c: {  	[tilespmem:$0x870] =	vst v57  }
0x19d: {  	[tilespmem:s8], [sflag:$0x2] =	stream.indirect.gather [spmem:s1], $0x80, s19, s6, $0xb8;
	[tilespmem:$0xCF70] =	vst v63  }
0x19e: {  	_ =	swait.ge [sflag:s14], $0x4000  }
0x19f: {  	[sflag:s14] =	ssyncset.done $0x0  }
0x1a0: {  	s31 =	rddreg [dreg:$0x14];
	[sflag:s14] =	ssyncadd.s32 $0xFFFFC000  }
0x1a1: {  	[hbm4b:s31+s2] =	stream.linear.scatter [tilespmem:s9], [sflag:$0x6], $0x4000, $0x38;
	[tilespmem:$0xCF70] =	vst v63  }
0x1a2: {  	_ =	swait.ge [sflag:s15], $0x4000  }
0x1a3: {  	[sflag:s15] =	ssyncset.done $0x0  }
0x1a4: {  	[sflag:s15] =	ssyncadd.s32 $0xFFFFC000  }
0x1a5: {  	v58 =	vld [tilespmem:$0x880]  }
0x1a6: {  	v59 =	vld [tilespmem:$0x890]  }
0x1a7: {  	v60 =	vld [tilespmem:$0x8A0]  }
0x1a8: {  	v61 =	vld [tilespmem:$0x8B0]  }
0x1a9: {  	v62 =	vld [tilespmem:$0x8C0]  }
0x1aa: {  	v63 =	vld [tilespmem:$0x8D0];
	v0 =	vadd.s32 $0xFFFFFFFF, v58  }
0x1ab: {  	v7 =	vld [tilespmem:$0x8E0];
	v6 =	vadd.s32 $0xFFFFFFFF, v59;
	[tilespmem:$0x880] =	vst v0  }
0x1ac: {  	v9 =	vld [tilespmem:$0x8F0];
	v8 =	vadd.s32 $0xFFFFFFFF, v60;
	[tilespmem:$0x890] =	vst v6  }
0x1ad: {  	v10 =	vadd.s32 $0xFFFFFFFF, v61;
	[tilespmem:$0x8A0] =	vst v8  }
0x1ae: {  	v11 =	vadd.s32 $0xFFFFFFFF, v62;
	[tilespmem:$0x8B0] =	vst v10  }
0x1af: {  	v12 =	vadd.s32 $0xFFFFFFFF, v63;
	[tilespmem:$0x8C0] =	vst v11  }
0x1b0: {  	v13 =	vadd.s32 $0xFFFFFFFF, v7;
	[tilespmem:$0x8D0] =	vst v12  }
0x1b1: {  	v14 =	vadd.s32 $0xFFFFFFFF, v9;
	[tilespmem:$0x8E0] =	vst v13  }
0x1b2: {  	[tilespmem:$0x8F0] =	vst v14  }
0x1b3: {  	[tilespmem:s9], [sflag:$0x3] =	stream.indirect.gather [spmem:s1], $0x80, s20, s6, $0xb8;
	[tilespmem:$0xCF70] =	vst v63  }
0x1b4: {  	_ =	swait.ge [sflag:s10], $0x4000  }
0x1b5: {  	[sflag:s10] =	ssyncset.done $0x0  }
0x1b6: {  	s30 =	rddreg [dreg:$0x15];
	[sflag:s10] =	ssyncadd.s32 $0xFFFFC000  }
0x1b7: {  	[hbm4b:s30+s2] =	stream.linear.scatter [tilespmem:s7], [sflag:$0x4], $0x4000, $0x38;
	[tilespmem:$0xCF70] =	vst v63  }
0x1b8: {  	_ =	swait.ge [sflag:s11], $0x4000  }
0x1b9: {  	[sflag:s11] =	ssyncset.done $0x0  }
0x1ba: {  	[sflag:s11] =	ssyncadd.s32 $0xFFFFC000  }
0x1bb: {  	v15 =	vld [tilespmem:$0x900]  }
0x1bc: {  	v16 =	vld [tilespmem:$0x910]  }
0x1bd: {  	v17 =	vld [tilespmem:$0x920]  }
0x1be: {  	v18 =	vld [tilespmem:$0x930]  }
0x1bf: {  	v19 =	vld [tilespmem:$0x940]  }
0x1c0: {  	v20 =	vld [tilespmem:$0x950];
	v0 =	vadd.s32 $0xFFFFFFFF, v15  }
0x1c1: {  	v22 =	vld [tilespmem:$0x960];
	v21 =	vadd.s32 $0xFFFFFFFF, v16;
	[tilespmem:$0x900] =	vst v0  }
0x1c2: {  	v24 =	vld [tilespmem:$0x970];
	v23 =	vadd.s32 $0xFFFFFFFF, v17;
	[tilespmem:$0x910] =	vst v21  }
0x1c3: {  	v25 =	vadd.s32 $0xFFFFFFFF, v18;
	[tilespmem:$0x920] =	vst v23  }
0x1c4: {  	v26 =	vadd.s32 $0xFFFFFFFF, v19;
	[tilespmem:$0x930] =	vst v25  }
0x1c5: {  	v27 =	vadd.s32 $0xFFFFFFFF, v20;
	[tilespmem:$0x940] =	vst v26  }
0x1c6: {  	v28 =	vadd.s32 $0xFFFFFFFF, v22;
	[tilespmem:$0x950] =	vst v27  }
0x1c7: {  	v29 =	vadd.s32 $0xFFFFFFFF, v24;
	[tilespmem:$0x960] =	vst v28  }
0x1c8: {  	[tilespmem:$0x970] =	vst v29  }
0x1c9: {  	[tilespmem:s7], [sflag:$0x1] =	stream.indirect.gather [spmem:s1], $0x80, s21, s6, $0xb8;
	[tilespmem:$0xCF70] =	vst v63  }
0x1ca: {  	_ =	swait.ge [sflag:s12], $0x4000  }
0x1cb: {  	[sflag:s12] =	ssyncset.done $0x0  }
0x1cc: {  	s31 =	rddreg [dreg:$0x16];
	[sflag:s12] =	ssyncadd.s32 $0xFFFFC000  }
0x1cd: {  	[hbm4b:s31+s2] =	stream.linear.scatter [tilespmem:s8], [sflag:$0x5], $0x4000, $0x38;
	[tilespmem:$0xCF70] =	vst v63  }
0x1ce: {  	_ =	swait.ge [sflag:s13], $0x4000  }
0x1cf: {  	[sflag:s13] =	ssyncset.done $0x0  }
0x1d0: {  	[sflag:s13] =	ssyncadd.s32 $0xFFFFC000  }
0x1d1: {  	v30 =	vld [tilespmem:$0x980]  }
0x1d2: {  	v31 =	vld [tilespmem:$0x990]  }
0x1d3: {  	v32 =	vld [tilespmem:$0x9A0]  }
0x1d4: {  	v33 =	vld [tilespmem:$0x9B0]  }
0x1d5: {  	v34 =	vld [tilespmem:$0x9C0]  }
0x1d6: {  	v35 =	vld [tilespmem:$0x9D0];
	v0 =	vadd.s32 $0xFFFFFFFF, v30  }
0x1d7: {  	v37 =	vld [tilespmem:$0x9E0];
	v36 =	vadd.s32 $0xFFFFFFFF, v31;
	[tilespmem:$0x980] =	vst v0  }
0x1d8: {  	v39 =	vld [tilespmem:$0x9F0];
	v38 =	vadd.s32 $0xFFFFFFFF, v32;
	[tilespmem:$0x990] =	vst v36  }
0x1d9: {  	v40 =	vadd.s32 $0xFFFFFFFF, v33;
	[tilespmem:$0x9A0] =	vst v38  }
0x1da: {  	v41 =	vadd.s32 $0xFFFFFFFF, v34;
	[tilespmem:$0x9B0] =	vst v40  }
0x1db: {  	v42 =	vadd.s32 $0xFFFFFFFF, v35;
	[tilespmem:$0x9C0] =	vst v41  }
0x1dc: {  	v43 =	vadd.s32 $0xFFFFFFFF, v37;
	[tilespmem:$0x9D0] =	vst v42  }
0x1dd: {  	v44 =	vadd.s32 $0xFFFFFFFF, v39;
	[tilespmem:$0x9E0] =	vst v43  }
0x1de: {  	[tilespmem:$0x9F0] =	vst v44  }
0x1df: {  	[tilespmem:s8], [sflag:$0x2] =	stream.indirect.gather [spmem:s1], $0x80, s22, s6, $0xb8;
	[tilespmem:$0xCF70] =	vst v63  }
0x1e0: {  	_ =	swait.ge [sflag:s14], $0x4000  }
0x1e1: {  	[sflag:s14] =	ssyncset.done $0x0  }
0x1e2: {  	s30 =	rddreg [dreg:$0x17];
	[sflag:s14] =	ssyncadd.s32 $0xFFFFC000  }
0x1e3: {  	[hbm4b:s30+s2] =	stream.linear.scatter [tilespmem:s9], [sflag:$0x6], $0x4000, $0x38;
	[tilespmem:$0xCF70] =	vst v63  }
0x1e4: {  	_ =	swait.ge [sflag:s15], $0x4000  }
0x1e5: {  	[sflag:s15] =	ssyncset.done $0x0  }
0x1e6: {  	[sflag:s15] =	ssyncadd.s32 $0xFFFFC000  }
0x1e7: {  	v45 =	vld [tilespmem:$0xA00]  }
0x1e8: {  	v46 =	vld [tilespmem:$0xA10]  }
0x1e9: {  	v47 =	vld [tilespmem:$0xA20]  }
0x1ea: {  	v48 =	vld [tilespmem:$0xA30]  }
0x1eb: {  	v49 =	vld [tilespmem:$0xA40]  }
0x1ec: {  	v50 =	vld [tilespmem:$0xA50];
	v0 =	vadd.s32 $0xFFFFFFFF, v45  }
0x1ed: {  	v52 =	vld [tilespmem:$0xA60];
	v51 =	vadd.s32 $0xFFFFFFFF, v46;
	[tilespmem:$0xA00] =	vst v0  }
0x1ee: {  	v54 =	vld [tilespmem:$0xA70];
	v53 =	vadd.s32 $0xFFFFFFFF, v47;
	[tilespmem:$0xA10] =	vst v51  }
0x1ef: {  	v55 =	vadd.s32 $0xFFFFFFFF, v48;
	[tilespmem:$0xA20] =	vst v53  }
0x1f0: {  	v56 =	vadd.s32 $0xFFFFFFFF, v49;
	[tilespmem:$0xA30] =	vst v55  }
0x1f1: {  	v57 =	vadd.s32 $0xFFFFFFFF, v50;
	[tilespmem:$0xA40] =	vst v56  }
0x1f2: {  	v58 =	vadd.s32 $0xFFFFFFFF, v52;
	[tilespmem:$0xA50] =	vst v57  }
0x1f3: {  	v59 =	vadd.s32 $0xFFFFFFFF, v54;
	[tilespmem:$0xA60] =	vst v58  }
0x1f4: {  	[tilespmem:$0xA70] =	vst v59  }
0x1f5: {  	[tilespmem:s9], [sflag:$0x3] =	stream.indirect.gather [spmem:s1], $0x80, s23, s6, $0xb8;
	[tilespmem:$0xCF70] =	vst v63  }
0x1f6: {  	_ =	swait.ge [sflag:s10], $0x4000  }
0x1f7: {  	[sflag:s10] =	ssyncset.done $0x0  }
0x1f8: {  	s31 =	rddreg [dreg:$0x18];
	[sflag:s10] =	ssyncadd.s32 $0xFFFFC000  }
0x1f9: {  	[hbm4b:s31+s2] =	stream.linear.scatter [tilespmem:s7], [sflag:$0x4], $0x4000, $0x38;
	[tilespmem:$0xCF70] =	vst v63  }
0x1fa: {  	_ =	swait.ge [sflag:s11], $0x4000  }
0x1fb: {  	[sflag:s11] =	ssyncset.done $0x0  }
0x1fc: {  	[sflag:s11] =	ssyncadd.s32 $0xFFFFC000  }
0x1fd: {  	v60 =	vld [tilespmem:$0xA80]  }
0x1fe: {  	v61 =	vld [tilespmem:$0xA90]  }
0x1ff: {  	v62 =	vld [tilespmem:$0xAA0]  }
0x200: {  	v63 =	vld [tilespmem:$0xAB0]  }
0x201: {  	v8 =	vld [tilespmem:$0xAC0]  }
0x202: {  	v9 =	vld [tilespmem:$0xAD0];
	v0 =	vadd.s32 $0xFFFFFFFF, v60  }
0x203: {  	v11 =	vld [tilespmem:$0xAE0];
	v10 =	vadd.s32 $0xFFFFFFFF, v61;
	[tilespmem:$0xA80] =	vst v0  }
0x204: {  	v13 =	vld [tilespmem:$0xAF0];
	v12 =	vadd.s32 $0xFFFFFFFF, v62;
	[tilespmem:$0xA90] =	vst v10  }
0x205: {  	v14 =	vadd.s32 $0xFFFFFFFF, v63;
	[tilespmem:$0xAA0] =	vst v12  }
0x206: {  	v15 =	vadd.s32 $0xFFFFFFFF, v8;
	[tilespmem:$0xAB0] =	vst v14  }
0x207: {  	v16 =	vadd.s32 $0xFFFFFFFF, v9;
	[tilespmem:$0xAC0] =	vst v15  }
0x208: {  	v17 =	vadd.s32 $0xFFFFFFFF, v11;
	[tilespmem:$0xAD0] =	vst v16  }
0x209: {  	v18 =	vadd.s32 $0xFFFFFFFF, v13;
	[tilespmem:$0xAE0] =	vst v17  }
0x20a: {  	[tilespmem:$0xAF0] =	vst v18  }
0x20b: {  	[tilespmem:s7], [sflag:$0x1] =	stream.indirect.gather [spmem:s1], $0x80, s24, s6, $0xb8;
	[tilespmem:$0xCF70] =	vst v63  }
0x20c: {  	_ =	swait.ge [sflag:s12], $0x4000  }
0x20d: {  	[sflag:s12] =	ssyncset.done $0x0  }
0x20e: {  	s30 =	rddreg [dreg:$0x19];
	[sflag:s12] =	ssyncadd.s32 $0xFFFFC000  }
0x20f: {  	[hbm4b:s30+s2] =	stream.linear.scatter [tilespmem:s8], [sflag:$0x5], $0x4000, $0x38;
	[tilespmem:$0xCF70] =	vst v63  }
0x210: {  	_ =	swait.ge [sflag:s13], $0x4000  }
0x211: {  	[sflag:s13] =	ssyncset.done $0x0  }
0x212: {  	[sflag:s13] =	ssyncadd.s32 $0xFFFFC000  }
0x213: {  	v19 =	vld [tilespmem:$0xB00]  }
0x214: {  	v20 =	vld [tilespmem:$0xB10]  }
0x215: {  	v21 =	vld [tilespmem:$0xB20]  }
0x216: {  	v22 =	vld [tilespmem:$0xB30]  }
0x217: {  	v23 =	vld [tilespmem:$0xB40]  }
0x218: {  	v24 =	vld [tilespmem:$0xB50];
	v0 =	vadd.s32 $0xFFFFFFFF, v19  }
0x219: {  	v26 =	vld [tilespmem:$0xB60];
	v25 =	vadd.s32 $0xFFFFFFFF, v20;
	[tilespmem:$0xB00] =	vst v0  }
0x21a: {  	v28 =	vld [tilespmem:$0xB70];
	v27 =	vadd.s32 $0xFFFFFFFF, v21;
	[tilespmem:$0xB10] =	vst v25  }
0x21b: {  	v29 =	vadd.s32 $0xFFFFFFFF, v22;
	[tilespmem:$0xB20] =	vst v27  }
0x21c: {  	v30 =	vadd.s32 $0xFFFFFFFF, v23;
	[tilespmem:$0xB30] =	vst v29  }
0x21d: {  	v31 =	vadd.s32 $0xFFFFFFFF, v24;
	[tilespmem:$0xB40] =	vst v30  }
0x21e: {  	v32 =	vadd.s32 $0xFFFFFFFF, v26;
	[tilespmem:$0xB50] =	vst v31  }
0x21f: {  	v33 =	vadd.s32 $0xFFFFFFFF, v28;
	[tilespmem:$0xB60] =	vst v32  }
0x220: {  	[tilespmem:$0xB70] =	vst v33  }
0x221: {  	[tilespmem:s8], [sflag:$0x2] =	stream.indirect.gather [spmem:s1], $0x80, s25, s6, $0xb8;
	[tilespmem:$0xCF70] =	vst v63  }
0x222: {  	_ =	swait.ge [sflag:s14], $0x4000  }
0x223: {  	[sflag:s14] =	ssyncset.done $0x0  }
0x224: {  	s31 =	rddreg [dreg:$0x1a];
	[sflag:s14] =	ssyncadd.s32 $0xFFFFC000  }
0x225: {  	[hbm4b:s31+s2] =	stream.linear.scatter [tilespmem:s9], [sflag:$0x6], $0x4000, $0x38;
	[tilespmem:$0xCF70] =	vst v63  }
0x226: {  	_ =	swait.ge [sflag:s15], $0x4000  }
0x227: {  	[sflag:s15] =	ssyncset.done $0x0  }
0x228: {  	[sflag:s15] =	ssyncadd.s32 $0xFFFFC000  }
0x229: {  	v34 =	vld [tilespmem:$0xB80]  }
0x22a: {  	v35 =	vld [tilespmem:$0xB90]  }
0x22b: {  	v36 =	vld [tilespmem:$0xBA0]  }
0x22c: {  	v37 =	vld [tilespmem:$0xBB0]  }
0x22d: {  	v38 =	vld [tilespmem:$0xBC0]  }
0x22e: {  	v39 =	vld [tilespmem:$0xBD0];
	v0 =	vadd.s32 $0xFFFFFFFF, v34  }
0x22f: {  	v41 =	vld [tilespmem:$0xBE0];
	v40 =	vadd.s32 $0xFFFFFFFF, v35;
	[tilespmem:$0xB80] =	vst v0  }
0x230: {  	v43 =	vld [tilespmem:$0xBF0];
	v42 =	vadd.s32 $0xFFFFFFFF, v36;
	[tilespmem:$0xB90] =	vst v40  }
0x231: {  	v44 =	vadd.s32 $0xFFFFFFFF, v37;
	[tilespmem:$0xBA0] =	vst v42  }
0x232: {  	v45 =	vadd.s32 $0xFFFFFFFF, v38;
	[tilespmem:$0xBB0] =	vst v44  }
0x233: {  	v46 =	vadd.s32 $0xFFFFFFFF, v39;
	[tilespmem:$0xBC0] =	vst v45  }
0x234: {  	v47 =	vadd.s32 $0xFFFFFFFF, v41;
	[tilespmem:$0xBD0] =	vst v46  }
0x235: {  	v48 =	vadd.s32 $0xFFFFFFFF, v43;
	[tilespmem:$0xBE0] =	vst v47  }
0x236: {  	[tilespmem:$0xBF0] =	vst v48  }
0x237: {  	[tilespmem:s9], [sflag:$0x3] =	stream.indirect.gather [spmem:s1], $0x80, s26, s6, $0xb8;
	[tilespmem:$0xCF70] =	vst v63  }
0x238: {  	_ =	swait.ge [sflag:s10], $0x4000  }
0x239: {  	[sflag:s10] =	ssyncset.done $0x0  }
0x23a: {  	s30 =	rddreg [dreg:$0x1b];
	[sflag:s10] =	ssyncadd.s32 $0xFFFFC000  }
0x23b: {  	[hbm4b:s30+s2] =	stream.linear.scatter [tilespmem:s7], [sflag:$0x4], $0x4000, $0x38;
	[tilespmem:$0xCF70] =	vst v63  }
0x23c: {  	_ =	swait.ge [sflag:s11], $0x4000  }
0x23d: {  	[sflag:s11] =	ssyncset.done $0x0  }
0x23e: {  	[sflag:s11] =	ssyncadd.s32 $0xFFFFC000  }
0x23f: {  	v49 =	vld [tilespmem:$0xC00]  }
0x240: {  	v50 =	vld [tilespmem:$0xC10]  }
0x241: {  	v51 =	vld [tilespmem:$0xC20]  }
0x242: {  	v52 =	vld [tilespmem:$0xC30]  }
0x243: {  	v53 =	vld [tilespmem:$0xC40]  }
0x244: {  	v54 =	vld [tilespmem:$0xC50];
	v0 =	vadd.s32 $0xFFFFFFFF, v49  }
0x245: {  	v56 =	vld [tilespmem:$0xC60];
	v55 =	vadd.s32 $0xFFFFFFFF, v50;
	[tilespmem:$0xC00] =	vst v0  }
0x246: {  	v58 =	vld [tilespmem:$0xC70];
	v57 =	vadd.s32 $0xFFFFFFFF, v51;
	[tilespmem:$0xC10] =	vst v55  }
0x247: {  	v59 =	vadd.s32 $0xFFFFFFFF, v52;
	[tilespmem:$0xC20] =	vst v57  }
0x248: {  	v60 =	vadd.s32 $0xFFFFFFFF, v53;
	[tilespmem:$0xC30] =	vst v59  }
0x249: {  	v61 =	vadd.s32 $0xFFFFFFFF, v54;
	[tilespmem:$0xC40] =	vst v60  }
0x24a: {  	v62 =	vadd.s32 $0xFFFFFFFF, v56;
	[tilespmem:$0xC50] =	vst v61  }
0x24b: {  	v63 =	vadd.s32 $0xFFFFFFFF, v58;
	[tilespmem:$0xC60] =	vst v62  }
0x24c: {  	[tilespmem:$0xC70] =	vst v63  }
0x24d: {  	[tilespmem:s7], [sflag:$0x1] =	stream.indirect.gather [spmem:s1], $0x80, s28, s6, $0xb8;
	[tilespmem:$0xCF70] =	vst v63  }
0x24e: {  	_ =	swait.ge [sflag:s12], $0x4000  }
0x24f: {  	[sflag:s12] =	ssyncset.done $0x0  }
0x250: {  	s31 =	rddreg [dreg:$0x1c];
	[sflag:s12] =	ssyncadd.s32 $0xFFFFC000  }
0x251: {  	[hbm4b:s31+s2] =	stream.linear.scatter [tilespmem:s8], [sflag:$0x5], $0x4000, $0x38;
	[tilespmem:$0xCF70] =	vst v63  }
0x252: {  	_ =	swait.ge [sflag:s14], $0x4000  }
0x253: {  	[sflag:s14] =	ssyncset.done $0x0  }
0x254: {  	s30 =	rddreg [dreg:$0x1d];
	[sflag:s14] =	ssyncadd.s32 $0xFFFFC000  }
0x255: {  	[hbm4b:s30+s2] =	stream.linear.scatter [tilespmem:s9], [sflag:$0x6], $0x4000, $0x38;
	[tilespmem:$0xCF70] =	vst v63  }
0x256: {  	_ =	swait.ge [sflag:s10], $0x4000  }
0x257: {  	[sflag:s10] =	ssyncset.done $0x0  }
0x258: {  	s31 =	rddreg [dreg:$0x1e];
	[sflag:s10] =	ssyncadd.s32 $0xFFFFC000  }
0x259: {  	[hbm4b:s31+s2] =	stream.linear.scatter [tilespmem:s7], [sflag:$0x4], $0x4000, $0x38;
	[tilespmem:$0xCF70] =	vst v63  }
0x25a: {  	_ =	swait.ge [sflag:s11], $0x4000  }
0x25b: {  	[sflag:s11] =	ssyncset.done $0x0  }
0x25c: {  	s4 =	sadd.s32 $0xFFFFFFFF, s4;
	[sflag:s11] =	ssyncadd.s32 $0xFFFFC000  }
0x25d: {  	p1 =	sne.s32 s4, $0x0;
	_ =	swait.ge [sflag:s13], $0x4000  }
.Ltmp0:
0x25e: {  	[sflag:s13] =	ssyncset.done $0x0;
	(pc) =	sbr.rel @p1 .LBB2_1-.Ltmp0, $4  }
0x25f: {  	[sflag:s13] =	ssyncadd.s32 $0xFFFFC000  }
0x260: {  	_ =	swait.ge [sflag:s15], $0x4000  }
0x261: {  	[sflag:s15] =	ssyncset.done $0x0  }
0x262: {  	[sflag:s15] =	ssyncadd.s32 $0xFFFFC000  }
0x263: {  	_ =	sfence.sel $0x180000  }
0x264: {  	[bflag:$0x0] =	sbarrier.arrive $0xFFFF  }
0x265: {  	_ =	strace $0x90000047  }
0x266: {  	s0 =	sadd.s32 @!p0 $0x100000, s0;
	[bflag:$0x2] =	sbarrier.arrive $0xFFFF  }
0x267: {  	[sflag:s0] =	ssyncadd.tile.s32 @!p0 $0x1;
	_ =	shalt  }
.Lfunc_end2:
_tile_overlayer_lowered:
.L_overlay_start_2:
0x268: {  	(tag) =	ssettag $0x2  }
0x269: {  	s0 =	rddreg [dreg:$0x0];
	s2 =	stileid.u32  }
0x26a: {  	s1 =	rddreg [dreg:$0x1];
	p0 =	sne.s32 s2, $0x0  }
0x26b: {  	s3 =	rddreg [dreg:$0x2];
	[bflag:$0x3] =	sbarrier.arrive $0xFFFF;
	s2 =	simm.s32 @!p0 $0x1C07  }
0x26c: {  	[timem:s3], [sflag:s2] =	dma.local @!p0 [hbm:s0], s1  }
0x26d: {  	s0 =	simm.s32 @!p0 $0x7  }
0x26e: {  	_ =	swait.ge @!p0 [sflag:s0], s1  }
0x26f: {  	s1 =	ssub.s32 @!p0 $0x0, s1;
	[sflag:s0] =	ssyncset.done @!p0 $0x0  }
0x270: {  	[sflag:s0] =	ssyncadd.s32 @!p0 s1  }
0x271: {  	[bflag:$0x3] =	sbarrier.arrive $0xFFFF  }
0x272: {  	_ =	shalt  }

</sc_bundles>
